<compile_context>
chip_gen: v7x
topology: tpu7x:2x2x1
jax: 0.10.2.dev20260603
libtpu: 0.0.44.dev20260713+nightly
codegen_flags: <defaults>
</compile_context>

<pallas_src>
import functools

import jax
import jax.numpy as jnp
from jax import lax
from jax.experimental import pallas as pl
from jax.experimental.pallas import tpu as pltpu
from jax.experimental.pallas import tpu_sc as plsc

N = 10000
E = 320000
D = 128
H = 256
QD = 128

NSUB = 16
NCORE = 2
BE = 128
EPAD = 327680
EPS = EPAD // NSUB
NBATCH = EPS // BE
NP = 10112
RPT = 624
ZPT = NP // NSUB

BLK = 2000




KSUB = 2
SUPER = 8
EB = EPAD // BE


@functools.cache
def _make_sc_agg(col_split):
    F = 128
    mesh = plsc.VectorSubcoreMesh(core_axis_name="c", subcore_axis_name="s",
                                  num_cores=NCORE, num_subcores=NSUB)

    def body(src_hbm, dst_hbm, h_hbm, zf_hbm, sum_out,
             src_v, dst_v, rows_v, acc, gsem, gsem2, ssem, ssem2):
        c = lax.axis_index("c")
        s = lax.axis_index("s")

        zbase = s * ZPT
        pltpu.sync_copy(zf_hbm, acc.at[pl.ds(zbase, ZPT)])
        plsc.subcore_barrier()

        if col_split:
            rbase0 = s * (EPS // BE)
            nsuper = (EPS // BE) // SUPER
        else:
            wid = s * NCORE + c
            rbase0 = wid * (EPAD // (NSUB * NCORE) // BE)
            nsuper = EPAD // (NSUB * NCORE) // BE // SUPER

        def sup(i, carry):
            ibase = rbase0 + i * SUPER
            eoff = ibase * BE
            if col_split:
                pltpu.sync_copy(src_hbm.at[c, 0, pl.ds(eoff, SUPER * BE)],
                                src_v)
            else:
                pltpu.sync_copy(src_hbm.at[pl.ds(eoff, SUPER * BE)], src_v)
            pltpu.sync_copy(dst_hbm.at[pl.ds(ibase, SUPER)], dst_v)
            gsems = (gsem, gsem2)
            ssems = (ssem, ssem2)
            gh = [None] * SUPER
            sh = [None] * SUPER
            gh[0] = pltpu.async_copy(
                h_hbm.at[src_v.at[pl.ds(0, BE)]],
                rows_v.at[pl.ds(0, BE)], gsems[0])
            for k in range(SUPER):
                r = k % 2
                gh[k].wait()
                sh[k] = pltpu.async_copy(
                    rows_v.at[pl.ds(r * BE, BE)],
                    acc.at[dst_v.at[k]], ssems[r], add=True)
                if k + 1 < SUPER:
                    r2 = (k + 1) % 2
                    if k >= 1:
                        sh[k - 1].wait()
                    gh[k + 1] = pltpu.async_copy(
                        h_hbm.at[src_v.at[pl.ds((k + 1) * BE, BE)]],
                        rows_v.at[pl.ds(r2 * BE, BE)], gsems[r2])
            sh[SUPER - 2].wait()
            sh[SUPER - 1].wait()
            return carry
        lax.fori_loop(0, nsuper, sup, 0)
        plsc.subcore_barrier()

        pltpu.sync_copy(acc.at[pl.ds(zbase, ZPT)],
                        sum_out.at[c, pl.ds(zbase, ZPT)])

    return pl.kernel(
        body,
        out_type=jax.ShapeDtypeStruct((NCORE, NP, F), jnp.float32),
        mesh=mesh,
        scratch_types=[
            pltpu.VMEM((SUPER * BE,), jnp.int32),
            pltpu.VMEM((SUPER, BE), jnp.int32),
            pltpu.VMEM((2 * BE, F), jnp.float32),
            pltpu.VMEM_SHARED((NP, F), jnp.float32),
            pltpu.SemaphoreType.DMA,
            pltpu.SemaphoreType.DMA,
            pltpu.SemaphoreType.DMA,
            pltpu.SemaphoreType.DMA,
        ])


@functools.cache
def _make_sc_cnt():
    mesh = plsc.VectorSubcoreMesh(core_axis_name="c", subcore_axis_name="s",
                                  num_cores=NCORE, num_subcores=NSUB)

    def body(dst_hbm, zf_hbm, ones_hbm, cnt_out, dst_v, ones_v, acc, sem):
        c = lax.axis_index("c")
        s = lax.axis_index("s")
        zbase = s * ZPT
        pltpu.sync_copy(zf_hbm, acc.at[pl.ds(zbase, ZPT)])
        pltpu.sync_copy(ones_hbm, ones_v)
        plsc.subcore_barrier()

        wid = s * NCORE + c
        ebase = wid * (EPAD // (NSUB * NCORE))
        nbatch = EPAD // (NSUB * NCORE) // BE

        def batch(i, carry):
            eoff = ebase + i * BE
            pltpu.sync_copy(dst_hbm.at[pl.ds(eoff, BE)], dst_v)
            pltpu.sync_copy(ones_v, acc.at[dst_v], add=True)
            return carry
        lax.fori_loop(0, nbatch, batch, 0)
        plsc.subcore_barrier()

        pltpu.sync_copy(acc.at[pl.ds(zbase, ZPT)],
                        cnt_out.at[c, pl.ds(zbase, ZPT)])

    return pl.kernel(
        body,
        out_type=jax.ShapeDtypeStruct((NCORE, NP, 128), jnp.float32),
        mesh=mesh,
        scratch_types=[
            pltpu.VMEM((BE,), jnp.int32),
            pltpu.VMEM((BE, 128), jnp.float32),
            pltpu.VMEM_SHARED((NP, 128), jnp.float32),
            pltpu.SemaphoreType.DMA,
        ])


def _l1_body(x_r, s1_r, cnt_r, q_r, W_r, b_r, h1_r, rc_r):
    cnt = cnt_r[0, :, 0:1] + cnt_r[1, :, 0:1] + 1.0
    rc = 1.0 / cnt
    x = x_r[...]
    agg = (s1_r[0] + s1_r[1] + x) * rc
    W = W_r[...]
    acc = jnp.dot(x, W[0:128], preferred_element_type=jnp.float32)
    acc = acc + jnp.dot(agg, W[128:256], preferred_element_type=jnp.float32)
    qc = jnp.dot(q_r[...], W[256:384], preferred_element_type=jnp.float32)
    h = jnp.maximum(acc + qc + b_r[...], 0.0)
    h1_r[0] = h[:, :128]
    h1_r[1] = h[:, 128:]
    rc_r[...] = rc


def _tc_layer1(x, s1, cntT, q2, W1, b1):
    return pl.pallas_call(
        _l1_body,
        grid=(N // BLK,),
        in_specs=[
            pl.BlockSpec((BLK, D), lambda i: (i, 0)),
            pl.BlockSpec((2, BLK, 128), lambda i: (0, i, 0)),
            pl.BlockSpec((2, BLK, 128), lambda i: (0, i, 0)),
            pl.BlockSpec((1, QD), lambda i: (0, 0)),
            pl.BlockSpec((2 * D + QD, H), lambda i: (0, 0)),
            pl.BlockSpec((1, H), lambda i: (0, 0)),
        ],
        out_specs=[
            pl.BlockSpec((2, BLK, H // 2), lambda i: (0, i, 0)),
            pl.BlockSpec((BLK, 1), lambda i: (i, 0)),
        ],
        out_shape=[
            jax.ShapeDtypeStruct((2, N, H // 2), jnp.float32),
            jax.ShapeDtypeStruct((N, 1), jnp.float32),
        ],
    )(x, s1, cntT, q2, W1, b1)


def _l2_body(h1_r, s2_r, rc_r, q_r, W2_r, b2_r, Ws1_r, bs1_r, Ws2_r, bs2_r,
             out_r):
    rc = rc_r[...]
    h1a = h1_r[0]
    h1b = h1_r[1]
    aggA = (s2_r[0] + h1a) * rc
    aggB = (s2_r[1] + h1b) * rc
    W2 = W2_r[...]
    acc = jnp.dot(h1a, W2[0:128], preferred_element_type=jnp.float32)
    acc = acc + jnp.dot(h1b, W2[128:256], preferred_element_type=jnp.float32)
    acc = acc + jnp.dot(aggA, W2[256:384], preferred_element_type=jnp.float32)
    acc = acc + jnp.dot(aggB, W2[384:512], preferred_element_type=jnp.float32)
    qc = jnp.dot(q_r[...], W2[512:640], preferred_element_type=jnp.float32)
    h2 = jnp.maximum(acc + qc + b2_r[...], 0.0)
    Ws1 = Ws1_r[...]
    sacc = jnp.dot(h2, Ws1[0:256], preferred_element_type=jnp.float32)
    sq = jnp.dot(q_r[...], Ws1[256:384], preferred_element_type=jnp.float32)
    sv = jnp.maximum(sacc + sq + bs1_r[...], 0.0)
    out_r[...] = (jnp.dot(sv, Ws2_r[...], preferred_element_type=jnp.float32)
                  + bs2_r[...])


def _tc_layer2(h1, s2, rc, q2, W2, b2, Ws1, bs1, Ws2, bs2):
    return pl.pallas_call(
        _l2_body,
        grid=(N // BLK,),
        in_specs=[
            pl.BlockSpec((2, BLK, H // 2), lambda i: (0, i, 0)),
            pl.BlockSpec((2, BLK, H // 2), lambda i: (0, i, 0)),
            pl.BlockSpec((BLK, 1), lambda i: (i, 0)),
            pl.BlockSpec((1, QD), lambda i: (0, 0)),
            pl.BlockSpec((2 * H + QD, H), lambda i: (0, 0)),
            pl.BlockSpec((1, H), lambda i: (0, 0)),
            pl.BlockSpec((H + QD, 128), lambda i: (0, 0)),
            pl.BlockSpec((1, 128), lambda i: (0, 0)),
            pl.BlockSpec((128, 1), lambda i: (0, 0)),
            pl.BlockSpec((1, 1), lambda i: (0, 0)),
        ],
        out_specs=pl.BlockSpec((BLK, 1), lambda i: (i, 0)),
        out_shape=jax.ShapeDtypeStruct((N, 1), jnp.float32),
    )(h1, s2, rc, q2, W2, b2, Ws1, bs1, Ws2, bs2)


def kernel(x, edge_index, q, W1, b1, W2, b2, Ws1, bs1, Ws2, bs2):
    src = edge_index[0].astype(jnp.int32)
    dst = edge_index[1].astype(jnp.int32)
    pad = EPAD - E
    srcp = jnp.concatenate([src, jnp.zeros((pad,), jnp.int32)])
    dstp = jnp.concatenate([dst, jnp.full((pad,), N, jnp.int32)])
    src_both = jnp.stack([srcp, srcp + N]).reshape(2, 1, EPAD)
    zf = jnp.zeros((ZPT, 128), jnp.float32)
    ones = jnp.ones((BE, 128), jnp.float32)

    dst2d = dstp.reshape(EB, BE)
    s1 = _make_sc_agg(False)(srcp, dst2d, x, zf)
    if isinstance(s1, (list, tuple)):
        s1 = s1[0]
    s1 = s1[:, :N]
    cnt = _make_sc_cnt()(dstp, zf, ones)
    if isinstance(cnt, (list, tuple)):
        cnt = cnt[0]
    cnt = cnt[:, :N]

    q2 = q.reshape(1, QD)
    h1, rc = _tc_layer1(x, s1, cnt, q2, W1, b1.reshape(1, H))

    h1f = h1.reshape(2 * N, H // 2)
    s2 = _make_sc_agg(True)(src_both, dst2d, h1f, zf)
    if isinstance(s2, (list, tuple)):
        s2 = s2[0]
    s2 = s2[:, :N]

    logits = _tc_layer2(h1, s2, rc, q2, W2, b2.reshape(1, H),
                        Ws1, bs1.reshape(1, 128), Ws2, bs2.reshape(1, 1))
    return logits[:, 0]

# --- scband reference (transcript-rebuilt; emitter-appended) ---
"""Pipeline reference for scband-query-gnn-30812095381570 (READ-ONLY COPY).

The authoritative reference and input builder live on the scoring server;
editing this copy changes nothing except your own understanding.
"""

import jax, jax.numpy as jnp
import numpy as np

N = 10000
E = 320000
D = 128   # in_dim
H = 256   # hidden_dim
Q = 128   # query_dim


def setup_inputs(seed: int = 0) -> dict:
    key = jax.random.key(seed)
    ks = jax.random.split(key, 12)
    x = jax.random.normal(ks[0], (N, D), dtype=jnp.float32)
    edge_index = jax.random.randint(ks[1], (2, E), 0, N)
    q = jax.random.normal(ks[2], (Q,), dtype=jnp.float32)
    # layer 1: Linear(2*D + Q -> H)
    f1 = 2 * D + Q
    W1 = jax.random.normal(ks[3], (f1, H), dtype=jnp.float32) / np.sqrt(f1)
    b1 = jnp.zeros((H,), dtype=jnp.float32)
    # layer 2: Linear(2*H + Q -> H)
    f2 = 2 * H + Q
    W2 = jax.random.normal(ks[4], (f2, H), dtype=jnp.float32) / np.sqrt(f2)
    b2 = jnp.zeros((H,), dtype=jnp.float32)
    # score head: Linear(H + Q -> 128) -> ReLU -> Linear(128 -> 1)
    f3 = H + Q
    Ws1 = jax.random.normal(ks[5], (f3, 128), dtype=jnp.float32) / np.sqrt(f3)
    bs1 = jnp.zeros((128,), dtype=jnp.float32)
    Ws2 = jax.random.normal(ks[6], (128, 1), dtype=jnp.float32) / np.sqrt(128)
    bs2 = jnp.zeros((1,), dtype=jnp.float32)
    return {"x": x, "edge_index": edge_index, "q": q,
            "W1": W1, "b1": b1, "W2": W2, "b2": b2,
            "Ws1": Ws1, "bs1": bs1, "Ws2": Ws2, "bs2": bs2}


def _mean_aggregate(h, src, dst, n_nodes):
    # PyG MessagePassing with aggr='mean': gather source features, scatter-mean to dst
    msgs = jnp.take(h, src, axis=0)
    summed = jax.ops.segment_sum(msgs, dst, num_segments=n_nodes)
    cnt = jax.ops.segment_sum(jnp.ones((src.shape[0],), dtype=h.dtype), dst, num_segments=n_nodes)
    return summed / jnp.maximum(cnt, 1.0)[:, None]


def _layer(h, src, dst, q, W, b, n_nodes):
    agg = _mean_aggregate(h, src, dst, n_nodes)
    q_expand = jnp.broadcast_to(q[None, :], (n_nodes, q.shape[0]))
    cat = jnp.concatenate([h, agg, q_expand], axis=-1)
    out = cat @ W + b
    return jax.nn.relu(out)  # dropout p=0.0 / eval mode -> identity


def reference(x, edge_index, q, W1, b1, W2, b2, Ws1, bs1, Ws2, bs2):
    n = x.shape[0]
    # add_self_loops
    loop = jnp.arange(n, dtype=edge_index.dtype)
    src = jnp.concatenate([edge_index[0], loop])
    dst = jnp.concatenate([edge_index[1], loop])
    h = _layer(x, src, dst, q, W1, b1, n)
    h = _layer(h, src, dst, q, W2, b2, n)
    q_expand = jnp.broadcast_to(q[None, :], (n, q.shape[0]))
    s = jnp.concatenate([h, q_expand], axis=-1)
    s = jax.nn.relu(s @ Ws1 + bs1)
    logits = (s @ Ws2 + bs2).squeeze(-1)
    return logits

if __name__ == "__main__":
    import jax
    _d = setup_inputs()
    print(jax.jit(kernel)(*tuple(_d.values())))

</pallas_src>

<mosaic_0001>
#map = affine_map<(d0, d1) -> (0)>
#map1 = affine_map<(d0, d1) -> (0, 0)>
#map2 = affine_map<(d0, d1) -> (0, 0, 0)>
module attributes {stable_mosaic.version = 14 : i64} {
  func.func @body(%arg0: i32, %arg1: i32, %arg2: memref<327680xi32, #tpu.memory_space<hbm>>, %arg3: memref<2560x128xi32, #tpu.memory_space<hbm>>, %arg4: memref<10000x128xf32, #tpu.memory_space<hbm>>, %arg5: memref<632x128xf32, #tpu.memory_space<hbm>>, %arg6: memref<2x10112x128xf32, #tpu.memory_space<hbm>>, %arg7: memref<1024xi32, #tpu.memory_space<vmem>>, %arg8: memref<8x128xi32, #tpu.memory_space<vmem>>, %arg9: memref<256x128xf32, #tpu.memory_space<vmem>>, %arg10: memref<10112x128xf32, #tpu.memory_space<vmem_shared>>, %arg11: memref<!tpu.dma_semaphore, #tpu.memory_space<semaphore_mem>>, %arg12: memref<!tpu.dma_semaphore, #tpu.memory_space<semaphore_mem>>, %arg13: memref<!tpu.dma_semaphore, #tpu.memory_space<semaphore_mem>>, %arg14: memref<!tpu.dma_semaphore, #tpu.memory_space<semaphore_mem>>) attributes {dimension_semantics = [#tpu.dimension_semantics<core_parallel>, #tpu.dimension_semantics<subcore_parallel>], iteration_bounds = array<i64: 2, 16>, scalar_prefetch = 0 : i64, scratch_operands = 8 : i64, tpu.core_type = #tpu.core_type<sc_vector_subcore>, window_params = [{transform_indices = #map}, {transform_indices = #map1}, {transform_indices = #map1}, {transform_indices = #map1}, {transform_indices = #map2}]} {
    %mul3A = arith.constant 632 : i32
    %mul3A_0 = arith.muli %arg1, %mul3A : i32
    "tpu.region"() ({
      %run_scoped3A = tpu.sem_alloc : memref<!tpu.dma_semaphore, #tpu.memory_space<semaphore_mem>>
      %dma_start3A = arith.constant 0 : i32
      %dma_start3A_11 = tpu.memref_slice %arg10[%mul3A_0, %dma_start3A] : memref<10112x128xf32, #tpu.memory_space<vmem_shared>> -> memref<632x128xf32, #tpu.memory_space<vmem_shared>>
      tpu.enqueue_dma source(%arg5 : memref<632x128xf32, #tpu.memory_space<hbm>>) target(%dma_start3A_11 : memref<632x128xf32, #tpu.memory_space<vmem_shared>>) target_semaphore(%run_scoped3A : memref<!tpu.dma_semaphore, #tpu.memory_space<semaphore_mem>>)
      %dma_wait3A = arith.constant 0 : i32
      %dma_wait3A_12 = tpu.memref_slice %arg10[%mul3A_0, %dma_wait3A] : memref<10112x128xf32, #tpu.memory_space<vmem_shared>> -> memref<632x128xf32, #tpu.memory_space<vmem_shared>>
      tpu.wait_dma2 semaphore(%run_scoped3A : memref<!tpu.dma_semaphore, #tpu.memory_space<semaphore_mem>>) src(%arg5 : memref<632x128xf32, #tpu.memory_space<hbm>>) dst(%dma_wait3A_12 : memref<632x128xf32, #tpu.memory_space<vmem_shared>>)
      tpu.yield
    }) : () -> ()
    %barrier3A = arith.constant 0 : index
    tpu.barrier barrier_id(%barrier3A)
    %mul3A_1 = arith.constant 2 : i32
    %mul3A_2 = arith.muli %arg1, %mul3A_1 : i32
    %add3A = arith.addi %mul3A_2, %arg0 : i32
    %mul3A_3 = arith.constant 80 : i32
    %mul3A_4 = arith.muli %add3A, %mul3A_3 : i32
    %scan3A = arith.constant 0 : i32
    %scan3A_5 = arith.constant 0 : i32
    %scan3A_6 = arith.constant 10 : i32
    %scan3A_7 = arith.addi %scan3A_5, %scan3A_6 : i32
    %scan3A_8 = arith.constant 1 : i32
    scf.for %scan3A_11 = %scan3A_5 to %scan3A_7 step %scan3A_8  : i32 {
      %mul3A_12 = arith.constant 8 : i32
      %mul3A_13 = arith.muli %scan3A_11, %mul3A_12 : i32
      %add3A_14 = arith.addi %mul3A_4, %mul3A_13 : i32
      %mul3A_15 = arith.constant 128 : i32
      %mul3A_16 = arith.muli %add3A_14, %mul3A_15 : i32
      "tpu.region"() ({
        %run_scoped3A = tpu.sem_alloc : memref<!tpu.dma_semaphore, #tpu.memory_space<semaphore_mem>>
        %dma_start3A_303 = tpu.memref_slice %arg2[%mul3A_16] : memref<327680xi32, #tpu.memory_space<hbm>> -> memref<1024xi32, #tpu.memory_space<hbm>>
        %dma_start3A_304 = tpu.memref_slice %arg2[%mul3A_16] : memref<327680xi32, #tpu.memory_space<hbm>> -> memref<1024xi32, #tpu.memory_space<hbm>>
        tpu.enqueue_dma source(%dma_start3A_304 : memref<1024xi32, #tpu.memory_space<hbm>>) target(%arg7 : memref<1024xi32, #tpu.memory_space<vmem>>) target_semaphore(%run_scoped3A : memref<!tpu.dma_semaphore, #tpu.memory_space<semaphore_mem>>)
        %dma_wait3A_305 = tpu.memref_slice %arg2[%mul3A_16] : memref<327680xi32, #tpu.memory_space<hbm>> -> memref<1024xi32, #tpu.memory_space<hbm>>
        %dma_wait3A_306 = tpu.memref_slice %arg2[%mul3A_16] : memref<327680xi32, #tpu.memory_space<hbm>> -> memref<1024xi32, #tpu.memory_space<hbm>>
        tpu.wait_dma2 semaphore(%run_scoped3A : memref<!tpu.dma_semaphore, #tpu.memory_space<semaphore_mem>>) src(%dma_wait3A_306 : memref<1024xi32, #tpu.memory_space<hbm>>) dst(%arg7 : memref<1024xi32, #tpu.memory_space<vmem>>)
        tpu.yield
      }) : () -> ()
      "tpu.region"() ({
        %run_scoped3A = tpu.sem_alloc : memref<!tpu.dma_semaphore, #tpu.memory_space<semaphore_mem>>
        %dma_start3A_303 = arith.constant 0 : i32
        %dma_start3A_304 = tpu.memref_slice %arg3[%add3A_14, %dma_start3A_303] : memref<2560x128xi32, #tpu.memory_space<hbm>> -> memref<8x128xi32, #tpu.memory_space<hbm>>
        %dma_start3A_305 = arith.constant 0 : i32
        %dma_start3A_306 = tpu.memref_slice %arg3[%add3A_14, %dma_start3A_305] : memref<2560x128xi32, #tpu.memory_space<hbm>> -> memref<8x128xi32, #tpu.memory_space<hbm>>
        tpu.enqueue_dma source(%dma_start3A_306 : memref<8x128xi32, #tpu.memory_space<hbm>>) target(%arg8 : memref<8x128xi32, #tpu.memory_space<vmem>>) target_semaphore(%run_scoped3A : memref<!tpu.dma_semaphore, #tpu.memory_space<semaphore_mem>>)
        %dma_wait3A_307 = arith.constant 0 : i32
        %dma_wait3A_308 = tpu.memref_slice %arg3[%add3A_14, %dma_wait3A_307] : memref<2560x128xi32, #tpu.memory_space<hbm>> -> memref<8x128xi32, #tpu.memory_space<hbm>>
        %dma_wait3A_309 = arith.constant 0 : i32
        %dma_wait3A_310 = tpu.memref_slice %arg3[%add3A_14, %dma_wait3A_309] : memref<2560x128xi32, #tpu.memory_space<hbm>> -> memref<8x128xi32, #tpu.memory_space<hbm>>
        tpu.wait_dma2 semaphore(%run_scoped3A : memref<!tpu.dma_semaphore, #tpu.memory_space<semaphore_mem>>) src(%dma_wait3A_310 : memref<8x128xi32, #tpu.memory_space<hbm>>) dst(%arg8 : memref<8x128xi32, #tpu.memory_space<vmem>>)
        tpu.yield
      }) : () -> ()
      %dma_start3A = arith.constant 0 : i32
      %dma_start3A_17 = arith.constant 0 : i32
      %dma_start3A_18 = tpu.memref_slice %arg9[%dma_start3A, %dma_start3A_17] : memref<256x128xf32, #tpu.memory_space<vmem>> -> memref<128x128xf32, #tpu.memory_space<vmem>>
      %dma_start3A_19 = arith.constant 0 : i32
      %dma_start3A_20 = tpu.memref_slice %arg7[%dma_start3A_19] : memref<1024xi32, #tpu.memory_space<vmem>> -> memref<128xi32, #tpu.memory_space<vmem>>
      %dma_start3A_21 = arith.constant 0 : i32
      %dma_start3A_22 = arith.constant 0 : i32
      %dma_start3A_23 = tpu.memref_slice %arg4[%dma_start3A_21, %dma_start3A_22] : memref<10000x128xf32, #tpu.memory_space<hbm>> -> memref<10000x128xf32, #tpu.memory_space<hbm>>
      tpu.enqueue_indirect_dma source(%dma_start3A_23 : memref<10000x128xf32, #tpu.memory_space<hbm>>) target(%dma_start3A_18 : memref<128x128xf32, #tpu.memory_space<vmem>>) offsets(%dma_start3A_20 : memref<128xi32, #tpu.memory_space<vmem>>) semaphore(%arg11 : memref<!tpu.dma_semaphore, #tpu.memory_space<semaphore_mem>>)
      %dma_wait3A = arith.constant 0 : i32
      %dma_wait3A_24 = arith.constant 0 : i32
      %dma_wait3A_25 = tpu.memref_slice %arg9[%dma_wait3A, %dma_wait3A_24] : memref<256x128xf32, #tpu.memory_space<vmem>> -> memref<128x128xf32, #tpu.memory_space<vmem>>
      %dma_wait3A_26 = arith.constant 0 : i32
      %dma_wait3A_27 = tpu.memref_slice %arg7[%dma_wait3A_26] : memref<1024xi32, #tpu.memory_space<vmem>> -> memref<128xi32, #tpu.memory_space<vmem>>
      %dma_wait3A_28 = arith.constant 0 : i32
      %dma_wait3A_29 = arith.constant 0 : i32
      %dma_wait3A_30 = tpu.memref_slice %arg4[%dma_wait3A_28, %dma_wait3A_29] : memref<10000x128xf32, #tpu.memory_space<hbm>> -> memref<10000x128xf32, #tpu.memory_space<hbm>>
      tpu.wait_indirect_dma semaphore(%arg11 : memref<!tpu.dma_semaphore, #tpu.memory_space<semaphore_mem>>) src(%dma_wait3A_30 : memref<10000x128xf32, #tpu.memory_space<hbm>>) dst(%dma_wait3A_25 : memref<128x128xf32, #tpu.memory_space<vmem>>)
      %dma_start3A_31 = arith.constant 0 : i32
      %dma_start3A_32 = arith.constant 0 : i32
      %dma_start3A_33 = arith.constant 0 : i32
      %dma_start3A_34 = tpu.memref_slice %arg9[%dma_start3A_32, %dma_start3A_33] : memref<256x128xf32, #tpu.memory_space<vmem>> -> memref<128x128xf32, #tpu.memory_space<vmem>>
      %dma_start3A_35 = arith.constant 0 : i32
      %dma_start3A_36 = tpu.memref_slice %arg8[%dma_start3A_31, %dma_start3A_35] : memref<8x128xi32, #tpu.memory_space<vmem>> -> memref<1x128xi32, #tpu.memory_space<vmem>>
      %dma_start3A_37 = tpu.memref_squeeze %dma_start3A_36 : memref<1x128xi32, #tpu.memory_space<vmem>> -> memref<128xi32, #tpu.memory_space<vmem>>
      %dma_start3A_38 = arith.constant 0 : i32
      %dma_start3A_39 = arith.constant 0 : i32
      %dma_start3A_40 = tpu.memref_slice %arg10[%dma_start3A_38, %dma_start3A_39] : memref<10112x128xf32, #tpu.memory_space<vmem_shared>> -> memref<10112x128xf32, #tpu.memory_space<vmem_shared>>
      tpu.enqueue_indirect_dma source(%dma_start3A_34 : memref<128x128xf32, #tpu.memory_space<vmem>>) target(%dma_start3A_40 : memref<10112x128xf32, #tpu.memory_space<vmem_shared>>) offsets(%dma_start3A_37 : memref<128xi32, #tpu.memory_space<vmem>>) semaphore(%arg13 : memref<!tpu.dma_semaphore, #tpu.memory_space<semaphore_mem>>) {add = true}
      %dma_start3A_41 = arith.constant 128 : i32
      %dma_start3A_42 = arith.constant 0 : i32
      %dma_start3A_43 = tpu.memref_slice %arg9[%dma_start3A_41, %dma_start3A_42] : memref<256x128xf32, #tpu.memory_space<vmem>> -> memref<128x128xf32, #tpu.memory_space<vmem>>
      %dma_start3A_44 = arith.constant 128 : i32
      %dma_start3A_45 = tpu.memref_slice %arg7[%dma_start3A_44] : memref<1024xi32, #tpu.memory_space<vmem>> -> memref<128xi32, #tpu.memory_space<vmem>>
      %dma_start3A_46 = arith.constant 0 : i32
      %dma_start3A_47 = arith.constant 0 : i32
      %dma_start3A_48 = tpu.memref_slice %arg4[%dma_start3A_46, %dma_start3A_47] : memref<10000x128xf32, #tpu.memory_space<hbm>> -> memref<10000x128xf32, #tpu.memory_space<hbm>>
      tpu.enqueue_indirect_dma source(%dma_start3A_48 : memref<10000x128xf32, #tpu.memory_space<hbm>>) target(%dma_start3A_43 : memref<128x128xf32, #tpu.memory_space<vmem>>) offsets(%dma_start3A_45 : memref<128xi32, #tpu.memory_space<vmem>>) semaphore(%arg12 : memref<!tpu.dma_semaphore, #tpu.memory_space<semaphore_mem>>)
      %dma_wait3A_49 = arith.constant 128 : i32
      %dma_wait3A_50 = arith.constant 0 : i32
      %dma_wait3A_51 = tpu.memref_slice %arg9[%dma_wait3A_49, %dma_wait3A_50] : memref<256x128xf32, #tpu.memory_space<vmem>> -> memref<128x128xf32, #tpu.memory_space<vmem>>
      %dma_wait3A_52 = arith.constant 128 : i32
      %dma_wait3A_53 = tpu.memref_slice %arg7[%dma_wait3A_52] : memref<1024xi32, #tpu.memory_space<vmem>> -> memref<128xi32, #tpu.memory_space<vmem>>
      %dma_wait3A_54 = arith.constant 0 : i32
      %dma_wait3A_55 = arith.constant 0 : i32
      %dma_wait3A_56 = tpu.memref_slice %arg4[%dma_wait3A_54, %dma_wait3A_55] : memref<10000x128xf32, #tpu.memory_space<hbm>> -> memref<10000x128xf32, #tpu.memory_space<hbm>>
      tpu.wait_indirect_dma semaphore(%arg12 : memref<!tpu.dma_semaphore, #tpu.memory_space<semaphore_mem>>) src(%dma_wait3A_56 : memref<10000x128xf32, #tpu.memory_space<hbm>>) dst(%dma_wait3A_51 : memref<128x128xf32, #tpu.memory_space<vmem>>)
      %dma_start3A_57 = arith.constant 1 : i32
      %dma_start3A_58 = arith.constant 128 : i32
      %dma_start3A_59 = arith.constant 0 : i32
      %dma_start3A_60 = tpu.memref_slice %arg9[%dma_start3A_58, %dma_start3A_59] : memref<256x128xf32, #tpu.memory_space<vmem>> -> memref<128x128xf32, #tpu.memory_space<vmem>>
      %dma_start3A_61 = arith.constant 0 : i32
      %dma_start3A_62 = tpu.memref_slice %arg8[%dma_start3A_57, %dma_start3A_61] : memref<8x128xi32, #tpu.memory_space<vmem>> -> memref<1x128xi32, #tpu.memory_space<vmem>>
      %dma_start3A_63 = tpu.memref_squeeze %dma_start3A_62 : memref<1x128xi32, #tpu.memory_space<vmem>> -> memref<128xi32, #tpu.memory_space<vmem>>
      %dma_start3A_64 = arith.constant 0 : i32
      %dma_start3A_65 = arith.constant 0 : i32
      %dma_start3A_66 = tpu.memref_slice %arg10[%dma_start3A_64, %dma_start3A_65] : memref<10112x128xf32, #tpu.memory_space<vmem_shared>> -> memref<10112x128xf32, #tpu.memory_space<vmem_shared>>
      tpu.enqueue_indirect_dma source(%dma_start3A_60 : memref<128x128xf32, #tpu.memory_space<vmem>>) target(%dma_start3A_66 : memref<10112x128xf32, #tpu.memory_space<vmem_shared>>) offsets(%dma_start3A_63 : memref<128xi32, #tpu.memory_space<vmem>>) semaphore(%arg14 : memref<!tpu.dma_semaphore, #tpu.memory_space<semaphore_mem>>) {add = true}
      %dma_wait3A_67 = arith.constant 0 : i32
      %dma_wait3A_68 = arith.constant 0 : i32
      %dma_wait3A_69 = arith.constant 0 : i32
      %dma_wait3A_70 = tpu.memref_slice %arg9[%dma_wait3A_68, %dma_wait3A_69] : memref<256x128xf32, #tpu.memory_space<vmem>> -> memref<128x128xf32, #tpu.memory_space<vmem>>
      %dma_wait3A_71 = arith.constant 0 : i32
      %dma_wait3A_72 = tpu.memref_slice %arg8[%dma_wait3A_67, %dma_wait3A_71] : memref<8x128xi32, #tpu.memory_space<vmem>> -> memref<1x128xi32, #tpu.memory_space<vmem>>
      %dma_wait3A_73 = tpu.memref_squeeze %dma_wait3A_72 : memref<1x128xi32, #tpu.memory_space<vmem>> -> memref<128xi32, #tpu.memory_space<vmem>>
      %dma_wait3A_74 = arith.constant 0 : i32
      %dma_wait3A_75 = arith.constant 0 : i32
      %dma_wait3A_76 = tpu.memref_slice %arg10[%dma_wait3A_74, %dma_wait3A_75] : memref<10112x128xf32, #tpu.memory_space<vmem_shared>> -> memref<10112x128xf32, #tpu.memory_space<vmem_shared>>
      tpu.wait_indirect_dma semaphore(%arg13 : memref<!tpu.dma_semaphore, #tpu.memory_space<semaphore_mem>>) src(%dma_wait3A_70 : memref<128x128xf32, #tpu.memory_space<vmem>>) dst(%dma_wait3A_76 : memref<10112x128xf32, #tpu.memory_space<vmem_shared>>)
      %dma_start3A_77 = arith.constant 0 : i32
      %dma_start3A_78 = arith.constant 0 : i32
      %dma_start3A_79 = tpu.memref_slice %arg9[%dma_start3A_77, %dma_start3A_78] : memref<256x128xf32, #tpu.memory_space<vmem>> -> memref<128x128xf32, #tpu.memory_space<vmem>>
      %dma_start3A_80 = arith.constant 256 : i32
      %dma_start3A_81 = tpu.memref_slice %arg7[%dma_start3A_80] : memref<1024xi32, #tpu.memory_space<vmem>> -> memref<128xi32, #tpu.memory_space<vmem>>
      %dma_start3A_82 = arith.constant 0 : i32
      %dma_start3A_83 = arith.constant 0 : i32
      %dma_start3A_84 = tpu.memref_slice %arg4[%dma_start3A_82, %dma_start3A_83] : memref<10000x128xf32, #tpu.memory_space<hbm>> -> memref<10000x128xf32, #tpu.memory_space<hbm>>
      tpu.enqueue_indirect_dma source(%dma_start3A_84 : memref<10000x128xf32, #tpu.memory_space<hbm>>) target(%dma_start3A_79 : memref<128x128xf32, #tpu.memory_space<vmem>>) offsets(%dma_start3A_81 : memref<128xi32, #tpu.memory_space<vmem>>) semaphore(%arg11 : memref<!tpu.dma_semaphore, #tpu.memory_space<semaphore_mem>>)
      %dma_wait3A_85 = arith.constant 0 : i32
      %dma_wait3A_86 = arith.constant 0 : i32
      %dma_wait3A_87 = tpu.memref_slice %arg9[%dma_wait3A_85, %dma_wait3A_86] : memref<256x128xf32, #tpu.memory_space<vmem>> -> memref<128x128xf32, #tpu.memory_space<vmem>>
      %dma_wait3A_88 = arith.constant 256 : i32
      %dma_wait3A_89 = tpu.memref_slice %arg7[%dma_wait3A_88] : memref<1024xi32, #tpu.memory_space<vmem>> -> memref<128xi32, #tpu.memory_space<vmem>>
      %dma_wait3A_90 = arith.constant 0 : i32
      %dma_wait3A_91 = arith.constant 0 : i32
      %dma_wait3A_92 = tpu.memref_slice %arg4[%dma_wait3A_90, %dma_wait3A_91] : memref<10000x128xf32, #tpu.memory_space<hbm>> -> memref<10000x128xf32, #tpu.memory_space<hbm>>
      tpu.wait_indirect_dma semaphore(%arg11 : memref<!tpu.dma_semaphore, #tpu.memory_space<semaphore_mem>>) src(%dma_wait3A_92 : memref<10000x128xf32, #tpu.memory_space<hbm>>) dst(%dma_wait3A_87 : memref<128x128xf32, #tpu.memory_space<vmem>>)
      %dma_start3A_93 = arith.constant 2 : i32
      %dma_start3A_94 = arith.constant 0 : i32
      %dma_start3A_95 = arith.constant 0 : i32
      %dma_start3A_96 = tpu.memref_slice %arg9[%dma_start3A_94, %dma_start3A_95] : memref<256x128xf32, #tpu.memory_space<vmem>> -> memref<128x128xf32, #tpu.memory_space<vmem>>
      %dma_start3A_97 = arith.constant 0 : i32
      %dma_start3A_98 = tpu.memref_slice %arg8[%dma_start3A_93, %dma_start3A_97] : memref<8x128xi32, #tpu.memory_space<vmem>> -> memref<1x128xi32, #tpu.memory_space<vmem>>
      %dma_start3A_99 = tpu.memref_squeeze %dma_start3A_98 : memref<1x128xi32, #tpu.memory_space<vmem>> -> memref<128xi32, #tpu.memory_space<vmem>>
      %dma_start3A_100 = arith.constant 0 : i32
      %dma_start3A_101 = arith.constant 0 : i32
      %dma_start3A_102 = tpu.memref_slice %arg10[%dma_start3A_100, %dma_start3A_101] : memref<10112x128xf32, #tpu.memory_space<vmem_shared>> -> memref<10112x128xf32, #tpu.memory_space<vmem_shared>>
      tpu.enqueue_indirect_dma source(%dma_start3A_96 : memref<128x128xf32, #tpu.memory_space<vmem>>) target(%dma_start3A_102 : memref<10112x128xf32, #tpu.memory_space<vmem_shared>>) offsets(%dma_start3A_99 : memref<128xi32, #tpu.memory_space<vmem>>) semaphore(%arg13 : memref<!tpu.dma_semaphore, #tpu.memory_space<semaphore_mem>>) {add = true}
      %dma_wait3A_103 = arith.constant 1 : i32
      %dma_wait3A_104 = arith.constant 128 : i32
      %dma_wait3A_105 = arith.constant 0 : i32
      %dma_wait3A_106 = tpu.memref_slice %arg9[%dma_wait3A_104, %dma_wait3A_105] : memref<256x128xf32, #tpu.memory_space<vmem>> -> memref<128x128xf32, #tpu.memory_space<vmem>>
      %dma_wait3A_107 = arith.constant 0 : i32
      %dma_wait3A_108 = tpu.memref_slice %arg8[%dma_wait3A_103, %dma_wait3A_107] : memref<8x128xi32, #tpu.memory_space<vmem>> -> memref<1x128xi32, #tpu.memory_space<vmem>>
      %dma_wait3A_109 = tpu.memref_squeeze %dma_wait3A_108 : memref<1x128xi32, #tpu.memory_space<vmem>> -> memref<128xi32, #tpu.memory_space<vmem>>
      %dma_wait3A_110 = arith.constant 0 : i32
      %dma_wait3A_111 = arith.constant 0 : i32
      %dma_wait3A_112 = tpu.memref_slice %arg10[%dma_wait3A_110, %dma_wait3A_111] : memref<10112x128xf32, #tpu.memory_space<vmem_shared>> -> memref<10112x128xf32, #tpu.memory_space<vmem_shared>>
      tpu.wait_indirect_dma semaphore(%arg14 : memref<!tpu.dma_semaphore, #tpu.memory_space<semaphore_mem>>) src(%dma_wait3A_106 : memref<128x128xf32, #tpu.memory_space<vmem>>) dst(%dma_wait3A_112 : memref<10112x128xf32, #tpu.memory_space<vmem_shared>>)
      %dma_start3A_113 = arith.constant 128 : i32
      %dma_start3A_114 = arith.constant 0 : i32
      %dma_start3A_115 = tpu.memref_slice %arg9[%dma_start3A_113, %dma_start3A_114] : memref<256x128xf32, #tpu.memory_space<vmem>> -> memref<128x128xf32, #tpu.memory_space<vmem>>
      %dma_start3A_116 = arith.constant 384 : i32
      %dma_start3A_117 = tpu.memref_slice %arg7[%dma_start3A_116] : memref<1024xi32, #tpu.memory_space<vmem>> -> memref<128xi32, #tpu.memory_space<vmem>>
      %dma_start3A_118 = arith.constant 0 : i32
      %dma_start3A_119 = arith.constant 0 : i32
      %dma_start3A_120 = tpu.memref_slice %arg4[%dma_start3A_118, %dma_start3A_119] : memref<10000x128xf32, #tpu.memory_space<hbm>> -> memref<10000x128xf32, #tpu.memory_space<hbm>>
      tpu.enqueue_indirect_dma source(%dma_start3A_120 : memref<10000x128xf32, #tpu.memory_space<hbm>>) target(%dma_start3A_115 : memref<128x128xf32, #tpu.memory_space<vmem>>) offsets(%dma_start3A_117 : memref<128xi32, #tpu.memory_space<vmem>>) semaphore(%arg12 : memref<!tpu.dma_semaphore, #tpu.memory_space<semaphore_mem>>)
      %dma_wait3A_121 = arith.constant 128 : i32
      %dma_wait3A_122 = arith.constant 0 : i32
      %dma_wait3A_123 = tpu.memref_slice %arg9[%dma_wait3A_121, %dma_wait3A_122] : memref<256x128xf32, #tpu.memory_space<vmem>> -> memref<128x128xf32, #tpu.memory_space<vmem>>
      %dma_wait3A_124 = arith.constant 384 : i32
      %dma_wait3A_125 = tpu.memref_slice %arg7[%dma_wait3A_124] : memref<1024xi32, #tpu.memory_space<vmem>> -> memref<128xi32, #tpu.memory_space<vmem>>
      %dma_wait3A_126 = arith.constant 0 : i32
      %dma_wait3A_127 = arith.constant 0 : i32
      %dma_wait3A_128 = tpu.memref_slice %arg4[%dma_wait3A_126, %dma_wait3A_127] : memref<10000x128xf32, #tpu.memory_space<hbm>> -> memref<10000x128xf32, #tpu.memory_space<hbm>>
      tpu.wait_indirect_dma semaphore(%arg12 : memref<!tpu.dma_semaphore, #tpu.memory_space<semaphore_mem>>) src(%dma_wait3A_128 : memref<10000x128xf32, #tpu.memory_space<hbm>>) dst(%dma_wait3A_123 : memref<128x128xf32, #tpu.memory_space<vmem>>)
      %dma_start3A_129 = arith.constant 3 : i32
      %dma_start3A_130 = arith.constant 128 : i32
      %dma_start3A_131 = arith.constant 0 : i32
      %dma_start3A_132 = tpu.memref_slice %arg9[%dma_start3A_130, %dma_start3A_131] : memref<256x128xf32, #tpu.memory_space<vmem>> -> memref<128x128xf32, #tpu.memory_space<vmem>>
      %dma_start3A_133 = arith.constant 0 : i32
      %dma_start3A_134 = tpu.memref_slice %arg8[%dma_start3A_129, %dma_start3A_133] : memref<8x128xi32, #tpu.memory_space<vmem>> -> memref<1x128xi32, #tpu.memory_space<vmem>>
      %dma_start3A_135 = tpu.memref_squeeze %dma_start3A_134 : memref<1x128xi32, #tpu.memory_space<vmem>> -> memref<128xi32, #tpu.memory_space<vmem>>
      %dma_start3A_136 = arith.constant 0 : i32
      %dma_start3A_137 = arith.constant 0 : i32
      %dma_start3A_138 = tpu.memref_slice %arg10[%dma_start3A_136, %dma_start3A_137] : memref<10112x128xf32, #tpu.memory_space<vmem_shared>> -> memref<10112x128xf32, #tpu.memory_space<vmem_shared>>
      tpu.enqueue_indirect_dma source(%dma_start3A_132 : memref<128x128xf32, #tpu.memory_space<vmem>>) target(%dma_start3A_138 : memref<10112x128xf32, #tpu.memory_space<vmem_shared>>) offsets(%dma_start3A_135 : memref<128xi32, #tpu.memory_space<vmem>>) semaphore(%arg14 : memref<!tpu.dma_semaphore, #tpu.memory_space<semaphore_mem>>) {add = true}
      %dma_wait3A_139 = arith.constant 2 : i32
      %dma_wait3A_140 = arith.constant 0 : i32
      %dma_wait3A_141 = arith.constant 0 : i32
      %dma_wait3A_142 = tpu.memref_slice %arg9[%dma_wait3A_140, %dma_wait3A_141] : memref<256x128xf32, #tpu.memory_space<vmem>> -> memref<128x128xf32, #tpu.memory_space<vmem>>
      %dma_wait3A_143 = arith.constant 0 : i32
      %dma_wait3A_144 = tpu.memref_slice %arg8[%dma_wait3A_139, %dma_wait3A_143] : memref<8x128xi32, #tpu.memory_space<vmem>> -> memref<1x128xi32, #tpu.memory_space<vmem>>
      %dma_wait3A_145 = tpu.memref_squeeze %dma_wait3A_144 : memref<1x128xi32, #tpu.memory_space<vmem>> -> memref<128xi32, #tpu.memory_space<vmem>>
      %dma_wait3A_146 = arith.constant 0 : i32
      %dma_wait3A_147 = arith.constant 0 : i32
      %dma_wait3A_148 = tpu.memref_slice %arg10[%dma_wait3A_146, %dma_wait3A_147] : memref<10112x128xf32, #tpu.memory_space<vmem_shared>> -> memref<10112x128xf32, #tpu.memory_space<vmem_shared>>
      tpu.wait_indirect_dma semaphore(%arg13 : memref<!tpu.dma_semaphore, #tpu.memory_space<semaphore_mem>>) src(%dma_wait3A_142 : memref<128x128xf32, #tpu.memory_space<vmem>>) dst(%dma_wait3A_148 : memref<10112x128xf32, #tpu.memory_space<vmem_shared>>)
      %dma_start3A_149 = arith.constant 0 : i32
      %dma_start3A_150 = arith.constant 0 : i32
      %dma_start3A_151 = tpu.memref_slice %arg9[%dma_start3A_149, %dma_start3A_150] : memref<256x128xf32, #tpu.memory_space<vmem>> -> memref<128x128xf32, #tpu.memory_space<vmem>>
      %dma_start3A_152 = arith.constant 512 : i32
      %dma_start3A_153 = tpu.memref_slice %arg7[%dma_start3A_152] : memref<1024xi32, #tpu.memory_space<vmem>> -> memref<128xi32, #tpu.memory_space<vmem>>
      %dma_start3A_154 = arith.constant 0 : i32
      %dma_start3A_155 = arith.constant 0 : i32
      %dma_start3A_156 = tpu.memref_slice %arg4[%dma_start3A_154, %dma_start3A_155] : memref<10000x128xf32, #tpu.memory_space<hbm>> -> memref<10000x128xf32, #tpu.memory_space<hbm>>
      tpu.enqueue_indirect_dma source(%dma_start3A_156 : memref<10000x128xf32, #tpu.memory_space<hbm>>) target(%dma_start3A_151 : memref<128x128xf32, #tpu.memory_space<vmem>>) offsets(%dma_start3A_153 : memref<128xi32, #tpu.memory_space<vmem>>) semaphore(%arg11 : memref<!tpu.dma_semaphore, #tpu.memory_space<semaphore_mem>>)
      %dma_wait3A_157 = arith.constant 0 : i32
      %dma_wait3A_158 = arith.constant 0 : i32
      %dma_wait3A_159 = tpu.memref_slice %arg9[%dma_wait3A_157, %dma_wait3A_158] : memref<256x128xf32, #tpu.memory_space<vmem>> -> memref<128x128xf32, #tpu.memory_space<vmem>>
      %dma_wait3A_160 = arith.constant 512 : i32
      %dma_wait3A_161 = tpu.memref_slice %arg7[%dma_wait3A_160] : memref<1024xi32, #tpu.memory_space<vmem>> -> memref<128xi32, #tpu.memory_space<vmem>>
      %dma_wait3A_162 = arith.constant 0 : i32
      %dma_wait3A_163 = arith.constant 0 : i32
      %dma_wait3A_164 = tpu.memref_slice %arg4[%dma_wait3A_162, %dma_wait3A_163] : memref<10000x128xf32, #tpu.memory_space<hbm>> -> memref<10000x128xf32, #tpu.memory_space<hbm>>
      tpu.wait_indirect_dma semaphore(%arg11 : memref<!tpu.dma_semaphore, #tpu.memory_space<semaphore_mem>>) src(%dma_wait3A_164 : memref<10000x128xf32, #tpu.memory_space<hbm>>) dst(%dma_wait3A_159 : memref<128x128xf32, #tpu.memory_space<vmem>>)
      %dma_start3A_165 = arith.constant 4 : i32
      %dma_start3A_166 = arith.constant 0 : i32
      %dma_start3A_167 = arith.constant 0 : i32
      %dma_start3A_168 = tpu.memref_slice %arg9[%dma_start3A_166, %dma_start3A_167] : memref<256x128xf32, #tpu.memory_space<vmem>> -> memref<128x128xf32, #tpu.memory_space<vmem>>
      %dma_start3A_169 = arith.constant 0 : i32
      %dma_start3A_170 = tpu.memref_slice %arg8[%dma_start3A_165, %dma_start3A_169] : memref<8x128xi32, #tpu.memory_space<vmem>> -> memref<1x128xi32, #tpu.memory_space<vmem>>
      %dma_start3A_171 = tpu.memref_squeeze %dma_start3A_170 : memref<1x128xi32, #tpu.memory_space<vmem>> -> memref<128xi32, #tpu.memory_space<vmem>>
      %dma_start3A_172 = arith.constant 0 : i32
      %dma_start3A_173 = arith.constant 0 : i32
      %dma_start3A_174 = tpu.memref_slice %arg10[%dma_start3A_172, %dma_start3A_173] : memref<10112x128xf32, #tpu.memory_space<vmem_shared>> -> memref<10112x128xf32, #tpu.memory_space<vmem_shared>>
      tpu.enqueue_indirect_dma source(%dma_start3A_168 : memref<128x128xf32, #tpu.memory_space<vmem>>) target(%dma_start3A_174 : memref<10112x128xf32, #tpu.memory_space<vmem_shared>>) offsets(%dma_start3A_171 : memref<128xi32, #tpu.memory_space<vmem>>) semaphore(%arg13 : memref<!tpu.dma_semaphore, #tpu.memory_space<semaphore_mem>>) {add = true}
      %dma_wait3A_175 = arith.constant 3 : i32
      %dma_wait3A_176 = arith.constant 128 : i32
      %dma_wait3A_177 = arith.constant 0 : i32
      %dma_wait3A_178 = tpu.memref_slice %arg9[%dma_wait3A_176, %dma_wait3A_177] : memref<256x128xf32, #tpu.memory_space<vmem>> -> memref<128x128xf32, #tpu.memory_space<vmem>>
      %dma_wait3A_179 = arith.constant 0 : i32
      %dma_wait3A_180 = tpu.memref_slice %arg8[%dma_wait3A_175, %dma_wait3A_179] : memref<8x128xi32, #tpu.memory_space<vmem>> -> memref<1x128xi32, #tpu.memory_space<vmem>>
      %dma_wait3A_181 = tpu.memref_squeeze %dma_wait3A_180 : memref<1x128xi32, #tpu.memory_space<vmem>> -> memref<128xi32, #tpu.memory_space<vmem>>
      %dma_wait3A_182 = arith.constant 0 : i32
      %dma_wait3A_183 = arith.constant 0 : i32
      %dma_wait3A_184 = tpu.memref_slice %arg10[%dma_wait3A_182, %dma_wait3A_183] : memref<10112x128xf32, #tpu.memory_space<vmem_shared>> -> memref<10112x128xf32, #tpu.memory_space<vmem_shared>>
      tpu.wait_indirect_dma semaphore(%arg14 : memref<!tpu.dma_semaphore, #tpu.memory_space<semaphore_mem>>) src(%dma_wait3A_178 : memref<128x128xf32, #tpu.memory_space<vmem>>) dst(%dma_wait3A_184 : memref<10112x128xf32, #tpu.memory_space<vmem_shared>>)
      %dma_start3A_185 = arith.constant 128 : i32
      %dma_start3A_186 = arith.constant 0 : i32
      %dma_start3A_187 = tpu.memref_slice %arg9[%dma_start3A_185, %dma_start3A_186] : memref<256x128xf32, #tpu.memory_space<vmem>> -> memref<128x128xf32, #tpu.memory_space<vmem>>
      %dma_start3A_188 = arith.constant 640 : i32
      %dma_start3A_189 = tpu.memref_slice %arg7[%dma_start3A_188] : memref<1024xi32, #tpu.memory_space<vmem>> -> memref<128xi32, #tpu.memory_space<vmem>>
      %dma_start3A_190 = arith.constant 0 : i32
      %dma_start3A_191 = arith.constant 0 : i32
      %dma_start3A_192 = tpu.memref_slice %arg4[%dma_start3A_190, %dma_start3A_191] : memref<10000x128xf32, #tpu.memory_space<hbm>> -> memref<10000x128xf32, #tpu.memory_space<hbm>>
      tpu.enqueue_indirect_dma source(%dma_start3A_192 : memref<10000x128xf32, #tpu.memory_space<hbm>>) target(%dma_start3A_187 : memref<128x128xf32, #tpu.memory_space<vmem>>) offsets(%dma_start3A_189 : memref<128xi32, #tpu.memory_space<vmem>>) semaphore(%arg12 : memref<!tpu.dma_semaphore, #tpu.memory_space<semaphore_mem>>)
      %dma_wait3A_193 = arith.constant 128 : i32
      %dma_wait3A_194 = arith.constant 0 : i32
      %dma_wait3A_195 = tpu.memref_slice %arg9[%dma_wait3A_193, %dma_wait3A_194] : memref<256x128xf32, #tpu.memory_space<vmem>> -> memref<128x128xf32, #tpu.memory_space<vmem>>
      %dma_wait3A_196 = arith.constant 640 : i32
      %dma_wait3A_197 = tpu.memref_slice %arg7[%dma_wait3A_196] : memref<1024xi32, #tpu.memory_space<vmem>> -> memref<128xi32, #tpu.memory_space<vmem>>
      %dma_wait3A_198 = arith.constant 0 : i32
      %dma_wait3A_199 = arith.constant 0 : i32
      %dma_wait3A_200 = tpu.memref_slice %arg4[%dma_wait3A_198, %dma_wait3A_199] : memref<10000x128xf32, #tpu.memory_space<hbm>> -> memref<10000x128xf32, #tpu.memory_space<hbm>>
      tpu.wait_indirect_dma semaphore(%arg12 : memref<!tpu.dma_semaphore, #tpu.memory_space<semaphore_mem>>) src(%dma_wait3A_200 : memref<10000x128xf32, #tpu.memory_space<hbm>>) dst(%dma_wait3A_195 : memref<128x128xf32, #tpu.memory_space<vmem>>)
      %dma_start3A_201 = arith.constant 5 : i32
      %dma_start3A_202 = arith.constant 128 : i32
      %dma_start3A_203 = arith.constant 0 : i32
      %dma_start3A_204 = tpu.memref_slice %arg9[%dma_start3A_202, %dma_start3A_203] : memref<256x128xf32, #tpu.memory_space<vmem>> -> memref<128x128xf32, #tpu.memory_space<vmem>>
      %dma_start3A_205 = arith.constant 0 : i32
      %dma_start3A_206 = tpu.memref_slice %arg8[%dma_start3A_201, %dma_start3A_205] : memref<8x128xi32, #tpu.memory_space<vmem>> -> memref<1x128xi32, #tpu.memory_space<vmem>>
      %dma_start3A_207 = tpu.memref_squeeze %dma_start3A_206 : memref<1x128xi32, #tpu.memory_space<vmem>> -> memref<128xi32, #tpu.memory_space<vmem>>
      %dma_start3A_208 = arith.constant 0 : i32
      %dma_start3A_209 = arith.constant 0 : i32
      %dma_start3A_210 = tpu.memref_slice %arg10[%dma_start3A_208, %dma_start3A_209] : memref<10112x128xf32, #tpu.memory_space<vmem_shared>> -> memref<10112x128xf32, #tpu.memory_space<vmem_shared>>
      tpu.enqueue_indirect_dma source(%dma_start3A_204 : memref<128x128xf32, #tpu.memory_space<vmem>>) target(%dma_start3A_210 : memref<10112x128xf32, #tpu.memory_space<vmem_shared>>) offsets(%dma_start3A_207 : memref<128xi32, #tpu.memory_space<vmem>>) semaphore(%arg14 : memref<!tpu.dma_semaphore, #tpu.memory_space<semaphore_mem>>) {add = true}
      %dma_wait3A_211 = arith.constant 4 : i32
      %dma_wait3A_212 = arith.constant 0 : i32
      %dma_wait3A_213 = arith.constant 0 : i32
      %dma_wait3A_214 = tpu.memref_slice %arg9[%dma_wait3A_212, %dma_wait3A_213] : memref<256x128xf32, #tpu.memory_space<vmem>> -> memref<128x128xf32, #tpu.memory_space<vmem>>
      %dma_wait3A_215 = arith.constant 0 : i32
      %dma_wait3A_216 = tpu.memref_slice %arg8[%dma_wait3A_211, %dma_wait3A_215] : memref<8x128xi32, #tpu.memory_space<vmem>> -> memref<1x128xi32, #tpu.memory_space<vmem>>
      %dma_wait3A_217 = tpu.memref_squeeze %dma_wait3A_216 : memref<1x128xi32, #tpu.memory_space<vmem>> -> memref<128xi32, #tpu.memory_space<vmem>>
      %dma_wait3A_218 = arith.constant 0 : i32
      %dma_wait3A_219 = arith.constant 0 : i32
      %dma_wait3A_220 = tpu.memref_slice %arg10[%dma_wait3A_218, %dma_wait3A_219] : memref<10112x128xf32, #tpu.memory_space<vmem_shared>> -> memref<10112x128xf32, #tpu.memory_space<vmem_shared>>
      tpu.wait_indirect_dma semaphore(%arg13 : memref<!tpu.dma_semaphore, #tpu.memory_space<semaphore_mem>>) src(%dma_wait3A_214 : memref<128x128xf32, #tpu.memory_space<vmem>>) dst(%dma_wait3A_220 : memref<10112x128xf32, #tpu.memory_space<vmem_shared>>)
      %dma_start3A_221 = arith.constant 0 : i32
      %dma_start3A_222 = arith.constant 0 : i32
      %dma_start3A_223 = tpu.memref_slice %arg9[%dma_start3A_221, %dma_start3A_222] : memref<256x128xf32, #tpu.memory_space<vmem>> -> memref<128x128xf32, #tpu.memory_space<vmem>>
      %dma_start3A_224 = arith.constant 768 : i32
      %dma_start3A_225 = tpu.memref_slice %arg7[%dma_start3A_224] : memref<1024xi32, #tpu.memory_space<vmem>> -> memref<128xi32, #tpu.memory_space<vmem>>
      %dma_start3A_226 = arith.constant 0 : i32
      %dma_start3A_227 = arith.constant 0 : i32
      %dma_start3A_228 = tpu.memref_slice %arg4[%dma_start3A_226, %dma_start3A_227] : memref<10000x128xf32, #tpu.memory_space<hbm>> -> memref<10000x128xf32, #tpu.memory_space<hbm>>
      tpu.enqueue_indirect_dma source(%dma_start3A_228 : memref<10000x128xf32, #tpu.memory_space<hbm>>) target(%dma_start3A_223 : memref<128x128xf32, #tpu.memory_space<vmem>>) offsets(%dma_start3A_225 : memref<128xi32, #tpu.memory_space<vmem>>) semaphore(%arg11 : memref<!tpu.dma_semaphore, #tpu.memory_space<semaphore_mem>>)
      %dma_wait3A_229 = arith.constant 0 : i32
      %dma_wait3A_230 = arith.constant 0 : i32
      %dma_wait3A_231 = tpu.memref_slice %arg9[%dma_wait3A_229, %dma_wait3A_230] : memref<256x128xf32, #tpu.memory_space<vmem>> -> memref<128x128xf32, #tpu.memory_space<vmem>>
      %dma_wait3A_232 = arith.constant 768 : i32
      %dma_wait3A_233 = tpu.memref_slice %arg7[%dma_wait3A_232] : memref<1024xi32, #tpu.memory_space<vmem>> -> memref<128xi32, #tpu.memory_space<vmem>>
      %dma_wait3A_234 = arith.constant 0 : i32
      %dma_wait3A_235 = arith.constant 0 : i32
      %dma_wait3A_236 = tpu.memref_slice %arg4[%dma_wait3A_234, %dma_wait3A_235] : memref<10000x128xf32, #tpu.memory_space<hbm>> -> memref<10000x128xf32, #tpu.memory_space<hbm>>
      tpu.wait_indirect_dma semaphore(%arg11 : memref<!tpu.dma_semaphore, #tpu.memory_space<semaphore_mem>>) src(%dma_wait3A_236 : memref<10000x128xf32, #tpu.memory_space<hbm>>) dst(%dma_wait3A_231 : memref<128x128xf32, #tpu.memory_space<vmem>>)
      %dma_start3A_237 = arith.constant 6 : i32
      %dma_start3A_238 = arith.constant 0 : i32
      %dma_start3A_239 = arith.constant 0 : i32
      %dma_start3A_240 = tpu.memref_slice %arg9[%dma_start3A_238, %dma_start3A_239] : memref<256x128xf32, #tpu.memory_space<vmem>> -> memref<128x128xf32, #tpu.memory_space<vmem>>
      %dma_start3A_241 = arith.constant 0 : i32
      %dma_start3A_242 = tpu.memref_slice %arg8[%dma_start3A_237, %dma_start3A_241] : memref<8x128xi32, #tpu.memory_space<vmem>> -> memref<1x128xi32, #tpu.memory_space<vmem>>
      %dma_start3A_243 = tpu.memref_squeeze %dma_start3A_242 : memref<1x128xi32, #tpu.memory_space<vmem>> -> memref<128xi32, #tpu.memory_space<vmem>>
      %dma_start3A_244 = arith.constant 0 : i32
      %dma_start3A_245 = arith.constant 0 : i32
      %dma_start3A_246 = tpu.memref_slice %arg10[%dma_start3A_244, %dma_start3A_245] : memref<10112x128xf32, #tpu.memory_space<vmem_shared>> -> memref<10112x128xf32, #tpu.memory_space<vmem_shared>>
      tpu.enqueue_indirect_dma source(%dma_start3A_240 : memref<128x128xf32, #tpu.memory_space<vmem>>) target(%dma_start3A_246 : memref<10112x128xf32, #tpu.memory_space<vmem_shared>>) offsets(%dma_start3A_243 : memref<128xi32, #tpu.memory_space<vmem>>) semaphore(%arg13 : memref<!tpu.dma_semaphore, #tpu.memory_space<semaphore_mem>>) {add = true}
      %dma_wait3A_247 = arith.constant 5 : i32
      %dma_wait3A_248 = arith.constant 128 : i32
      %dma_wait3A_249 = arith.constant 0 : i32
      %dma_wait3A_250 = tpu.memref_slice %arg9[%dma_wait3A_248, %dma_wait3A_249] : memref<256x128xf32, #tpu.memory_space<vmem>> -> memref<128x128xf32, #tpu.memory_space<vmem>>
      %dma_wait3A_251 = arith.constant 0 : i32
      %dma_wait3A_252 = tpu.memref_slice %arg8[%dma_wait3A_247, %dma_wait3A_251] : memref<8x128xi32, #tpu.memory_space<vmem>> -> memref<1x128xi32, #tpu.memory_space<vmem>>
      %dma_wait3A_253 = tpu.memref_squeeze %dma_wait3A_252 : memref<1x128xi32, #tpu.memory_space<vmem>> -> memref<128xi32, #tpu.memory_space<vmem>>
      %dma_wait3A_254 = arith.constant 0 : i32
      %dma_wait3A_255 = arith.constant 0 : i32
      %dma_wait3A_256 = tpu.memref_slice %arg10[%dma_wait3A_254, %dma_wait3A_255] : memref<10112x128xf32, #tpu.memory_space<vmem_shared>> -> memref<10112x128xf32, #tpu.memory_space<vmem_shared>>
      tpu.wait_indirect_dma semaphore(%arg14 : memref<!tpu.dma_semaphore, #tpu.memory_space<semaphore_mem>>) src(%dma_wait3A_250 : memref<128x128xf32, #tpu.memory_space<vmem>>) dst(%dma_wait3A_256 : memref<10112x128xf32, #tpu.memory_space<vmem_shared>>)
      %dma_start3A_257 = arith.constant 128 : i32
      %dma_start3A_258 = arith.constant 0 : i32
      %dma_start3A_259 = tpu.memref_slice %arg9[%dma_start3A_257, %dma_start3A_258] : memref<256x128xf32, #tpu.memory_space<vmem>> -> memref<128x128xf32, #tpu.memory_space<vmem>>
      %dma_start3A_260 = arith.constant 896 : i32
      %dma_start3A_261 = tpu.memref_slice %arg7[%dma_start3A_260] : memref<1024xi32, #tpu.memory_space<vmem>> -> memref<128xi32, #tpu.memory_space<vmem>>
      %dma_start3A_262 = arith.constant 0 : i32
      %dma_start3A_263 = arith.constant 0 : i32
      %dma_start3A_264 = tpu.memref_slice %arg4[%dma_start3A_262, %dma_start3A_263] : memref<10000x128xf32, #tpu.memory_space<hbm>> -> memref<10000x128xf32, #tpu.memory_space<hbm>>
      tpu.enqueue_indirect_dma source(%dma_start3A_264 : memref<10000x128xf32, #tpu.memory_space<hbm>>) target(%dma_start3A_259 : memref<128x128xf32, #tpu.memory_space<vmem>>) offsets(%dma_start3A_261 : memref<128xi32, #tpu.memory_space<vmem>>) semaphore(%arg12 : memref<!tpu.dma_semaphore, #tpu.memory_space<semaphore_mem>>)
      %dma_wait3A_265 = arith.constant 128 : i32
      %dma_wait3A_266 = arith.constant 0 : i32
      %dma_wait3A_267 = tpu.memref_slice %arg9[%dma_wait3A_265, %dma_wait3A_266] : memref<256x128xf32, #tpu.memory_space<vmem>> -> memref<128x128xf32, #tpu.memory_space<vmem>>
      %dma_wait3A_268 = arith.constant 896 : i32
      %dma_wait3A_269 = tpu.memref_slice %arg7[%dma_wait3A_268] : memref<1024xi32, #tpu.memory_space<vmem>> -> memref<128xi32, #tpu.memory_space<vmem>>
      %dma_wait3A_270 = arith.constant 0 : i32
      %dma_wait3A_271 = arith.constant 0 : i32
      %dma_wait3A_272 = tpu.memref_slice %arg4[%dma_wait3A_270, %dma_wait3A_271] : memref<10000x128xf32, #tpu.memory_space<hbm>> -> memref<10000x128xf32, #tpu.memory_space<hbm>>
      tpu.wait_indirect_dma semaphore(%arg12 : memref<!tpu.dma_semaphore, #tpu.memory_space<semaphore_mem>>) src(%dma_wait3A_272 : memref<10000x128xf32, #tpu.memory_space<hbm>>) dst(%dma_wait3A_267 : memref<128x128xf32, #tpu.memory_space<vmem>>)
      %dma_start3A_273 = arith.constant 7 : i32
      %dma_start3A_274 = arith.constant 128 : i32
      %dma_start3A_275 = arith.constant 0 : i32
      %dma_start3A_276 = tpu.memref_slice %arg9[%dma_start3A_274, %dma_start3A_275] : memref<256x128xf32, #tpu.memory_space<vmem>> -> memref<128x128xf32, #tpu.memory_space<vmem>>
      %dma_start3A_277 = arith.constant 0 : i32
      %dma_start3A_278 = tpu.memref_slice %arg8[%dma_start3A_273, %dma_start3A_277] : memref<8x128xi32, #tpu.memory_space<vmem>> -> memref<1x128xi32, #tpu.memory_space<vmem>>
      %dma_start3A_279 = tpu.memref_squeeze %dma_start3A_278 : memref<1x128xi32, #tpu.memory_space<vmem>> -> memref<128xi32, #tpu.memory_space<vmem>>
      %dma_start3A_280 = arith.constant 0 : i32
      %dma_start3A_281 = arith.constant 0 : i32
      %dma_start3A_282 = tpu.memref_slice %arg10[%dma_start3A_280, %dma_start3A_281] : memref<10112x128xf32, #tpu.memory_space<vmem_shared>> -> memref<10112x128xf32, #tpu.memory_space<vmem_shared>>
      tpu.enqueue_indirect_dma source(%dma_start3A_276 : memref<128x128xf32, #tpu.memory_space<vmem>>) target(%dma_start3A_282 : memref<10112x128xf32, #tpu.memory_space<vmem_shared>>) offsets(%dma_start3A_279 : memref<128xi32, #tpu.memory_space<vmem>>) semaphore(%arg14 : memref<!tpu.dma_semaphore, #tpu.memory_space<semaphore_mem>>) {add = true}
      %dma_wait3A_283 = arith.constant 6 : i32
      %dma_wait3A_284 = arith.constant 0 : i32
      %dma_wait3A_285 = arith.constant 0 : i32
      %dma_wait3A_286 = tpu.memref_slice %arg9[%dma_wait3A_284, %dma_wait3A_285] : memref<256x128xf32, #tpu.memory_space<vmem>> -> memref<128x128xf32, #tpu.memory_space<vmem>>
      %dma_wait3A_287 = arith.constant 0 : i32
      %dma_wait3A_288 = tpu.memref_slice %arg8[%dma_wait3A_283, %dma_wait3A_287] : memref<8x128xi32, #tpu.memory_space<vmem>> -> memref<1x128xi32, #tpu.memory_space<vmem>>
      %dma_wait3A_289 = tpu.memref_squeeze %dma_wait3A_288 : memref<1x128xi32, #tpu.memory_space<vmem>> -> memref<128xi32, #tpu.memory_space<vmem>>
      %dma_wait3A_290 = arith.constant 0 : i32
      %dma_wait3A_291 = arith.constant 0 : i32
      %dma_wait3A_292 = tpu.memref_slice %arg10[%dma_wait3A_290, %dma_wait3A_291] : memref<10112x128xf32, #tpu.memory_space<vmem_shared>> -> memref<10112x128xf32, #tpu.memory_space<vmem_shared>>
      tpu.wait_indirect_dma semaphore(%arg13 : memref<!tpu.dma_semaphore, #tpu.memory_space<semaphore_mem>>) src(%dma_wait3A_286 : memref<128x128xf32, #tpu.memory_space<vmem>>) dst(%dma_wait3A_292 : memref<10112x128xf32, #tpu.memory_space<vmem_shared>>)
      %dma_wait3A_293 = arith.constant 7 : i32
      %dma_wait3A_294 = arith.constant 128 : i32
      %dma_wait3A_295 = arith.constant 0 : i32
      %dma_wait3A_296 = tpu.memref_slice %arg9[%dma_wait3A_294, %dma_wait3A_295] : memref<256x128xf32, #tpu.memory_space<vmem>> -> memref<128x128xf32, #tpu.memory_space<vmem>>
      %dma_wait3A_297 = arith.constant 0 : i32
      %dma_wait3A_298 = tpu.memref_slice %arg8[%dma_wait3A_293, %dma_wait3A_297] : memref<8x128xi32, #tpu.memory_space<vmem>> -> memref<1x128xi32, #tpu.memory_space<vmem>>
      %dma_wait3A_299 = tpu.memref_squeeze %dma_wait3A_298 : memref<1x128xi32, #tpu.memory_space<vmem>> -> memref<128xi32, #tpu.memory_space<vmem>>
      %dma_wait3A_300 = arith.constant 0 : i32
      %dma_wait3A_301 = arith.constant 0 : i32
      %dma_wait3A_302 = tpu.memref_slice %arg10[%dma_wait3A_300, %dma_wait3A_301] : memref<10112x128xf32, #tpu.memory_space<vmem_shared>> -> memref<10112x128xf32, #tpu.memory_space<vmem_shared>>
      tpu.wait_indirect_dma semaphore(%arg14 : memref<!tpu.dma_semaphore, #tpu.memory_space<semaphore_mem>>) src(%dma_wait3A_296 : memref<128x128xf32, #tpu.memory_space<vmem>>) dst(%dma_wait3A_302 : memref<10112x128xf32, #tpu.memory_space<vmem_shared>>)
    }
    %scan3A_9 = arith.constant 10 : i32
    %barrier3A_10 = arith.constant 0 : index
    tpu.barrier barrier_id(%barrier3A_10)
    "tpu.region"() ({
      %run_scoped3A = tpu.sem_alloc : memref<!tpu.dma_semaphore, #tpu.memory_space<semaphore_mem>>
      %dma_start3A = arith.constant 0 : i32
      %dma_start3A_11 = tpu.memref_slice %arg6[%arg0, %mul3A_0, %dma_start3A] : memref<2x10112x128xf32, #tpu.memory_space<hbm>> -> memref<1x632x128xf32, #tpu.memory_space<hbm>>
      %dma_start3A_12 = tpu.memref_squeeze %dma_start3A_11 : memref<1x632x128xf32, #tpu.memory_space<hbm>> -> memref<632x128xf32, #tpu.memory_space<hbm>>
      %dma_start3A_13 = arith.constant 0 : i32
      %dma_start3A_14 = tpu.memref_slice %arg10[%mul3A_0, %dma_start3A_13] : memref<10112x128xf32, #tpu.memory_space<vmem_shared>> -> memref<632x128xf32, #tpu.memory_space<vmem_shared>>
      tpu.enqueue_dma source(%dma_start3A_14 : memref<632x128xf32, #tpu.memory_space<vmem_shared>>) target(%dma_start3A_12 : memref<632x128xf32, #tpu.memory_space<hbm>>) target_semaphore(%run_scoped3A : memref<!tpu.dma_semaphore, #tpu.memory_space<semaphore_mem>>)
      %dma_wait3A = arith.constant 0 : i32
      %dma_wait3A_15 = tpu.memref_slice %arg6[%arg0, %mul3A_0, %dma_wait3A] : memref<2x10112x128xf32, #tpu.memory_space<hbm>> -> memref<1x632x128xf32, #tpu.memory_space<hbm>>
      %dma_wait3A_16 = tpu.memref_squeeze %dma_wait3A_15 : memref<1x632x128xf32, #tpu.memory_space<hbm>> -> memref<632x128xf32, #tpu.memory_space<hbm>>
      %dma_wait3A_17 = arith.constant 0 : i32
      %dma_wait3A_18 = tpu.memref_slice %arg10[%mul3A_0, %dma_wait3A_17] : memref<10112x128xf32, #tpu.memory_space<vmem_shared>> -> memref<632x128xf32, #tpu.memory_space<vmem_shared>>
      tpu.wait_dma2 semaphore(%run_scoped3A : memref<!tpu.dma_semaphore, #tpu.memory_space<semaphore_mem>>) src(%dma_wait3A_18 : memref<632x128xf32, #tpu.memory_space<vmem_shared>>) dst(%dma_wait3A_16 : memref<632x128xf32, #tpu.memory_space<hbm>>)
      tpu.yield
    }) : () -> ()
    return
  }
}

#map = affine_map<(d0, d1) -> (0)>
#map1 = affine_map<(d0, d1) -> (0, 0)>
#map2 = affine_map<(d0, d1) -> (0, 0, 0)>
module attributes {stable_mosaic.version = 14 : i64} {
  func.func @body(%arg0: i32, %arg1: i32, %arg2: memref<327680xi32, #tpu.memory_space<hbm>>, %arg3: memref<632x128xf32, #tpu.memory_space<hbm>>, %arg4: memref<128x128xf32, #tpu.memory_space<hbm>>, %arg5: memref<2x10112x128xf32, #tpu.memory_space<hbm>>, %arg6: memref<128xi32, #tpu.memory_space<vmem>>, %arg7: memref<128x128xf32, #tpu.memory_space<vmem>>, %arg8: memref<10112x128xf32, #tpu.memory_space<vmem_shared>>, %arg9: memref<!tpu.dma_semaphore, #tpu.memory_space<semaphore_mem>>) attributes {dimension_semantics = [#tpu.dimension_semantics<core_parallel>, #tpu.dimension_semantics<subcore_parallel>], iteration_bounds = array<i64: 2, 16>, scalar_prefetch = 0 : i64, scratch_operands = 4 : i64, tpu.core_type = #tpu.core_type<sc_vector_subcore>, window_params = [{transform_indices = #map}, {transform_indices = #map1}, {transform_indices = #map1}, {transform_indices = #map2}]} {
    %mul3A = arith.constant 632 : i32
    %mul3A_0 = arith.muli %arg1, %mul3A : i32
    "tpu.region"() ({
      %run_scoped3A = tpu.sem_alloc : memref<!tpu.dma_semaphore, #tpu.memory_space<semaphore_mem>>
      %dma_start3A = arith.constant 0 : i32
      %dma_start3A_11 = tpu.memref_slice %arg8[%mul3A_0, %dma_start3A] : memref<10112x128xf32, #tpu.memory_space<vmem_shared>> -> memref<632x128xf32, #tpu.memory_space<vmem_shared>>
      tpu.enqueue_dma source(%arg3 : memref<632x128xf32, #tpu.memory_space<hbm>>) target(%dma_start3A_11 : memref<632x128xf32, #tpu.memory_space<vmem_shared>>) target_semaphore(%run_scoped3A : memref<!tpu.dma_semaphore, #tpu.memory_space<semaphore_mem>>)
      %dma_wait3A = arith.constant 0 : i32
      %dma_wait3A_12 = tpu.memref_slice %arg8[%mul3A_0, %dma_wait3A] : memref<10112x128xf32, #tpu.memory_space<vmem_shared>> -> memref<632x128xf32, #tpu.memory_space<vmem_shared>>
      tpu.wait_dma2 semaphore(%run_scoped3A : memref<!tpu.dma_semaphore, #tpu.memory_space<semaphore_mem>>) src(%arg3 : memref<632x128xf32, #tpu.memory_space<hbm>>) dst(%dma_wait3A_12 : memref<632x128xf32, #tpu.memory_space<vmem_shared>>)
      tpu.yield
    }) : () -> ()
    "tpu.region"() ({
      %run_scoped3A = tpu.sem_alloc : memref<!tpu.dma_semaphore, #tpu.memory_space<semaphore_mem>>
      tpu.enqueue_dma source(%arg4 : memref<128x128xf32, #tpu.memory_space<hbm>>) target(%arg7 : memref<128x128xf32, #tpu.memory_space<vmem>>) target_semaphore(%run_scoped3A : memref<!tpu.dma_semaphore, #tpu.memory_space<semaphore_mem>>)
      tpu.wait_dma2 semaphore(%run_scoped3A : memref<!tpu.dma_semaphore, #tpu.memory_space<semaphore_mem>>) src(%arg4 : memref<128x128xf32, #tpu.memory_space<hbm>>) dst(%arg7 : memref<128x128xf32, #tpu.memory_space<vmem>>)
      tpu.yield
    }) : () -> ()
    %barrier3A = arith.constant 0 : index
    tpu.barrier barrier_id(%barrier3A)
    %mul3A_1 = arith.constant 2 : i32
    %mul3A_2 = arith.muli %arg1, %mul3A_1 : i32
    %add3A = arith.addi %mul3A_2, %arg0 : i32
    %mul3A_3 = arith.constant 10240 : i32
    %mul3A_4 = arith.muli %add3A, %mul3A_3 : i32
    %scan3A = arith.constant 0 : i32
    %scan3A_5 = arith.constant 0 : i32
    %scan3A_6 = arith.constant 80 : i32
    %scan3A_7 = arith.addi %scan3A_5, %scan3A_6 : i32
    %scan3A_8 = arith.constant 1 : i32
    scf.for %scan3A_11 = %scan3A_5 to %scan3A_7 step %scan3A_8  : i32 {
      %mul3A_12 = arith.constant 128 : i32
      %mul3A_13 = arith.muli %scan3A_11, %mul3A_12 : i32
      %add3A_14 = arith.addi %mul3A_4, %mul3A_13 : i32
      "tpu.region"() ({
        %run_scoped3A = tpu.sem_alloc : memref<!tpu.dma_semaphore, #tpu.memory_space<semaphore_mem>>
        %dma_start3A = tpu.memref_slice %arg2[%add3A_14] : memref<327680xi32, #tpu.memory_space<hbm>> -> memref<128xi32, #tpu.memory_space<hbm>>
        %dma_start3A_15 = tpu.memref_slice %arg2[%add3A_14] : memref<327680xi32, #tpu.memory_space<hbm>> -> memref<128xi32, #tpu.memory_space<hbm>>
        tpu.enqueue_dma source(%dma_start3A_15 : memref<128xi32, #tpu.memory_space<hbm>>) target(%arg6 : memref<128xi32, #tpu.memory_space<vmem>>) target_semaphore(%run_scoped3A : memref<!tpu.dma_semaphore, #tpu.memory_space<semaphore_mem>>)
        %dma_wait3A = tpu.memref_slice %arg2[%add3A_14] : memref<327680xi32, #tpu.memory_space<hbm>> -> memref<128xi32, #tpu.memory_space<hbm>>
        %dma_wait3A_16 = tpu.memref_slice %arg2[%add3A_14] : memref<327680xi32, #tpu.memory_space<hbm>> -> memref<128xi32, #tpu.memory_space<hbm>>
        tpu.wait_dma2 semaphore(%run_scoped3A : memref<!tpu.dma_semaphore, #tpu.memory_space<semaphore_mem>>) src(%dma_wait3A_16 : memref<128xi32, #tpu.memory_space<hbm>>) dst(%arg6 : memref<128xi32, #tpu.memory_space<vmem>>)
        tpu.yield
      }) : () -> ()
      "tpu.region"() ({
        %run_scoped3A = tpu.sem_alloc : memref<!tpu.dma_semaphore, #tpu.memory_space<semaphore_mem>>
        %dma_start3A = arith.constant 0 : i32
        %dma_start3A_15 = arith.constant 0 : i32
        %dma_start3A_16 = tpu.memref_slice %arg8[%dma_start3A, %dma_start3A_15] : memref<10112x128xf32, #tpu.memory_space<vmem_shared>> -> memref<10112x128xf32, #tpu.memory_space<vmem_shared>>
        tpu.enqueue_indirect_dma source(%arg7 : memref<128x128xf32, #tpu.memory_space<vmem>>) target(%dma_start3A_16 : memref<10112x128xf32, #tpu.memory_space<vmem_shared>>) offsets(%arg6 : memref<128xi32, #tpu.memory_space<vmem>>) semaphore(%run_scoped3A : memref<!tpu.dma_semaphore, #tpu.memory_space<semaphore_mem>>) {add = true}
        %dma_wait3A = arith.constant 0 : i32
        %dma_wait3A_17 = arith.constant 0 : i32
        %dma_wait3A_18 = tpu.memref_slice %arg8[%dma_wait3A, %dma_wait3A_17] : memref<10112x128xf32, #tpu.memory_space<vmem_shared>> -> memref<10112x128xf32, #tpu.memory_space<vmem_shared>>
        tpu.wait_indirect_dma semaphore(%run_scoped3A : memref<!tpu.dma_semaphore, #tpu.memory_space<semaphore_mem>>) src(%arg7 : memref<128x128xf32, #tpu.memory_space<vmem>>) dst(%dma_wait3A_18 : memref<10112x128xf32, #tpu.memory_space<vmem_shared>>)
        tpu.yield
      }) : () -> ()
    }
    %scan3A_9 = arith.constant 80 : i32
    %barrier3A_10 = arith.constant 0 : index
    tpu.barrier barrier_id(%barrier3A_10)
    "tpu.region"() ({
      %run_scoped3A = tpu.sem_alloc : memref<!tpu.dma_semaphore, #tpu.memory_space<semaphore_mem>>
      %dma_start3A = arith.constant 0 : i32
      %dma_start3A_11 = tpu.memref_slice %arg5[%arg0, %mul3A_0, %dma_start3A] : memref<2x10112x128xf32, #tpu.memory_space<hbm>> -> memref<1x632x128xf32, #tpu.memory_space<hbm>>
      %dma_start3A_12 = tpu.memref_squeeze %dma_start3A_11 : memref<1x632x128xf32, #tpu.memory_space<hbm>> -> memref<632x128xf32, #tpu.memory_space<hbm>>
      %dma_start3A_13 = arith.constant 0 : i32
      %dma_start3A_14 = tpu.memref_slice %arg8[%mul3A_0, %dma_start3A_13] : memref<10112x128xf32, #tpu.memory_space<vmem_shared>> -> memref<632x128xf32, #tpu.memory_space<vmem_shared>>
      tpu.enqueue_dma source(%dma_start3A_14 : memref<632x128xf32, #tpu.memory_space<vmem_shared>>) target(%dma_start3A_12 : memref<632x128xf32, #tpu.memory_space<hbm>>) target_semaphore(%run_scoped3A : memref<!tpu.dma_semaphore, #tpu.memory_space<semaphore_mem>>)
      %dma_wait3A = arith.constant 0 : i32
      %dma_wait3A_15 = tpu.memref_slice %arg5[%arg0, %mul3A_0, %dma_wait3A] : memref<2x10112x128xf32, #tpu.memory_space<hbm>> -> memref<1x632x128xf32, #tpu.memory_space<hbm>>
      %dma_wait3A_16 = tpu.memref_squeeze %dma_wait3A_15 : memref<1x632x128xf32, #tpu.memory_space<hbm>> -> memref<632x128xf32, #tpu.memory_space<hbm>>
      %dma_wait3A_17 = arith.constant 0 : i32
      %dma_wait3A_18 = tpu.memref_slice %arg8[%mul3A_0, %dma_wait3A_17] : memref<10112x128xf32, #tpu.memory_space<vmem_shared>> -> memref<632x128xf32, #tpu.memory_space<vmem_shared>>
      tpu.wait_dma2 semaphore(%run_scoped3A : memref<!tpu.dma_semaphore, #tpu.memory_space<semaphore_mem>>) src(%dma_wait3A_18 : memref<632x128xf32, #tpu.memory_space<vmem_shared>>) dst(%dma_wait3A_16 : memref<632x128xf32, #tpu.memory_space<hbm>>)
      tpu.yield
    }) : () -> ()
    return
  }
}

#map = affine_map<(d0, d1) -> (0, 0, 0)>
#map1 = affine_map<(d0, d1) -> (0, 0)>
module attributes {stable_mosaic.version = 14 : i64} {
  func.func @body(%arg0: i32, %arg1: i32, %arg2: memref<2x1x327680xi32, #tpu.memory_space<hbm>>, %arg3: memref<2560x128xi32, #tpu.memory_space<hbm>>, %arg4: memref<20000x128xf32, #tpu.memory_space<hbm>>, %arg5: memref<632x128xf32, #tpu.memory_space<hbm>>, %arg6: memref<2x10112x128xf32, #tpu.memory_space<hbm>>, %arg7: memref<1024xi32, #tpu.memory_space<vmem>>, %arg8: memref<8x128xi32, #tpu.memory_space<vmem>>, %arg9: memref<256x128xf32, #tpu.memory_space<vmem>>, %arg10: memref<10112x128xf32, #tpu.memory_space<vmem_shared>>, %arg11: memref<!tpu.dma_semaphore, #tpu.memory_space<semaphore_mem>>, %arg12: memref<!tpu.dma_semaphore, #tpu.memory_space<semaphore_mem>>, %arg13: memref<!tpu.dma_semaphore, #tpu.memory_space<semaphore_mem>>, %arg14: memref<!tpu.dma_semaphore, #tpu.memory_space<semaphore_mem>>) attributes {dimension_semantics = [#tpu.dimension_semantics<core_parallel>, #tpu.dimension_semantics<subcore_parallel>], iteration_bounds = array<i64: 2, 16>, scalar_prefetch = 0 : i64, scratch_operands = 8 : i64, tpu.core_type = #tpu.core_type<sc_vector_subcore>, window_params = [{transform_indices = #map}, {transform_indices = #map1}, {transform_indices = #map1}, {transform_indices = #map1}, {transform_indices = #map}]} {
    %mul3A = arith.constant 632 : i32
    %mul3A_0 = arith.muli %arg1, %mul3A : i32
    "tpu.region"() ({
      %run_scoped3A = tpu.sem_alloc : memref<!tpu.dma_semaphore, #tpu.memory_space<semaphore_mem>>
      %dma_start3A = arith.constant 0 : i32
      %dma_start3A_9 = tpu.memref_slice %arg10[%mul3A_0, %dma_start3A] : memref<10112x128xf32, #tpu.memory_space<vmem_shared>> -> memref<632x128xf32, #tpu.memory_space<vmem_shared>>
      tpu.enqueue_dma source(%arg5 : memref<632x128xf32, #tpu.memory_space<hbm>>) target(%dma_start3A_9 : memref<632x128xf32, #tpu.memory_space<vmem_shared>>) target_semaphore(%run_scoped3A : memref<!tpu.dma_semaphore, #tpu.memory_space<semaphore_mem>>)
      %dma_wait3A = arith.constant 0 : i32
      %dma_wait3A_10 = tpu.memref_slice %arg10[%mul3A_0, %dma_wait3A] : memref<10112x128xf32, #tpu.memory_space<vmem_shared>> -> memref<632x128xf32, #tpu.memory_space<vmem_shared>>
      tpu.wait_dma2 semaphore(%run_scoped3A : memref<!tpu.dma_semaphore, #tpu.memory_space<semaphore_mem>>) src(%arg5 : memref<632x128xf32, #tpu.memory_space<hbm>>) dst(%dma_wait3A_10 : memref<632x128xf32, #tpu.memory_space<vmem_shared>>)
      tpu.yield
    }) : () -> ()
    %barrier3A = arith.constant 0 : index
    tpu.barrier barrier_id(%barrier3A)
    %mul3A_1 = arith.constant 160 : i32
    %mul3A_2 = arith.muli %arg1, %mul3A_1 : i32
    %scan3A = arith.constant 0 : i32
    %scan3A_3 = arith.constant 0 : i32
    %scan3A_4 = arith.constant 20 : i32
    %scan3A_5 = arith.addi %scan3A_3, %scan3A_4 : i32
    %scan3A_6 = arith.constant 1 : i32
    scf.for %scan3A_9 = %scan3A_3 to %scan3A_5 step %scan3A_6  : i32 {
      %mul3A_10 = arith.constant 8 : i32
      %mul3A_11 = arith.muli %scan3A_9, %mul3A_10 : i32
      %add3A = arith.addi %mul3A_2, %mul3A_11 : i32
      %mul3A_12 = arith.constant 128 : i32
      %mul3A_13 = arith.muli %add3A, %mul3A_12 : i32
      %run_scoped3A = arith.constant 0 : i32
      "tpu.region"() ({
        %run_scoped3A_300 = tpu.sem_alloc : memref<!tpu.dma_semaphore, #tpu.memory_space<semaphore_mem>>
        %dma_start3A_301 = tpu.memref_slice %arg2[%arg0, %run_scoped3A, %mul3A_13] : memref<2x1x327680xi32, #tpu.memory_space<hbm>> -> memref<1x1x1024xi32, #tpu.memory_space<hbm>>
        %dma_start3A_302 = tpu.memref_squeeze %dma_start3A_301 : memref<1x1x1024xi32, #tpu.memory_space<hbm>> -> memref<1024xi32, #tpu.memory_space<hbm>>
        %dma_start3A_303 = tpu.memref_slice %arg2[%arg0, %run_scoped3A, %mul3A_13] : memref<2x1x327680xi32, #tpu.memory_space<hbm>> -> memref<1x1x1024xi32, #tpu.memory_space<hbm>>
        %dma_start3A_304 = tpu.memref_squeeze %dma_start3A_303 : memref<1x1x1024xi32, #tpu.memory_space<hbm>> -> memref<1024xi32, #tpu.memory_space<hbm>>
        tpu.enqueue_dma source(%dma_start3A_304 : memref<1024xi32, #tpu.memory_space<hbm>>) target(%arg7 : memref<1024xi32, #tpu.memory_space<vmem>>) target_semaphore(%run_scoped3A_300 : memref<!tpu.dma_semaphore, #tpu.memory_space<semaphore_mem>>)
        %dma_wait3A_305 = tpu.memref_slice %arg2[%arg0, %run_scoped3A, %mul3A_13] : memref<2x1x327680xi32, #tpu.memory_space<hbm>> -> memref<1x1x1024xi32, #tpu.memory_space<hbm>>
        %dma_wait3A_306 = tpu.memref_squeeze %dma_wait3A_305 : memref<1x1x1024xi32, #tpu.memory_space<hbm>> -> memref<1024xi32, #tpu.memory_space<hbm>>
        %dma_wait3A_307 = tpu.memref_slice %arg2[%arg0, %run_scoped3A, %mul3A_13] : memref<2x1x327680xi32, #tpu.memory_space<hbm>> -> memref<1x1x1024xi32, #tpu.memory_space<hbm>>
        %dma_wait3A_308 = tpu.memref_squeeze %dma_wait3A_307 : memref<1x1x1024xi32, #tpu.memory_space<hbm>> -> memref<1024xi32, #tpu.memory_space<hbm>>
        tpu.wait_dma2 semaphore(%run_scoped3A_300 : memref<!tpu.dma_semaphore, #tpu.memory_space<semaphore_mem>>) src(%dma_wait3A_308 : memref<1024xi32, #tpu.memory_space<hbm>>) dst(%arg7 : memref<1024xi32, #tpu.memory_space<vmem>>)
        tpu.yield
      }) : () -> ()
      "tpu.region"() ({
        %run_scoped3A_300 = tpu.sem_alloc : memref<!tpu.dma_semaphore, #tpu.memory_space<semaphore_mem>>
        %dma_start3A_301 = arith.constant 0 : i32
        %dma_start3A_302 = tpu.memref_slice %arg3[%add3A, %dma_start3A_301] : memref<2560x128xi32, #tpu.memory_space<hbm>> -> memref<8x128xi32, #tpu.memory_space<hbm>>
        %dma_start3A_303 = arith.constant 0 : i32
        %dma_start3A_304 = tpu.memref_slice %arg3[%add3A, %dma_start3A_303] : memref<2560x128xi32, #tpu.memory_space<hbm>> -> memref<8x128xi32, #tpu.memory_space<hbm>>
        tpu.enqueue_dma source(%dma_start3A_304 : memref<8x128xi32, #tpu.memory_space<hbm>>) target(%arg8 : memref<8x128xi32, #tpu.memory_space<vmem>>) target_semaphore(%run_scoped3A_300 : memref<!tpu.dma_semaphore, #tpu.memory_space<semaphore_mem>>)
        %dma_wait3A_305 = arith.constant 0 : i32
        %dma_wait3A_306 = tpu.memref_slice %arg3[%add3A, %dma_wait3A_305] : memref<2560x128xi32, #tpu.memory_space<hbm>> -> memref<8x128xi32, #tpu.memory_space<hbm>>
        %dma_wait3A_307 = arith.constant 0 : i32
        %dma_wait3A_308 = tpu.memref_slice %arg3[%add3A, %dma_wait3A_307] : memref<2560x128xi32, #tpu.memory_space<hbm>> -> memref<8x128xi32, #tpu.memory_space<hbm>>
        tpu.wait_dma2 semaphore(%run_scoped3A_300 : memref<!tpu.dma_semaphore, #tpu.memory_space<semaphore_mem>>) src(%dma_wait3A_308 : memref<8x128xi32, #tpu.memory_space<hbm>>) dst(%arg8 : memref<8x128xi32, #tpu.memory_space<vmem>>)
        tpu.yield
      }) : () -> ()
      %dma_start3A = arith.constant 0 : i32
      %dma_start3A_14 = arith.constant 0 : i32
      %dma_start3A_15 = tpu.memref_slice %arg9[%dma_start3A, %dma_start3A_14] : memref<256x128xf32, #tpu.memory_space<vmem>> -> memref<128x128xf32, #tpu.memory_space<vmem>>
      %dma_start3A_16 = arith.constant 0 : i32
      %dma_start3A_17 = tpu.memref_slice %arg7[%dma_start3A_16] : memref<1024xi32, #tpu.memory_space<vmem>> -> memref<128xi32, #tpu.memory_space<vmem>>
      %dma_start3A_18 = arith.constant 0 : i32
      %dma_start3A_19 = arith.constant 0 : i32
      %dma_start3A_20 = tpu.memref_slice %arg4[%dma_start3A_18, %dma_start3A_19] : memref<20000x128xf32, #tpu.memory_space<hbm>> -> memref<20000x128xf32, #tpu.memory_space<hbm>>
      tpu.enqueue_indirect_dma source(%dma_start3A_20 : memref<20000x128xf32, #tpu.memory_space<hbm>>) target(%dma_start3A_15 : memref<128x128xf32, #tpu.memory_space<vmem>>) offsets(%dma_start3A_17 : memref<128xi32, #tpu.memory_space<vmem>>) semaphore(%arg11 : memref<!tpu.dma_semaphore, #tpu.memory_space<semaphore_mem>>)
      %dma_wait3A = arith.constant 0 : i32
      %dma_wait3A_21 = arith.constant 0 : i32
      %dma_wait3A_22 = tpu.memref_slice %arg9[%dma_wait3A, %dma_wait3A_21] : memref<256x128xf32, #tpu.memory_space<vmem>> -> memref<128x128xf32, #tpu.memory_space<vmem>>
      %dma_wait3A_23 = arith.constant 0 : i32
      %dma_wait3A_24 = tpu.memref_slice %arg7[%dma_wait3A_23] : memref<1024xi32, #tpu.memory_space<vmem>> -> memref<128xi32, #tpu.memory_space<vmem>>
      %dma_wait3A_25 = arith.constant 0 : i32
      %dma_wait3A_26 = arith.constant 0 : i32
      %dma_wait3A_27 = tpu.memref_slice %arg4[%dma_wait3A_25, %dma_wait3A_26] : memref<20000x128xf32, #tpu.memory_space<hbm>> -> memref<20000x128xf32, #tpu.memory_space<hbm>>
      tpu.wait_indirect_dma semaphore(%arg11 : memref<!tpu.dma_semaphore, #tpu.memory_space<semaphore_mem>>) src(%dma_wait3A_27 : memref<20000x128xf32, #tpu.memory_space<hbm>>) dst(%dma_wait3A_22 : memref<128x128xf32, #tpu.memory_space<vmem>>)
      %dma_start3A_28 = arith.constant 0 : i32
      %dma_start3A_29 = arith.constant 0 : i32
      %dma_start3A_30 = arith.constant 0 : i32
      %dma_start3A_31 = tpu.memref_slice %arg9[%dma_start3A_29, %dma_start3A_30] : memref<256x128xf32, #tpu.memory_space<vmem>> -> memref<128x128xf32, #tpu.memory_space<vmem>>
      %dma_start3A_32 = arith.constant 0 : i32
      %dma_start3A_33 = tpu.memref_slice %arg8[%dma_start3A_28, %dma_start3A_32] : memref<8x128xi32, #tpu.memory_space<vmem>> -> memref<1x128xi32, #tpu.memory_space<vmem>>
      %dma_start3A_34 = tpu.memref_squeeze %dma_start3A_33 : memref<1x128xi32, #tpu.memory_space<vmem>> -> memref<128xi32, #tpu.memory_space<vmem>>
      %dma_start3A_35 = arith.constant 0 : i32
      %dma_start3A_36 = arith.constant 0 : i32
      %dma_start3A_37 = tpu.memref_slice %arg10[%dma_start3A_35, %dma_start3A_36] : memref<10112x128xf32, #tpu.memory_space<vmem_shared>> -> memref<10112x128xf32, #tpu.memory_space<vmem_shared>>
      tpu.enqueue_indirect_dma source(%dma_start3A_31 : memref<128x128xf32, #tpu.memory_space<vmem>>) target(%dma_start3A_37 : memref<10112x128xf32, #tpu.memory_space<vmem_shared>>) offsets(%dma_start3A_34 : memref<128xi32, #tpu.memory_space<vmem>>) semaphore(%arg13 : memref<!tpu.dma_semaphore, #tpu.memory_space<semaphore_mem>>) {add = true}
      %dma_start3A_38 = arith.constant 128 : i32
      %dma_start3A_39 = arith.constant 0 : i32
      %dma_start3A_40 = tpu.memref_slice %arg9[%dma_start3A_38, %dma_start3A_39] : memref<256x128xf32, #tpu.memory_space<vmem>> -> memref<128x128xf32, #tpu.memory_space<vmem>>
      %dma_start3A_41 = arith.constant 128 : i32
      %dma_start3A_42 = tpu.memref_slice %arg7[%dma_start3A_41] : memref<1024xi32, #tpu.memory_space<vmem>> -> memref<128xi32, #tpu.memory_space<vmem>>
      %dma_start3A_43 = arith.constant 0 : i32
      %dma_start3A_44 = arith.constant 0 : i32
      %dma_start3A_45 = tpu.memref_slice %arg4[%dma_start3A_43, %dma_start3A_44] : memref<20000x128xf32, #tpu.memory_space<hbm>> -> memref<20000x128xf32, #tpu.memory_space<hbm>>
      tpu.enqueue_indirect_dma source(%dma_start3A_45 : memref<20000x128xf32, #tpu.memory_space<hbm>>) target(%dma_start3A_40 : memref<128x128xf32, #tpu.memory_space<vmem>>) offsets(%dma_start3A_42 : memref<128xi32, #tpu.memory_space<vmem>>) semaphore(%arg12 : memref<!tpu.dma_semaphore, #tpu.memory_space<semaphore_mem>>)
      %dma_wait3A_46 = arith.constant 128 : i32
      %dma_wait3A_47 = arith.constant 0 : i32
      %dma_wait3A_48 = tpu.memref_slice %arg9[%dma_wait3A_46, %dma_wait3A_47] : memref<256x128xf32, #tpu.memory_space<vmem>> -> memref<128x128xf32, #tpu.memory_space<vmem>>
      %dma_wait3A_49 = arith.constant 128 : i32
      %dma_wait3A_50 = tpu.memref_slice %arg7[%dma_wait3A_49] : memref<1024xi32, #tpu.memory_space<vmem>> -> memref<128xi32, #tpu.memory_space<vmem>>
      %dma_wait3A_51 = arith.constant 0 : i32
      %dma_wait3A_52 = arith.constant 0 : i32
      %dma_wait3A_53 = tpu.memref_slice %arg4[%dma_wait3A_51, %dma_wait3A_52] : memref<20000x128xf32, #tpu.memory_space<hbm>> -> memref<20000x128xf32, #tpu.memory_space<hbm>>
      tpu.wait_indirect_dma semaphore(%arg12 : memref<!tpu.dma_semaphore, #tpu.memory_space<semaphore_mem>>) src(%dma_wait3A_53 : memref<20000x128xf32, #tpu.memory_space<hbm>>) dst(%dma_wait3A_48 : memref<128x128xf32, #tpu.memory_space<vmem>>)
      %dma_start3A_54 = arith.constant 1 : i32
      %dma_start3A_55 = arith.constant 128 : i32
      %dma_start3A_56 = arith.constant 0 : i32
      %dma_start3A_57 = tpu.memref_slice %arg9[%dma_start3A_55, %dma_start3A_56] : memref<256x128xf32, #tpu.memory_space<vmem>> -> memref<128x128xf32, #tpu.memory_space<vmem>>
      %dma_start3A_58 = arith.constant 0 : i32
      %dma_start3A_59 = tpu.memref_slice %arg8[%dma_start3A_54, %dma_start3A_58] : memref<8x128xi32, #tpu.memory_space<vmem>> -> memref<1x128xi32, #tpu.memory_space<vmem>>
      %dma_start3A_60 = tpu.memref_squeeze %dma_start3A_59 : memref<1x128xi32, #tpu.memory_space<vmem>> -> memref<128xi32, #tpu.memory_space<vmem>>
      %dma_start3A_61 = arith.constant 0 : i32
      %dma_start3A_62 = arith.constant 0 : i32
      %dma_start3A_63 = tpu.memref_slice %arg10[%dma_start3A_61, %dma_start3A_62] : memref<10112x128xf32, #tpu.memory_space<vmem_shared>> -> memref<10112x128xf32, #tpu.memory_space<vmem_shared>>
      tpu.enqueue_indirect_dma source(%dma_start3A_57 : memref<128x128xf32, #tpu.memory_space<vmem>>) target(%dma_start3A_63 : memref<10112x128xf32, #tpu.memory_space<vmem_shared>>) offsets(%dma_start3A_60 : memref<128xi32, #tpu.memory_space<vmem>>) semaphore(%arg14 : memref<!tpu.dma_semaphore, #tpu.memory_space<semaphore_mem>>) {add = true}
      %dma_wait3A_64 = arith.constant 0 : i32
      %dma_wait3A_65 = arith.constant 0 : i32
      %dma_wait3A_66 = arith.constant 0 : i32
      %dma_wait3A_67 = tpu.memref_slice %arg9[%dma_wait3A_65, %dma_wait3A_66] : memref<256x128xf32, #tpu.memory_space<vmem>> -> memref<128x128xf32, #tpu.memory_space<vmem>>
      %dma_wait3A_68 = arith.constant 0 : i32
      %dma_wait3A_69 = tpu.memref_slice %arg8[%dma_wait3A_64, %dma_wait3A_68] : memref<8x128xi32, #tpu.memory_space<vmem>> -> memref<1x128xi32, #tpu.memory_space<vmem>>
      %dma_wait3A_70 = tpu.memref_squeeze %dma_wait3A_69 : memref<1x128xi32, #tpu.memory_space<vmem>> -> memref<128xi32, #tpu.memory_space<vmem>>
      %dma_wait3A_71 = arith.constant 0 : i32
      %dma_wait3A_72 = arith.constant 0 : i32
      %dma_wait3A_73 = tpu.memref_slice %arg10[%dma_wait3A_71, %dma_wait3A_72] : memref<10112x128xf32, #tpu.memory_space<vmem_shared>> -> memref<10112x128xf32, #tpu.memory_space<vmem_shared>>
      tpu.wait_indirect_dma semaphore(%arg13 : memref<!tpu.dma_semaphore, #tpu.memory_space<semaphore_mem>>) src(%dma_wait3A_67 : memref<128x128xf32, #tpu.memory_space<vmem>>) dst(%dma_wait3A_73 : memref<10112x128xf32, #tpu.memory_space<vmem_shared>>)
      %dma_start3A_74 = arith.constant 0 : i32
      %dma_start3A_75 = arith.constant 0 : i32
      %dma_start3A_76 = tpu.memref_slice %arg9[%dma_start3A_74, %dma_start3A_75] : memref<256x128xf32, #tpu.memory_space<vmem>> -> memref<128x128xf32, #tpu.memory_space<vmem>>
      %dma_start3A_77 = arith.constant 256 : i32
      %dma_start3A_78 = tpu.memref_slice %arg7[%dma_start3A_77] : memref<1024xi32, #tpu.memory_space<vmem>> -> memref<128xi32, #tpu.memory_space<vmem>>
      %dma_start3A_79 = arith.constant 0 : i32
      %dma_start3A_80 = arith.constant 0 : i32
      %dma_start3A_81 = tpu.memref_slice %arg4[%dma_start3A_79, %dma_start3A_80] : memref<20000x128xf32, #tpu.memory_space<hbm>> -> memref<20000x128xf32, #tpu.memory_space<hbm>>
      tpu.enqueue_indirect_dma source(%dma_start3A_81 : memref<20000x128xf32, #tpu.memory_space<hbm>>) target(%dma_start3A_76 : memref<128x128xf32, #tpu.memory_space<vmem>>) offsets(%dma_start3A_78 : memref<128xi32, #tpu.memory_space<vmem>>) semaphore(%arg11 : memref<!tpu.dma_semaphore, #tpu.memory_space<semaphore_mem>>)
      %dma_wait3A_82 = arith.constant 0 : i32
      %dma_wait3A_83 = arith.constant 0 : i32
      %dma_wait3A_84 = tpu.memref_slice %arg9[%dma_wait3A_82, %dma_wait3A_83] : memref<256x128xf32, #tpu.memory_space<vmem>> -> memref<128x128xf32, #tpu.memory_space<vmem>>
      %dma_wait3A_85 = arith.constant 256 : i32
      %dma_wait3A_86 = tpu.memref_slice %arg7[%dma_wait3A_85] : memref<1024xi32, #tpu.memory_space<vmem>> -> memref<128xi32, #tpu.memory_space<vmem>>
      %dma_wait3A_87 = arith.constant 0 : i32
      %dma_wait3A_88 = arith.constant 0 : i32
      %dma_wait3A_89 = tpu.memref_slice %arg4[%dma_wait3A_87, %dma_wait3A_88] : memref<20000x128xf32, #tpu.memory_space<hbm>> -> memref<20000x128xf32, #tpu.memory_space<hbm>>
      tpu.wait_indirect_dma semaphore(%arg11 : memref<!tpu.dma_semaphore, #tpu.memory_space<semaphore_mem>>) src(%dma_wait3A_89 : memref<20000x128xf32, #tpu.memory_space<hbm>>) dst(%dma_wait3A_84 : memref<128x128xf32, #tpu.memory_space<vmem>>)
      %dma_start3A_90 = arith.constant 2 : i32
      %dma_start3A_91 = arith.constant 0 : i32
      %dma_start3A_92 = arith.constant 0 : i32
      %dma_start3A_93 = tpu.memref_slice %arg9[%dma_start3A_91, %dma_start3A_92] : memref<256x128xf32, #tpu.memory_space<vmem>> -> memref<128x128xf32, #tpu.memory_space<vmem>>
      %dma_start3A_94 = arith.constant 0 : i32
      %dma_start3A_95 = tpu.memref_slice %arg8[%dma_start3A_90, %dma_start3A_94] : memref<8x128xi32, #tpu.memory_space<vmem>> -> memref<1x128xi32, #tpu.memory_space<vmem>>
      %dma_start3A_96 = tpu.memref_squeeze %dma_start3A_95 : memref<1x128xi32, #tpu.memory_space<vmem>> -> memref<128xi32, #tpu.memory_space<vmem>>
      %dma_start3A_97 = arith.constant 0 : i32
      %dma_start3A_98 = arith.constant 0 : i32
      %dma_start3A_99 = tpu.memref_slice %arg10[%dma_start3A_97, %dma_start3A_98] : memref<10112x128xf32, #tpu.memory_space<vmem_shared>> -> memref<10112x128xf32, #tpu.memory_space<vmem_shared>>
      tpu.enqueue_indirect_dma source(%dma_start3A_93 : memref<128x128xf32, #tpu.memory_space<vmem>>) target(%dma_start3A_99 : memref<10112x128xf32, #tpu.memory_space<vmem_shared>>) offsets(%dma_start3A_96 : memref<128xi32, #tpu.memory_space<vmem>>) semaphore(%arg13 : memref<!tpu.dma_semaphore, #tpu.memory_space<semaphore_mem>>) {add = true}
      %dma_wait3A_100 = arith.constant 1 : i32
      %dma_wait3A_101 = arith.constant 128 : i32
      %dma_wait3A_102 = arith.constant 0 : i32
      %dma_wait3A_103 = tpu.memref_slice %arg9[%dma_wait3A_101, %dma_wait3A_102] : memref<256x128xf32, #tpu.memory_space<vmem>> -> memref<128x128xf32, #tpu.memory_space<vmem>>
      %dma_wait3A_104 = arith.constant 0 : i32
      %dma_wait3A_105 = tpu.memref_slice %arg8[%dma_wait3A_100, %dma_wait3A_104] : memref<8x128xi32, #tpu.memory_space<vmem>> -> memref<1x128xi32, #tpu.memory_space<vmem>>
      %dma_wait3A_106 = tpu.memref_squeeze %dma_wait3A_105 : memref<1x128xi32, #tpu.memory_space<vmem>> -> memref<128xi32, #tpu.memory_space<vmem>>
      %dma_wait3A_107 = arith.constant 0 : i32
      %dma_wait3A_108 = arith.constant 0 : i32
      %dma_wait3A_109 = tpu.memref_slice %arg10[%dma_wait3A_107, %dma_wait3A_108] : memref<10112x128xf32, #tpu.memory_space<vmem_shared>> -> memref<10112x128xf32, #tpu.memory_space<vmem_shared>>
      tpu.wait_indirect_dma semaphore(%arg14 : memref<!tpu.dma_semaphore, #tpu.memory_space<semaphore_mem>>) src(%dma_wait3A_103 : memref<128x128xf32, #tpu.memory_space<vmem>>) dst(%dma_wait3A_109 : memref<10112x128xf32, #tpu.memory_space<vmem_shared>>)
      %dma_start3A_110 = arith.constant 128 : i32
      %dma_start3A_111 = arith.constant 0 : i32
      %dma_start3A_112 = tpu.memref_slice %arg9[%dma_start3A_110, %dma_start3A_111] : memref<256x128xf32, #tpu.memory_space<vmem>> -> memref<128x128xf32, #tpu.memory_space<vmem>>
      %dma_start3A_113 = arith.constant 384 : i32
      %dma_start3A_114 = tpu.memref_slice %arg7[%dma_start3A_113] : memref<1024xi32, #tpu.memory_space<vmem>> -> memref<128xi32, #tpu.memory_space<vmem>>
      %dma_start3A_115 = arith.constant 0 : i32
      %dma_start3A_116 = arith.constant 0 : i32
      %dma_start3A_117 = tpu.memref_slice %arg4[%dma_start3A_115, %dma_start3A_116] : memref<20000x128xf32, #tpu.memory_space<hbm>> -> memref<20000x128xf32, #tpu.memory_space<hbm>>
      tpu.enqueue_indirect_dma source(%dma_start3A_117 : memref<20000x128xf32, #tpu.memory_space<hbm>>) target(%dma_start3A_112 : memref<128x128xf32, #tpu.memory_space<vmem>>) offsets(%dma_start3A_114 : memref<128xi32, #tpu.memory_space<vmem>>) semaphore(%arg12 : memref<!tpu.dma_semaphore, #tpu.memory_space<semaphore_mem>>)
      %dma_wait3A_118 = arith.constant 128 : i32
      %dma_wait3A_119 = arith.constant 0 : i32
      %dma_wait3A_120 = tpu.memref_slice %arg9[%dma_wait3A_118, %dma_wait3A_119] : memref<256x128xf32, #tpu.memory_space<vmem>> -> memref<128x128xf32, #tpu.memory_space<vmem>>
      %dma_wait3A_121 = arith.constant 384 : i32
      %dma_wait3A_122 = tpu.memref_slice %arg7[%dma_wait3A_121] : memref<1024xi32, #tpu.memory_space<vmem>> -> memref<128xi32, #tpu.memory_space<vmem>>
      %dma_wait3A_123 = arith.constant 0 : i32
      %dma_wait3A_124 = arith.constant 0 : i32
      %dma_wait3A_125 = tpu.memref_slice %arg4[%dma_wait3A_123, %dma_wait3A_124] : memref<20000x128xf32, #tpu.memory_space<hbm>> -> memref<20000x128xf32, #tpu.memory_space<hbm>>
      tpu.wait_indirect_dma semaphore(%arg12 : memref<!tpu.dma_semaphore, #tpu.memory_space<semaphore_mem>>) src(%dma_wait3A_125 : memref<20000x128xf32, #tpu.memory_space<hbm>>) dst(%dma_wait3A_120 : memref<128x128xf32, #tpu.memory_space<vmem>>)
      %dma_start3A_126 = arith.constant 3 : i32
      %dma_start3A_127 = arith.constant 128 : i32
      %dma_start3A_128 = arith.constant 0 : i32
      %dma_start3A_129 = tpu.memref_slice %arg9[%dma_start3A_127, %dma_start3A_128] : memref<256x128xf32, #tpu.memory_space<vmem>> -> memref<128x128xf32, #tpu.memory_space<vmem>>
      %dma_start3A_130 = arith.constant 0 : i32
      %dma_start3A_131 = tpu.memref_slice %arg8[%dma_start3A_126, %dma_start3A_130] : memref<8x128xi32, #tpu.memory_space<vmem>> -> memref<1x128xi32, #tpu.memory_space<vmem>>
      %dma_start3A_132 = tpu.memref_squeeze %dma_start3A_131 : memref<1x128xi32, #tpu.memory_space<vmem>> -> memref<128xi32, #tpu.memory_space<vmem>>
      %dma_start3A_133 = arith.constant 0 : i32
      %dma_start3A_134 = arith.constant 0 : i32
      %dma_start3A_135 = tpu.memref_slice %arg10[%dma_start3A_133, %dma_start3A_134] : memref<10112x128xf32, #tpu.memory_space<vmem_shared>> -> memref<10112x128xf32, #tpu.memory_space<vmem_shared>>
      tpu.enqueue_indirect_dma source(%dma_start3A_129 : memref<128x128xf32, #tpu.memory_space<vmem>>) target(%dma_start3A_135 : memref<10112x128xf32, #tpu.memory_space<vmem_shared>>) offsets(%dma_start3A_132 : memref<128xi32, #tpu.memory_space<vmem>>) semaphore(%arg14 : memref<!tpu.dma_semaphore, #tpu.memory_space<semaphore_mem>>) {add = true}
      %dma_wait3A_136 = arith.constant 2 : i32
      %dma_wait3A_137 = arith.constant 0 : i32
      %dma_wait3A_138 = arith.constant 0 : i32
      %dma_wait3A_139 = tpu.memref_slice %arg9[%dma_wait3A_137, %dma_wait3A_138] : memref<256x128xf32, #tpu.memory_space<vmem>> -> memref<128x128xf32, #tpu.memory_space<vmem>>
      %dma_wait3A_140 = arith.constant 0 : i32
      %dma_wait3A_141 = tpu.memref_slice %arg8[%dma_wait3A_136, %dma_wait3A_140] : memref<8x128xi32, #tpu.memory_space<vmem>> -> memref<1x128xi32, #tpu.memory_space<vmem>>
      %dma_wait3A_142 = tpu.memref_squeeze %dma_wait3A_141 : memref<1x128xi32, #tpu.memory_space<vmem>> -> memref<128xi32, #tpu.memory_space<vmem>>
      %dma_wait3A_143 = arith.constant 0 : i32
      %dma_wait3A_144 = arith.constant 0 : i32
      %dma_wait3A_145 = tpu.memref_slice %arg10[%dma_wait3A_143, %dma_wait3A_144] : memref<10112x128xf32, #tpu.memory_space<vmem_shared>> -> memref<10112x128xf32, #tpu.memory_space<vmem_shared>>
      tpu.wait_indirect_dma semaphore(%arg13 : memref<!tpu.dma_semaphore, #tpu.memory_space<semaphore_mem>>) src(%dma_wait3A_139 : memref<128x128xf32, #tpu.memory_space<vmem>>) dst(%dma_wait3A_145 : memref<10112x128xf32, #tpu.memory_space<vmem_shared>>)
      %dma_start3A_146 = arith.constant 0 : i32
      %dma_start3A_147 = arith.constant 0 : i32
      %dma_start3A_148 = tpu.memref_slice %arg9[%dma_start3A_146, %dma_start3A_147] : memref<256x128xf32, #tpu.memory_space<vmem>> -> memref<128x128xf32, #tpu.memory_space<vmem>>
      %dma_start3A_149 = arith.constant 512 : i32
      %dma_start3A_150 = tpu.memref_slice %arg7[%dma_start3A_149] : memref<1024xi32, #tpu.memory_space<vmem>> -> memref<128xi32, #tpu.memory_space<vmem>>
      %dma_start3A_151 = arith.constant 0 : i32
      %dma_start3A_152 = arith.constant 0 : i32
      %dma_start3A_153 = tpu.memref_slice %arg4[%dma_start3A_151, %dma_start3A_152] : memref<20000x128xf32, #tpu.memory_space<hbm>> -> memref<20000x128xf32, #tpu.memory_space<hbm>>
      tpu.enqueue_indirect_dma source(%dma_start3A_153 : memref<20000x128xf32, #tpu.memory_space<hbm>>) target(%dma_start3A_148 : memref<128x128xf32, #tpu.memory_space<vmem>>) offsets(%dma_start3A_150 : memref<128xi32, #tpu.memory_space<vmem>>) semaphore(%arg11 : memref<!tpu.dma_semaphore, #tpu.memory_space<semaphore_mem>>)
      %dma_wait3A_154 = arith.constant 0 : i32
      %dma_wait3A_155 = arith.constant 0 : i32
      %dma_wait3A_156 = tpu.memref_slice %arg9[%dma_wait3A_154, %dma_wait3A_155] : memref<256x128xf32, #tpu.memory_space<vmem>> -> memref<128x128xf32, #tpu.memory_space<vmem>>
      %dma_wait3A_157 = arith.constant 512 : i32
      %dma_wait3A_158 = tpu.memref_slice %arg7[%dma_wait3A_157] : memref<1024xi32, #tpu.memory_space<vmem>> -> memref<128xi32, #tpu.memory_space<vmem>>
      %dma_wait3A_159 = arith.constant 0 : i32
      %dma_wait3A_160 = arith.constant 0 : i32
      %dma_wait3A_161 = tpu.memref_slice %arg4[%dma_wait3A_159, %dma_wait3A_160] : memref<20000x128xf32, #tpu.memory_space<hbm>> -> memref<20000x128xf32, #tpu.memory_space<hbm>>
      tpu.wait_indirect_dma semaphore(%arg11 : memref<!tpu.dma_semaphore, #tpu.memory_space<semaphore_mem>>) src(%dma_wait3A_161 : memref<20000x128xf32, #tpu.memory_space<hbm>>) dst(%dma_wait3A_156 : memref<128x128xf32, #tpu.memory_space<vmem>>)
      %dma_start3A_162 = arith.constant 4 : i32
      %dma_start3A_163 = arith.constant 0 : i32
      %dma_start3A_164 = arith.constant 0 : i32
      %dma_start3A_165 = tpu.memref_slice %arg9[%dma_start3A_163, %dma_start3A_164] : memref<256x128xf32, #tpu.memory_space<vmem>> -> memref<128x128xf32, #tpu.memory_space<vmem>>
      %dma_start3A_166 = arith.constant 0 : i32
      %dma_start3A_167 = tpu.memref_slice %arg8[%dma_start3A_162, %dma_start3A_166] : memref<8x128xi32, #tpu.memory_space<vmem>> -> memref<1x128xi32, #tpu.memory_space<vmem>>
      %dma_start3A_168 = tpu.memref_squeeze %dma_start3A_167 : memref<1x128xi32, #tpu.memory_space<vmem>> -> memref<128xi32, #tpu.memory_space<vmem>>
      %dma_start3A_169 = arith.constant 0 : i32
      %dma_start3A_170 = arith.constant 0 : i32
      %dma_start3A_171 = tpu.memref_slice %arg10[%dma_start3A_169, %dma_start3A_170] : memref<10112x128xf32, #tpu.memory_space<vmem_shared>> -> memref<10112x128xf32, #tpu.memory_space<vmem_shared>>
      tpu.enqueue_indirect_dma source(%dma_start3A_165 : memref<128x128xf32, #tpu.memory_space<vmem>>) target(%dma_start3A_171 : memref<10112x128xf32, #tpu.memory_space<vmem_shared>>) offsets(%dma_start3A_168 : memref<128xi32, #tpu.memory_space<vmem>>) semaphore(%arg13 : memref<!tpu.dma_semaphore, #tpu.memory_space<semaphore_mem>>) {add = true}
      %dma_wait3A_172 = arith.constant 3 : i32
      %dma_wait3A_173 = arith.constant 128 : i32
      %dma_wait3A_174 = arith.constant 0 : i32
      %dma_wait3A_175 = tpu.memref_slice %arg9[%dma_wait3A_173, %dma_wait3A_174] : memref<256x128xf32, #tpu.memory_space<vmem>> -> memref<128x128xf32, #tpu.memory_space<vmem>>
      %dma_wait3A_176 = arith.constant 0 : i32
      %dma_wait3A_177 = tpu.memref_slice %arg8[%dma_wait3A_172, %dma_wait3A_176] : memref<8x128xi32, #tpu.memory_space<vmem>> -> memref<1x128xi32, #tpu.memory_space<vmem>>
      %dma_wait3A_178 = tpu.memref_squeeze %dma_wait3A_177 : memref<1x128xi32, #tpu.memory_space<vmem>> -> memref<128xi32, #tpu.memory_space<vmem>>
      %dma_wait3A_179 = arith.constant 0 : i32
      %dma_wait3A_180 = arith.constant 0 : i32
      %dma_wait3A_181 = tpu.memref_slice %arg10[%dma_wait3A_179, %dma_wait3A_180] : memref<10112x128xf32, #tpu.memory_space<vmem_shared>> -> memref<10112x128xf32, #tpu.memory_space<vmem_shared>>
      tpu.wait_indirect_dma semaphore(%arg14 : memref<!tpu.dma_semaphore, #tpu.memory_space<semaphore_mem>>) src(%dma_wait3A_175 : memref<128x128xf32, #tpu.memory_space<vmem>>) dst(%dma_wait3A_181 : memref<10112x128xf32, #tpu.memory_space<vmem_shared>>)
      %dma_start3A_182 = arith.constant 128 : i32
      %dma_start3A_183 = arith.constant 0 : i32
      %dma_start3A_184 = tpu.memref_slice %arg9[%dma_start3A_182, %dma_start3A_183] : memref<256x128xf32, #tpu.memory_space<vmem>> -> memref<128x128xf32, #tpu.memory_space<vmem>>
      %dma_start3A_185 = arith.constant 640 : i32
      %dma_start3A_186 = tpu.memref_slice %arg7[%dma_start3A_185] : memref<1024xi32, #tpu.memory_space<vmem>> -> memref<128xi32, #tpu.memory_space<vmem>>
      %dma_start3A_187 = arith.constant 0 : i32
      %dma_start3A_188 = arith.constant 0 : i32
      %dma_start3A_189 = tpu.memref_slice %arg4[%dma_start3A_187, %dma_start3A_188] : memref<20000x128xf32, #tpu.memory_space<hbm>> -> memref<20000x128xf32, #tpu.memory_space<hbm>>
      tpu.enqueue_indirect_dma source(%dma_start3A_189 : memref<20000x128xf32, #tpu.memory_space<hbm>>) target(%dma_start3A_184 : memref<128x128xf32, #tpu.memory_space<vmem>>) offsets(%dma_start3A_186 : memref<128xi32, #tpu.memory_space<vmem>>) semaphore(%arg12 : memref<!tpu.dma_semaphore, #tpu.memory_space<semaphore_mem>>)
      %dma_wait3A_190 = arith.constant 128 : i32
      %dma_wait3A_191 = arith.constant 0 : i32
      %dma_wait3A_192 = tpu.memref_slice %arg9[%dma_wait3A_190, %dma_wait3A_191] : memref<256x128xf32, #tpu.memory_space<vmem>> -> memref<128x128xf32, #tpu.memory_space<vmem>>
      %dma_wait3A_193 = arith.constant 640 : i32
      %dma_wait3A_194 = tpu.memref_slice %arg7[%dma_wait3A_193] : memref<1024xi32, #tpu.memory_space<vmem>> -> memref<128xi32, #tpu.memory_space<vmem>>
      %dma_wait3A_195 = arith.constant 0 : i32
      %dma_wait3A_196 = arith.constant 0 : i32
      %dma_wait3A_197 = tpu.memref_slice %arg4[%dma_wait3A_195, %dma_wait3A_196] : memref<20000x128xf32, #tpu.memory_space<hbm>> -> memref<20000x128xf32, #tpu.memory_space<hbm>>
      tpu.wait_indirect_dma semaphore(%arg12 : memref<!tpu.dma_semaphore, #tpu.memory_space<semaphore_mem>>) src(%dma_wait3A_197 : memref<20000x128xf32, #tpu.memory_space<hbm>>) dst(%dma_wait3A_192 : memref<128x128xf32, #tpu.memory_space<vmem>>)
      %dma_start3A_198 = arith.constant 5 : i32
      %dma_start3A_199 = arith.constant 128 : i32
      %dma_start3A_200 = arith.constant 0 : i32
      %dma_start3A_201 = tpu.memref_slice %arg9[%dma_start3A_199, %dma_start3A_200] : memref<256x128xf32, #tpu.memory_space<vmem>> -> memref<128x128xf32, #tpu.memory_space<vmem>>
      %dma_start3A_202 = arith.constant 0 : i32
      %dma_start3A_203 = tpu.memref_slice %arg8[%dma_start3A_198, %dma_start3A_202] : memref<8x128xi32, #tpu.memory_space<vmem>> -> memref<1x128xi32, #tpu.memory_space<vmem>>
      %dma_start3A_204 = tpu.memref_squeeze %dma_start3A_203 : memref<1x128xi32, #tpu.memory_space<vmem>> -> memref<128xi32, #tpu.memory_space<vmem>>
      %dma_start3A_205 = arith.constant 0 : i32
      %dma_start3A_206 = arith.constant 0 : i32
      %dma_start3A_207 = tpu.memref_slice %arg10[%dma_start3A_205, %dma_start3A_206] : memref<10112x128xf32, #tpu.memory_space<vmem_shared>> -> memref<10112x128xf32, #tpu.memory_space<vmem_shared>>
      tpu.enqueue_indirect_dma source(%dma_start3A_201 : memref<128x128xf32, #tpu.memory_space<vmem>>) target(%dma_start3A_207 : memref<10112x128xf32, #tpu.memory_space<vmem_shared>>) offsets(%dma_start3A_204 : memref<128xi32, #tpu.memory_space<vmem>>) semaphore(%arg14 : memref<!tpu.dma_semaphore, #tpu.memory_space<semaphore_mem>>) {add = true}
      %dma_wait3A_208 = arith.constant 4 : i32
      %dma_wait3A_209 = arith.constant 0 : i32
      %dma_wait3A_210 = arith.constant 0 : i32
      %dma_wait3A_211 = tpu.memref_slice %arg9[%dma_wait3A_209, %dma_wait3A_210] : memref<256x128xf32, #tpu.memory_space<vmem>> -> memref<128x128xf32, #tpu.memory_space<vmem>>
      %dma_wait3A_212 = arith.constant 0 : i32
      %dma_wait3A_213 = tpu.memref_slice %arg8[%dma_wait3A_208, %dma_wait3A_212] : memref<8x128xi32, #tpu.memory_space<vmem>> -> memref<1x128xi32, #tpu.memory_space<vmem>>
      %dma_wait3A_214 = tpu.memref_squeeze %dma_wait3A_213 : memref<1x128xi32, #tpu.memory_space<vmem>> -> memref<128xi32, #tpu.memory_space<vmem>>
      %dma_wait3A_215 = arith.constant 0 : i32
      %dma_wait3A_216 = arith.constant 0 : i32
      %dma_wait3A_217 = tpu.memref_slice %arg10[%dma_wait3A_215, %dma_wait3A_216] : memref<10112x128xf32, #tpu.memory_space<vmem_shared>> -> memref<10112x128xf32, #tpu.memory_space<vmem_shared>>
      tpu.wait_indirect_dma semaphore(%arg13 : memref<!tpu.dma_semaphore, #tpu.memory_space<semaphore_mem>>) src(%dma_wait3A_211 : memref<128x128xf32, #tpu.memory_space<vmem>>) dst(%dma_wait3A_217 : memref<10112x128xf32, #tpu.memory_space<vmem_shared>>)
      %dma_start3A_218 = arith.constant 0 : i32
      %dma_start3A_219 = arith.constant 0 : i32
      %dma_start3A_220 = tpu.memref_slice %arg9[%dma_start3A_218, %dma_start3A_219] : memref<256x128xf32, #tpu.memory_space<vmem>> -> memref<128x128xf32, #tpu.memory_space<vmem>>
      %dma_start3A_221 = arith.constant 768 : i32
      %dma_start3A_222 = tpu.memref_slice %arg7[%dma_start3A_221] : memref<1024xi32, #tpu.memory_space<vmem>> -> memref<128xi32, #tpu.memory_space<vmem>>
      %dma_start3A_223 = arith.constant 0 : i32
      %dma_start3A_224 = arith.constant 0 : i32
      %dma_start3A_225 = tpu.memref_slice %arg4[%dma_start3A_223, %dma_start3A_224] : memref<20000x128xf32, #tpu.memory_space<hbm>> -> memref<20000x128xf32, #tpu.memory_space<hbm>>
      tpu.enqueue_indirect_dma source(%dma_start3A_225 : memref<20000x128xf32, #tpu.memory_space<hbm>>) target(%dma_start3A_220 : memref<128x128xf32, #tpu.memory_space<vmem>>) offsets(%dma_start3A_222 : memref<128xi32, #tpu.memory_space<vmem>>) semaphore(%arg11 : memref<!tpu.dma_semaphore, #tpu.memory_space<semaphore_mem>>)
      %dma_wait3A_226 = arith.constant 0 : i32
      %dma_wait3A_227 = arith.constant 0 : i32
      %dma_wait3A_228 = tpu.memref_slice %arg9[%dma_wait3A_226, %dma_wait3A_227] : memref<256x128xf32, #tpu.memory_space<vmem>> -> memref<128x128xf32, #tpu.memory_space<vmem>>
      %dma_wait3A_229 = arith.constant 768 : i32
      %dma_wait3A_230 = tpu.memref_slice %arg7[%dma_wait3A_229] : memref<1024xi32, #tpu.memory_space<vmem>> -> memref<128xi32, #tpu.memory_space<vmem>>
      %dma_wait3A_231 = arith.constant 0 : i32
      %dma_wait3A_232 = arith.constant 0 : i32
      %dma_wait3A_233 = tpu.memref_slice %arg4[%dma_wait3A_231, %dma_wait3A_232] : memref<20000x128xf32, #tpu.memory_space<hbm>> -> memref<20000x128xf32, #tpu.memory_space<hbm>>
      tpu.wait_indirect_dma semaphore(%arg11 : memref<!tpu.dma_semaphore, #tpu.memory_space<semaphore_mem>>) src(%dma_wait3A_233 : memref<20000x128xf32, #tpu.memory_space<hbm>>) dst(%dma_wait3A_228 : memref<128x128xf32, #tpu.memory_space<vmem>>)
      %dma_start3A_234 = arith.constant 6 : i32
      %dma_start3A_235 = arith.constant 0 : i32
      %dma_start3A_236 = arith.constant 0 : i32
      %dma_start3A_237 = tpu.memref_slice %arg9[%dma_start3A_235, %dma_start3A_236] : memref<256x128xf32, #tpu.memory_space<vmem>> -> memref<128x128xf32, #tpu.memory_space<vmem>>
      %dma_start3A_238 = arith.constant 0 : i32
      %dma_start3A_239 = tpu.memref_slice %arg8[%dma_start3A_234, %dma_start3A_238] : memref<8x128xi32, #tpu.memory_space<vmem>> -> memref<1x128xi32, #tpu.memory_space<vmem>>
      %dma_start3A_240 = tpu.memref_squeeze %dma_start3A_239 : memref<1x128xi32, #tpu.memory_space<vmem>> -> memref<128xi32, #tpu.memory_space<vmem>>
      %dma_start3A_241 = arith.constant 0 : i32
      %dma_start3A_242 = arith.constant 0 : i32
      %dma_start3A_243 = tpu.memref_slice %arg10[%dma_start3A_241, %dma_start3A_242] : memref<10112x128xf32, #tpu.memory_space<vmem_shared>> -> memref<10112x128xf32, #tpu.memory_space<vmem_shared>>
      tpu.enqueue_indirect_dma source(%dma_start3A_237 : memref<128x128xf32, #tpu.memory_space<vmem>>) target(%dma_start3A_243 : memref<10112x128xf32, #tpu.memory_space<vmem_shared>>) offsets(%dma_start3A_240 : memref<128xi32, #tpu.memory_space<vmem>>) semaphore(%arg13 : memref<!tpu.dma_semaphore, #tpu.memory_space<semaphore_mem>>) {add = true}
      %dma_wait3A_244 = arith.constant 5 : i32
      %dma_wait3A_245 = arith.constant 128 : i32
      %dma_wait3A_246 = arith.constant 0 : i32
      %dma_wait3A_247 = tpu.memref_slice %arg9[%dma_wait3A_245, %dma_wait3A_246] : memref<256x128xf32, #tpu.memory_space<vmem>> -> memref<128x128xf32, #tpu.memory_space<vmem>>
      %dma_wait3A_248 = arith.constant 0 : i32
      %dma_wait3A_249 = tpu.memref_slice %arg8[%dma_wait3A_244, %dma_wait3A_248] : memref<8x128xi32, #tpu.memory_space<vmem>> -> memref<1x128xi32, #tpu.memory_space<vmem>>
      %dma_wait3A_250 = tpu.memref_squeeze %dma_wait3A_249 : memref<1x128xi32, #tpu.memory_space<vmem>> -> memref<128xi32, #tpu.memory_space<vmem>>
      %dma_wait3A_251 = arith.constant 0 : i32
      %dma_wait3A_252 = arith.constant 0 : i32
      %dma_wait3A_253 = tpu.memref_slice %arg10[%dma_wait3A_251, %dma_wait3A_252] : memref<10112x128xf32, #tpu.memory_space<vmem_shared>> -> memref<10112x128xf32, #tpu.memory_space<vmem_shared>>
      tpu.wait_indirect_dma semaphore(%arg14 : memref<!tpu.dma_semaphore, #tpu.memory_space<semaphore_mem>>) src(%dma_wait3A_247 : memref<128x128xf32, #tpu.memory_space<vmem>>) dst(%dma_wait3A_253 : memref<10112x128xf32, #tpu.memory_space<vmem_shared>>)
      %dma_start3A_254 = arith.constant 128 : i32
      %dma_start3A_255 = arith.constant 0 : i32
      %dma_start3A_256 = tpu.memref_slice %arg9[%dma_start3A_254, %dma_start3A_255] : memref<256x128xf32, #tpu.memory_space<vmem>> -> memref<128x128xf32, #tpu.memory_space<vmem>>
      %dma_start3A_257 = arith.constant 896 : i32
      %dma_start3A_258 = tpu.memref_slice %arg7[%dma_start3A_257] : memref<1024xi32, #tpu.memory_space<vmem>> -> memref<128xi32, #tpu.memory_space<vmem>>
      %dma_start3A_259 = arith.constant 0 : i32
      %dma_start3A_260 = arith.constant 0 : i32
      %dma_start3A_261 = tpu.memref_slice %arg4[%dma_start3A_259, %dma_start3A_260] : memref<20000x128xf32, #tpu.memory_space<hbm>> -> memref<20000x128xf32, #tpu.memory_space<hbm>>
      tpu.enqueue_indirect_dma source(%dma_start3A_261 : memref<20000x128xf32, #tpu.memory_space<hbm>>) target(%dma_start3A_256 : memref<128x128xf32, #tpu.memory_space<vmem>>) offsets(%dma_start3A_258 : memref<128xi32, #tpu.memory_space<vmem>>) semaphore(%arg12 : memref<!tpu.dma_semaphore, #tpu.memory_space<semaphore_mem>>)
      %dma_wait3A_262 = arith.constant 128 : i32
      %dma_wait3A_263 = arith.constant 0 : i32
      %dma_wait3A_264 = tpu.memref_slice %arg9[%dma_wait3A_262, %dma_wait3A_263] : memref<256x128xf32, #tpu.memory_space<vmem>> -> memref<128x128xf32, #tpu.memory_space<vmem>>
      %dma_wait3A_265 = arith.constant 896 : i32
      %dma_wait3A_266 = tpu.memref_slice %arg7[%dma_wait3A_265] : memref<1024xi32, #tpu.memory_space<vmem>> -> memref<128xi32, #tpu.memory_space<vmem>>
      %dma_wait3A_267 = arith.constant 0 : i32
      %dma_wait3A_268 = arith.constant 0 : i32
      %dma_wait3A_269 = tpu.memref_slice %arg4[%dma_wait3A_267, %dma_wait3A_268] : memref<20000x128xf32, #tpu.memory_space<hbm>> -> memref<20000x128xf32, #tpu.memory_space<hbm>>
      tpu.wait_indirect_dma semaphore(%arg12 : memref<!tpu.dma_semaphore, #tpu.memory_space<semaphore_mem>>) src(%dma_wait3A_269 : memref<20000x128xf32, #tpu.memory_space<hbm>>) dst(%dma_wait3A_264 : memref<128x128xf32, #tpu.memory_space<vmem>>)
      %dma_start3A_270 = arith.constant 7 : i32
      %dma_start3A_271 = arith.constant 128 : i32
      %dma_start3A_272 = arith.constant 0 : i32
      %dma_start3A_273 = tpu.memref_slice %arg9[%dma_start3A_271, %dma_start3A_272] : memref<256x128xf32, #tpu.memory_space<vmem>> -> memref<128x128xf32, #tpu.memory_space<vmem>>
      %dma_start3A_274 = arith.constant 0 : i32
      %dma_start3A_275 = tpu.memref_slice %arg8[%dma_start3A_270, %dma_start3A_274] : memref<8x128xi32, #tpu.memory_space<vmem>> -> memref<1x128xi32, #tpu.memory_space<vmem>>
      %dma_start3A_276 = tpu.memref_squeeze %dma_start3A_275 : memref<1x128xi32, #tpu.memory_space<vmem>> -> memref<128xi32, #tpu.memory_space<vmem>>
      %dma_start3A_277 = arith.constant 0 : i32
      %dma_start3A_278 = arith.constant 0 : i32
      %dma_start3A_279 = tpu.memref_slice %arg10[%dma_start3A_277, %dma_start3A_278] : memref<10112x128xf32, #tpu.memory_space<vmem_shared>> -> memref<10112x128xf32, #tpu.memory_space<vmem_shared>>
      tpu.enqueue_indirect_dma source(%dma_start3A_273 : memref<128x128xf32, #tpu.memory_space<vmem>>) target(%dma_start3A_279 : memref<10112x128xf32, #tpu.memory_space<vmem_shared>>) offsets(%dma_start3A_276 : memref<128xi32, #tpu.memory_space<vmem>>) semaphore(%arg14 : memref<!tpu.dma_semaphore, #tpu.memory_space<semaphore_mem>>) {add = true}
      %dma_wait3A_280 = arith.constant 6 : i32
      %dma_wait3A_281 = arith.constant 0 : i32
      %dma_wait3A_282 = arith.constant 0 : i32
      %dma_wait3A_283 = tpu.memref_slice %arg9[%dma_wait3A_281, %dma_wait3A_282] : memref<256x128xf32, #tpu.memory_space<vmem>> -> memref<128x128xf32, #tpu.memory_space<vmem>>
      %dma_wait3A_284 = arith.constant 0 : i32
      %dma_wait3A_285 = tpu.memref_slice %arg8[%dma_wait3A_280, %dma_wait3A_284] : memref<8x128xi32, #tpu.memory_space<vmem>> -> memref<1x128xi32, #tpu.memory_space<vmem>>
      %dma_wait3A_286 = tpu.memref_squeeze %dma_wait3A_285 : memref<1x128xi32, #tpu.memory_space<vmem>> -> memref<128xi32, #tpu.memory_space<vmem>>
      %dma_wait3A_287 = arith.constant 0 : i32
      %dma_wait3A_288 = arith.constant 0 : i32
      %dma_wait3A_289 = tpu.memref_slice %arg10[%dma_wait3A_287, %dma_wait3A_288] : memref<10112x128xf32, #tpu.memory_space<vmem_shared>> -> memref<10112x128xf32, #tpu.memory_space<vmem_shared>>
      tpu.wait_indirect_dma semaphore(%arg13 : memref<!tpu.dma_semaphore, #tpu.memory_space<semaphore_mem>>) src(%dma_wait3A_283 : memref<128x128xf32, #tpu.memory_space<vmem>>) dst(%dma_wait3A_289 : memref<10112x128xf32, #tpu.memory_space<vmem_shared>>)
      %dma_wait3A_290 = arith.constant 7 : i32
      %dma_wait3A_291 = arith.constant 128 : i32
      %dma_wait3A_292 = arith.constant 0 : i32
      %dma_wait3A_293 = tpu.memref_slice %arg9[%dma_wait3A_291, %dma_wait3A_292] : memref<256x128xf32, #tpu.memory_space<vmem>> -> memref<128x128xf32, #tpu.memory_space<vmem>>
      %dma_wait3A_294 = arith.constant 0 : i32
      %dma_wait3A_295 = tpu.memref_slice %arg8[%dma_wait3A_290, %dma_wait3A_294] : memref<8x128xi32, #tpu.memory_space<vmem>> -> memref<1x128xi32, #tpu.memory_space<vmem>>
      %dma_wait3A_296 = tpu.memref_squeeze %dma_wait3A_295 : memref<1x128xi32, #tpu.memory_space<vmem>> -> memref<128xi32, #tpu.memory_space<vmem>>
      %dma_wait3A_297 = arith.constant 0 : i32
      %dma_wait3A_298 = arith.constant 0 : i32
      %dma_wait3A_299 = tpu.memref_slice %arg10[%dma_wait3A_297, %dma_wait3A_298] : memref<10112x128xf32, #tpu.memory_space<vmem_shared>> -> memref<10112x128xf32, #tpu.memory_space<vmem_shared>>
      tpu.wait_indirect_dma semaphore(%arg14 : memref<!tpu.dma_semaphore, #tpu.memory_space<semaphore_mem>>) src(%dma_wait3A_293 : memref<128x128xf32, #tpu.memory_space<vmem>>) dst(%dma_wait3A_299 : memref<10112x128xf32, #tpu.memory_space<vmem_shared>>)
    }
    %scan3A_7 = arith.constant 20 : i32
    %barrier3A_8 = arith.constant 0 : index
    tpu.barrier barrier_id(%barrier3A_8)
    "tpu.region"() ({
      %run_scoped3A = tpu.sem_alloc : memref<!tpu.dma_semaphore, #tpu.memory_space<semaphore_mem>>
      %dma_start3A = arith.constant 0 : i32
      %dma_start3A_9 = tpu.memref_slice %arg6[%arg0, %mul3A_0, %dma_start3A] : memref<2x10112x128xf32, #tpu.memory_space<hbm>> -> memref<1x632x128xf32, #tpu.memory_space<hbm>>
      %dma_start3A_10 = tpu.memref_squeeze %dma_start3A_9 : memref<1x632x128xf32, #tpu.memory_space<hbm>> -> memref<632x128xf32, #tpu.memory_space<hbm>>
      %dma_start3A_11 = arith.constant 0 : i32
      %dma_start3A_12 = tpu.memref_slice %arg10[%mul3A_0, %dma_start3A_11] : memref<10112x128xf32, #tpu.memory_space<vmem_shared>> -> memref<632x128xf32, #tpu.memory_space<vmem_shared>>
      tpu.enqueue_dma source(%dma_start3A_12 : memref<632x128xf32, #tpu.memory_space<vmem_shared>>) target(%dma_start3A_10 : memref<632x128xf32, #tpu.memory_space<hbm>>) target_semaphore(%run_scoped3A : memref<!tpu.dma_semaphore, #tpu.memory_space<semaphore_mem>>)
      %dma_wait3A = arith.constant 0 : i32
      %dma_wait3A_13 = tpu.memref_slice %arg6[%arg0, %mul3A_0, %dma_wait3A] : memref<2x10112x128xf32, #tpu.memory_space<hbm>> -> memref<1x632x128xf32, #tpu.memory_space<hbm>>
      %dma_wait3A_14 = tpu.memref_squeeze %dma_wait3A_13 : memref<1x632x128xf32, #tpu.memory_space<hbm>> -> memref<632x128xf32, #tpu.memory_space<hbm>>
      %dma_wait3A_15 = arith.constant 0 : i32
      %dma_wait3A_16 = tpu.memref_slice %arg10[%mul3A_0, %dma_wait3A_15] : memref<10112x128xf32, #tpu.memory_space<vmem_shared>> -> memref<632x128xf32, #tpu.memory_space<vmem_shared>>
      tpu.wait_dma2 semaphore(%run_scoped3A : memref<!tpu.dma_semaphore, #tpu.memory_space<semaphore_mem>>) src(%dma_wait3A_16 : memref<632x128xf32, #tpu.memory_space<vmem_shared>>) dst(%dma_wait3A_14 : memref<632x128xf32, #tpu.memory_space<hbm>>)
      tpu.yield
    }) : () -> ()
    return
  }
}

module attributes {stable_mosaic.version = 14 : i64} {
  func.func @_l1_body(%arg0: i32, %arg1: memref<2000x128xf32, #tpu.memory_space<vmem>>, %arg2: memref<2x2000x128xf32, #tpu.memory_space<vmem>>, %arg3: memref<2x2000x128xf32, #tpu.memory_space<vmem>>, %arg4: memref<1x128xf32, #tpu.memory_space<vmem>>, %arg5: memref<384x256xf32, #tpu.memory_space<vmem>>, %arg6: memref<1x256xf32, #tpu.memory_space<vmem>>, %arg7: memref<2x2000x128xf32, #tpu.memory_space<vmem>>, %arg8: memref<2000x1xf32, #tpu.memory_space<vmem>>) attributes {dimension_semantics = [#tpu.dimension_semantics<arbitrary>], iteration_bounds = array<i64: 5>, scalar_prefetch = 0 : i64, scratch_operands = 0 : i64, tpu.core_type = #tpu.core_type<tc>, window_params = [{transform_indices = @transform_0, window_bounds = array<i64: 2000, 128>}, {transform_indices = @transform_1, window_bounds = array<i64: 2, 2000, 128>}, {transform_indices = @transform_2, window_bounds = array<i64: 2, 2000, 128>}, {pipeline_mode = #tpu.pipeline_mode<synchronous>, transform_indices = @transform_3, window_bounds = array<i64: 1, 128>}, {pipeline_mode = #tpu.pipeline_mode<synchronous>, transform_indices = @transform_4, window_bounds = array<i64: 384, 256>}, {pipeline_mode = #tpu.pipeline_mode<synchronous>, transform_indices = @transform_5, window_bounds = array<i64: 1, 256>}, {transform_indices = @transform_6, window_bounds = array<i64: 2, 2000, 128>}, {transform_indices = @transform_7, window_bounds = array<i64: 2000, 1>}]} {
    %get3A = arith.constant 0 : index
    %get3A_0 = arith.constant 0 : index
    %get3A_1 = arith.constant 0 : index
    %get3A_2 = vector.load %arg3[%get3A, %get3A_0, %get3A_1] : memref<2x2000x128xf32, #tpu.memory_space<vmem>>, vector<1x2000x1xf32>
    %get3A_3 = vector.shape_cast %get3A_2 : vector<1x2000x1xf32> to vector<2000x1xf32>
    %get3A_4 = arith.constant 1 : index
    %get3A_5 = arith.constant 0 : index
    %get3A_6 = arith.constant 0 : index
    %get3A_7 = vector.load %arg3[%get3A_4, %get3A_5, %get3A_6] : memref<2x2000x128xf32, #tpu.memory_space<vmem>>, vector<1x2000x1xf32>
    %get3A_8 = vector.shape_cast %get3A_7 : vector<1x2000x1xf32> to vector<2000x1xf32>
    %add3A = arith.addf %get3A_3, %get3A_8 : vector<2000x1xf32>
    %add3A_9 = arith.constant 1.000000e+00 : f32
    %add3A_10 = vector.broadcast %add3A_9 : f32 to vector<2000x1xf32>
    %add3A_11 = arith.addf %add3A, %add3A_10 : vector<2000x1xf32>
    %div3A = arith.constant 1.000000e+00 : f32
    %div3A_12 = vector.broadcast %div3A : f32 to vector<2000x1xf32>
    %div3A_13 = arith.divf %div3A_12, %add3A_11 : vector<2000x1xf32>
    %get3A_14 = arith.constant 0 : index
    %get3A_15 = arith.constant 0 : index
    %get3A_16 = vector.load %arg1[%get3A_14, %get3A_15] : memref<2000x128xf32, #tpu.memory_space<vmem>>, vector<2000x128xf32>
    %get3A_17 = arith.constant 0 : index
    %get3A_18 = arith.constant 0 : index
    %get3A_19 = arith.constant 0 : index
    %get3A_20 = vector.load %arg2[%get3A_17, %get3A_18, %get3A_19] : memref<2x2000x128xf32, #tpu.memory_space<vmem>>, vector<1x2000x128xf32>
    %get3A_21 = vector.shape_cast %get3A_20 : vector<1x2000x128xf32> to vector<2000x128xf32>
    %get3A_22 = arith.constant 1 : index
    %get3A_23 = arith.constant 0 : index
    %get3A_24 = arith.constant 0 : index
    %get3A_25 = vector.load %arg2[%get3A_22, %get3A_23, %get3A_24] : memref<2x2000x128xf32, #tpu.memory_space<vmem>>, vector<1x2000x128xf32>
    %get3A_26 = vector.shape_cast %get3A_25 : vector<1x2000x128xf32> to vector<2000x128xf32>
    %add3A_27 = arith.addf %get3A_21, %get3A_26 : vector<2000x128xf32>
    %add3A_28 = arith.addf %add3A_27, %get3A_16 : vector<2000x128xf32>
    %mul3A = vector.broadcast %div3A_13 : vector<2000x1xf32> to vector<2000x128xf32>
    %mul3A_29 = arith.mulf %add3A_28, %mul3A : vector<2000x128xf32>
    %get3A_30 = arith.constant 0 : index
    %get3A_31 = arith.constant 0 : index
    %get3A_32 = vector.load %arg5[%get3A_30, %get3A_31] : memref<384x256xf32, #tpu.memory_space<vmem>>, vector<384x256xf32>
    %slice3A = vector.extract_strided_slice %get3A_32 {offsets = [0, 0], sizes = [128, 256], strides = [1, 1]} : vector<384x256xf32> to vector<128x256xf32>
    %dot_general3A = arith.constant dense<0.000000e+00> : vector<2000x256xf32>
    %dot_general3A_33 = tpu.matmul %get3A_16, %slice3A, %dot_general3A {dimension_numbers = #tpu.dot_dimension_numbers<[1], [0], [0], [1], [0, 0, 1, 1], [], []>, transpose_lhs_hint = false} : vector<2000x128xf32>, vector<128x256xf32>, vector<2000x256xf32> -> vector<2000x256xf32>
    %slice3A_34 = vector.extract_strided_slice %get3A_32 {offsets = [128, 0], sizes = [128, 256], strides = [1, 1]} : vector<384x256xf32> to vector<128x256xf32>
    %dot_general3A_35 = arith.constant dense<0.000000e+00> : vector<2000x256xf32>
    %dot_general3A_36 = tpu.matmul %mul3A_29, %slice3A_34, %dot_general3A_35 {dimension_numbers = #tpu.dot_dimension_numbers<[1], [0], [0], [1], [0, 0, 1, 1], [], []>, transpose_lhs_hint = false} : vector<2000x128xf32>, vector<128x256xf32>, vector<2000x256xf32> -> vector<2000x256xf32>
    %add3A_37 = arith.addf %dot_general3A_33, %dot_general3A_36 : vector<2000x256xf32>
    %get3A_38 = arith.constant 0 : index
    %get3A_39 = arith.constant 0 : index
    %get3A_40 = vector.load %arg4[%get3A_38, %get3A_39] : memref<1x128xf32, #tpu.memory_space<vmem>>, vector<1x128xf32>
    %slice3A_41 = vector.extract_strided_slice %get3A_32 {offsets = [256, 0], sizes = [128, 256], strides = [1, 1]} : vector<384x256xf32> to vector<128x256xf32>
    %dot_general3A_42 = arith.constant dense<0.000000e+00> : vector<1x256xf32>
    %dot_general3A_43 = tpu.matmul %get3A_40, %slice3A_41, %dot_general3A_42 {dimension_numbers = #tpu.dot_dimension_numbers<[1], [0], [0], [1], [0, 0, 1, 1], [], []>, transpose_lhs_hint = false} : vector<1x128xf32>, vector<128x256xf32>, vector<1x256xf32> -> vector<1x256xf32>
    %add3A_44 = vector.broadcast %dot_general3A_43 : vector<1x256xf32> to vector<2000x256xf32>
    %add3A_45 = arith.addf %add3A_37, %add3A_44 : vector<2000x256xf32>
    %get3A_46 = arith.constant 0 : index
    %get3A_47 = arith.constant 0 : index
    %get3A_48 = vector.load %arg6[%get3A_46, %get3A_47] : memref<1x256xf32, #tpu.memory_space<vmem>>, vector<1x256xf32>
    %add3A_49 = vector.broadcast %get3A_48 : vector<1x256xf32> to vector<2000x256xf32>
    %add3A_50 = arith.addf %add3A_45, %add3A_49 : vector<2000x256xf32>
    %max3A = arith.constant 0.000000e+00 : f32
    %max3A_51 = vector.broadcast %max3A : f32 to vector<2000x256xf32>
    %max3A_52 = arith.maximumf %add3A_50, %max3A_51 : vector<2000x256xf32>
    %slice3A_53 = vector.extract_strided_slice %max3A_52 {offsets = [0, 0], sizes = [2000, 128], strides = [1, 1]} : vector<2000x256xf32> to vector<2000x128xf32>
    %swap3A = arith.constant 0 : index
    %swap3A_54 = arith.constant 0 : index
    %swap3A_55 = arith.constant 0 : index
    %swap3A_56 = vector.load %arg7[%swap3A, %swap3A_54, %swap3A_55] : memref<2x2000x128xf32, #tpu.memory_space<vmem>>, vector<1x2000x128xf32>
    %swap3A_57 = vector.shape_cast %swap3A_56 : vector<1x2000x128xf32> to vector<2000x128xf32>
    %swap3A_58 = vector.shape_cast %slice3A_53 : vector<2000x128xf32> to vector<1x2000x128xf32>
    tpu.vector_store %arg7[%swap3A, %swap3A_54, %swap3A_55], %swap3A_58 {strides = array<i32>} : memref<2x2000x128xf32, #tpu.memory_space<vmem>>, vector<1x2000x128xf32>,
    %slice3A_59 = vector.extract_strided_slice %max3A_52 {offsets = [0, 128], sizes = [2000, 128], strides = [1, 1]} : vector<2000x256xf32> to vector<2000x128xf32>
    %swap3A_60 = arith.constant 1 : index
    %swap3A_61 = arith.constant 0 : index
    %swap3A_62 = arith.constant 0 : index
    %swap3A_63 = vector.load %arg7[%swap3A_60, %swap3A_61, %swap3A_62] : memref<2x2000x128xf32, #tpu.memory_space<vmem>>, vector<1x2000x128xf32>
    %swap3A_64 = vector.shape_cast %swap3A_63 : vector<1x2000x128xf32> to vector<2000x128xf32>
    %swap3A_65 = vector.shape_cast %slice3A_59 : vector<2000x128xf32> to vector<1x2000x128xf32>
    tpu.vector_store %arg7[%swap3A_60, %swap3A_61, %swap3A_62], %swap3A_65 {strides = array<i32>} : memref<2x2000x128xf32, #tpu.memory_space<vmem>>, vector<1x2000x128xf32>,
    %swap3A_66 = arith.constant 0 : index
    %swap3A_67 = arith.constant 0 : index
    %swap3A_68 = vector.load %arg8[%swap3A_66, %swap3A_67] : memref<2000x1xf32, #tpu.memory_space<vmem>>, vector<2000x1xf32>
    tpu.vector_store %arg8[%swap3A_66, %swap3A_67], %div3A_13 {strides = array<i32>} : memref<2000x1xf32, #tpu.memory_space<vmem>>, vector<2000x1xf32>,
    return
  }
  func.func @transform_0(%arg0: i32) -> (i32, i32) {
    %c0_i32 = arith.constant 0 : i32
    %c0_i32_0 = arith.constant 0 : i32
    return %arg0, %c0_i32 : i32, i32
  }
  func.func @transform_1(%arg0: i32) -> (i32, i32, i32) {
    %c0_i32 = arith.constant 0 : i32
    %c0_i32_0 = arith.constant 0 : i32
    %c0_i32_1 = arith.constant 0 : i32
    return %c0_i32, %arg0, %c0_i32_0 : i32, i32, i32
  }
  func.func @transform_2(%arg0: i32) -> (i32, i32, i32) {
    %c0_i32 = arith.constant 0 : i32
    %c0_i32_0 = arith.constant 0 : i32
    %c0_i32_1 = arith.constant 0 : i32
    return %c0_i32, %arg0, %c0_i32_0 : i32, i32, i32
  }
  func.func @transform_3(%arg0: i32) -> (i32, i32) {
    %c0_i32 = arith.constant 0 : i32
    %c0_i32_0 = arith.constant 0 : i32
    %c0_i32_1 = arith.constant 0 : i32
    return %c0_i32, %c0_i32_0 : i32, i32
  }
  func.func @transform_4(%arg0: i32) -> (i32, i32) {
    %c0_i32 = arith.constant 0 : i32
    %c0_i32_0 = arith.constant 0 : i32
    %c0_i32_1 = arith.constant 0 : i32
    return %c0_i32, %c0_i32_0 : i32, i32
  }
  func.func @transform_5(%arg0: i32) -> (i32, i32) {
    %c0_i32 = arith.constant 0 : i32
    %c0_i32_0 = arith.constant 0 : i32
    %c0_i32_1 = arith.constant 0 : i32
    return %c0_i32, %c0_i32_0 : i32, i32
  }
  func.func @transform_6(%arg0: i32) -> (i32, i32, i32) {
    %c0_i32 = arith.constant 0 : i32
    %c0_i32_0 = arith.constant 0 : i32
    %c0_i32_1 = arith.constant 0 : i32
    return %c0_i32, %arg0, %c0_i32_0 : i32, i32, i32
  }
  func.func @transform_7(%arg0: i32) -> (i32, i32) {
    %c0_i32 = arith.constant 0 : i32
    %c0_i32_0 = arith.constant 0 : i32
    return %arg0, %c0_i32 : i32, i32
  }
}

module attributes {stable_mosaic.version = 14 : i64} {
  func.func @_l2_body(%arg0: i32, %arg1: memref<2x2000x128xf32, #tpu.memory_space<vmem>>, %arg2: memref<2x2000x128xf32, #tpu.memory_space<vmem>>, %arg3: memref<2000x1xf32, #tpu.memory_space<vmem>>, %arg4: memref<1x128xf32, #tpu.memory_space<vmem>>, %arg5: memref<640x256xf32, #tpu.memory_space<vmem>>, %arg6: memref<1x256xf32, #tpu.memory_space<vmem>>, %arg7: memref<384x128xf32, #tpu.memory_space<vmem>>, %arg8: memref<1x128xf32, #tpu.memory_space<vmem>>, %arg9: memref<128x1xf32, #tpu.memory_space<vmem>>, %arg10: memref<1x1xf32, #tpu.memory_space<vmem>>, %arg11: memref<2000x1xf32, #tpu.memory_space<vmem>>) attributes {dimension_semantics = [#tpu.dimension_semantics<arbitrary>], iteration_bounds = array<i64: 5>, scalar_prefetch = 0 : i64, scratch_operands = 0 : i64, tpu.core_type = #tpu.core_type<tc>, window_params = [{transform_indices = @transform_0, window_bounds = array<i64: 2, 2000, 128>}, {transform_indices = @transform_1, window_bounds = array<i64: 2, 2000, 128>}, {transform_indices = @transform_2, window_bounds = array<i64: 2000, 1>}, {pipeline_mode = #tpu.pipeline_mode<synchronous>, transform_indices = @transform_3, window_bounds = array<i64: 1, 128>}, {pipeline_mode = #tpu.pipeline_mode<synchronous>, transform_indices = @transform_4, window_bounds = array<i64: 640, 256>}, {pipeline_mode = #tpu.pipeline_mode<synchronous>, transform_indices = @transform_5, window_bounds = array<i64: 1, 256>}, {pipeline_mode = #tpu.pipeline_mode<synchronous>, transform_indices = @transform_6, window_bounds = array<i64: 384, 128>}, {pipeline_mode = #tpu.pipeline_mode<synchronous>, transform_indices = @transform_7, window_bounds = array<i64: 1, 128>}, {pipeline_mode = #tpu.pipeline_mode<synchronous>, transform_indices = @transform_8, window_bounds = array<i64: 128, 1>}, {pipeline_mode = #tpu.pipeline_mode<synchronous>, transform_indices = @transform_9, window_bounds = array<i64: 1, 1>}, {transform_indices = @transform_10, window_bounds = array<i64: 2000, 1>}]} {
    %get3A = arith.constant 0 : index
    %get3A_0 = arith.constant 0 : index
    %get3A_1 = vector.load %arg3[%get3A, %get3A_0] : memref<2000x1xf32, #tpu.memory_space<vmem>>, vector<2000x1xf32>
    %get3A_2 = arith.constant 0 : index
    %get3A_3 = arith.constant 0 : index
    %get3A_4 = arith.constant 0 : index
    %get3A_5 = vector.load %arg1[%get3A_2, %get3A_3, %get3A_4] : memref<2x2000x128xf32, #tpu.memory_space<vmem>>, vector<1x2000x128xf32>
    %get3A_6 = vector.shape_cast %get3A_5 : vector<1x2000x128xf32> to vector<2000x128xf32>
    %get3A_7 = arith.constant 1 : index
    %get3A_8 = arith.constant 0 : index
    %get3A_9 = arith.constant 0 : index
    %get3A_10 = vector.load %arg1[%get3A_7, %get3A_8, %get3A_9] : memref<2x2000x128xf32, #tpu.memory_space<vmem>>, vector<1x2000x128xf32>
    %get3A_11 = vector.shape_cast %get3A_10 : vector<1x2000x128xf32> to vector<2000x128xf32>
    %get3A_12 = arith.constant 0 : index
    %get3A_13 = arith.constant 0 : index
    %get3A_14 = arith.constant 0 : index
    %get3A_15 = vector.load %arg2[%get3A_12, %get3A_13, %get3A_14] : memref<2x2000x128xf32, #tpu.memory_space<vmem>>, vector<1x2000x128xf32>
    %get3A_16 = vector.shape_cast %get3A_15 : vector<1x2000x128xf32> to vector<2000x128xf32>
    %add3A = arith.addf %get3A_16, %get3A_6 : vector<2000x128xf32>
    %mul3A = vector.broadcast %get3A_1 : vector<2000x1xf32> to vector<2000x128xf32>
    %mul3A_17 = arith.mulf %add3A, %mul3A : vector<2000x128xf32>
    %get3A_18 = arith.constant 1 : index
    %get3A_19 = arith.constant 0 : index
    %get3A_20 = arith.constant 0 : index
    %get3A_21 = vector.load %arg2[%get3A_18, %get3A_19, %get3A_20] : memref<2x2000x128xf32, #tpu.memory_space<vmem>>, vector<1x2000x128xf32>
    %get3A_22 = vector.shape_cast %get3A_21 : vector<1x2000x128xf32> to vector<2000x128xf32>
    %add3A_23 = arith.addf %get3A_22, %get3A_11 : vector<2000x128xf32>
    %mul3A_24 = vector.broadcast %get3A_1 : vector<2000x1xf32> to vector<2000x128xf32>
    %mul3A_25 = arith.mulf %add3A_23, %mul3A_24 : vector<2000x128xf32>
    %get3A_26 = arith.constant 0 : index
    %get3A_27 = arith.constant 0 : index
    %get3A_28 = vector.load %arg5[%get3A_26, %get3A_27] : memref<640x256xf32, #tpu.memory_space<vmem>>, vector<640x256xf32>
    %slice3A = vector.extract_strided_slice %get3A_28 {offsets = [0, 0], sizes = [128, 256], strides = [1, 1]} : vector<640x256xf32> to vector<128x256xf32>
    %dot_general3A = arith.constant dense<0.000000e+00> : vector<2000x256xf32>
    %dot_general3A_29 = tpu.matmul %get3A_6, %slice3A, %dot_general3A {dimension_numbers = #tpu.dot_dimension_numbers<[1], [0], [0], [1], [0, 0, 1, 1], [], []>, transpose_lhs_hint = false} : vector<2000x128xf32>, vector<128x256xf32>, vector<2000x256xf32> -> vector<2000x256xf32>
    %slice3A_30 = vector.extract_strided_slice %get3A_28 {offsets = [128, 0], sizes = [128, 256], strides = [1, 1]} : vector<640x256xf32> to vector<128x256xf32>
    %dot_general3A_31 = arith.constant dense<0.000000e+00> : vector<2000x256xf32>
    %dot_general3A_32 = tpu.matmul %get3A_11, %slice3A_30, %dot_general3A_31 {dimension_numbers = #tpu.dot_dimension_numbers<[1], [0], [0], [1], [0, 0, 1, 1], [], []>, transpose_lhs_hint = false} : vector<2000x128xf32>, vector<128x256xf32>, vector<2000x256xf32> -> vector<2000x256xf32>
    %add3A_33 = arith.addf %dot_general3A_29, %dot_general3A_32 : vector<2000x256xf32>
    %slice3A_34 = vector.extract_strided_slice %get3A_28 {offsets = [256, 0], sizes = [128, 256], strides = [1, 1]} : vector<640x256xf32> to vector<128x256xf32>
    %dot_general3A_35 = arith.constant dense<0.000000e+00> : vector<2000x256xf32>
    %dot_general3A_36 = tpu.matmul %mul3A_17, %slice3A_34, %dot_general3A_35 {dimension_numbers = #tpu.dot_dimension_numbers<[1], [0], [0], [1], [0, 0, 1, 1], [], []>, transpose_lhs_hint = false} : vector<2000x128xf32>, vector<128x256xf32>, vector<2000x256xf32> -> vector<2000x256xf32>
    %add3A_37 = arith.addf %add3A_33, %dot_general3A_36 : vector<2000x256xf32>
    %slice3A_38 = vector.extract_strided_slice %get3A_28 {offsets = [384, 0], sizes = [128, 256], strides = [1, 1]} : vector<640x256xf32> to vector<128x256xf32>
    %dot_general3A_39 = arith.constant dense<0.000000e+00> : vector<2000x256xf32>
    %dot_general3A_40 = tpu.matmul %mul3A_25, %slice3A_38, %dot_general3A_39 {dimension_numbers = #tpu.dot_dimension_numbers<[1], [0], [0], [1], [0, 0, 1, 1], [], []>, transpose_lhs_hint = false} : vector<2000x128xf32>, vector<128x256xf32>, vector<2000x256xf32> -> vector<2000x256xf32>
    %add3A_41 = arith.addf %add3A_37, %dot_general3A_40 : vector<2000x256xf32>
    %get3A_42 = arith.constant 0 : index
    %get3A_43 = arith.constant 0 : index
    %get3A_44 = vector.load %arg4[%get3A_42, %get3A_43] : memref<1x128xf32, #tpu.memory_space<vmem>>, vector<1x128xf32>
    %slice3A_45 = vector.extract_strided_slice %get3A_28 {offsets = [512, 0], sizes = [128, 256], strides = [1, 1]} : vector<640x256xf32> to vector<128x256xf32>
    %dot_general3A_46 = arith.constant dense<0.000000e+00> : vector<1x256xf32>
    %dot_general3A_47 = tpu.matmul %get3A_44, %slice3A_45, %dot_general3A_46 {dimension_numbers = #tpu.dot_dimension_numbers<[1], [0], [0], [1], [0, 0, 1, 1], [], []>, transpose_lhs_hint = false} : vector<1x128xf32>, vector<128x256xf32>, vector<1x256xf32> -> vector<1x256xf32>
    %add3A_48 = vector.broadcast %dot_general3A_47 : vector<1x256xf32> to vector<2000x256xf32>
    %add3A_49 = arith.addf %add3A_41, %add3A_48 : vector<2000x256xf32>
    %get3A_50 = arith.constant 0 : index
    %get3A_51 = arith.constant 0 : index
    %get3A_52 = vector.load %arg6[%get3A_50, %get3A_51] : memref<1x256xf32, #tpu.memory_space<vmem>>, vector<1x256xf32>
    %add3A_53 = vector.broadcast %get3A_52 : vector<1x256xf32> to vector<2000x256xf32>
    %add3A_54 = arith.addf %add3A_49, %add3A_53 : vector<2000x256xf32>
    %max3A = arith.constant 0.000000e+00 : f32
    %max3A_55 = vector.broadcast %max3A : f32 to vector<2000x256xf32>
    %max3A_56 = arith.maximumf %add3A_54, %max3A_55 : vector<2000x256xf32>
    %get3A_57 = arith.constant 0 : index
    %get3A_58 = arith.constant 0 : index
    %get3A_59 = vector.load %arg7[%get3A_57, %get3A_58] : memref<384x128xf32, #tpu.memory_space<vmem>>, vector<384x128xf32>
    %slice3A_60 = vector.extract_strided_slice %get3A_59 {offsets = [0, 0], sizes = [256, 128], strides = [1, 1]} : vector<384x128xf32> to vector<256x128xf32>
    %dot_general3A_61 = arith.constant dense<0.000000e+00> : vector<2000x128xf32>
    %dot_general3A_62 = tpu.matmul %max3A_56, %slice3A_60, %dot_general3A_61 {dimension_numbers = #tpu.dot_dimension_numbers<[1], [0], [0], [1], [0, 0, 1, 1], [], []>, transpose_lhs_hint = false} : vector<2000x256xf32>, vector<256x128xf32>, vector<2000x128xf32> -> vector<2000x128xf32>
    %get3A_63 = arith.constant 0 : index
    %get3A_64 = arith.constant 0 : index
    %get3A_65 = vector.load %arg4[%get3A_63, %get3A_64] : memref<1x128xf32, #tpu.memory_space<vmem>>, vector<1x128xf32>
    %slice3A_66 = vector.extract_strided_slice %get3A_59 {offsets = [256, 0], sizes = [128, 128], strides = [1, 1]} : vector<384x128xf32> to vector<128x128xf32>
    %dot_general3A_67 = arith.constant dense<0.000000e+00> : vector<1x128xf32>
    %dot_general3A_68 = tpu.matmul %get3A_65, %slice3A_66, %dot_general3A_67 {dimension_numbers = #tpu.dot_dimension_numbers<[1], [0], [0], [1], [0, 0, 1, 1], [], []>, transpose_lhs_hint = false} : vector<1x128xf32>, vector<128x128xf32>, vector<1x128xf32> -> vector<1x128xf32>
    %add3A_69 = vector.broadcast %dot_general3A_68 : vector<1x128xf32> to vector<2000x128xf32>
    %add3A_70 = arith.addf %dot_general3A_62, %add3A_69 : vector<2000x128xf32>
    %get3A_71 = arith.constant 0 : index
    %get3A_72 = arith.constant 0 : index
    %get3A_73 = vector.load %arg8[%get3A_71, %get3A_72] : memref<1x128xf32, #tpu.memory_space<vmem>>, vector<1x128xf32>
    %add3A_74 = vector.broadcast %get3A_73 : vector<1x128xf32> to vector<2000x128xf32>
    %add3A_75 = arith.addf %add3A_70, %add3A_74 : vector<2000x128xf32>
    %max3A_76 = arith.constant 0.000000e+00 : f32
    %max3A_77 = vector.broadcast %max3A_76 : f32 to vector<2000x128xf32>
    %max3A_78 = arith.maximumf %add3A_75, %max3A_77 : vector<2000x128xf32>
    %get3A_79 = arith.constant 0 : index
    %get3A_80 = arith.constant 0 : index
    %get3A_81 = vector.load %arg9[%get3A_79, %get3A_80] : memref<128x1xf32, #tpu.memory_space<vmem>>, vector<128x1xf32>
    %dot_general3A_82 = arith.constant dense<0.000000e+00> : vector<2000x1xf32>
    %dot_general3A_83 = tpu.matmul %max3A_78, %get3A_81, %dot_general3A_82 {dimension_numbers = #tpu.dot_dimension_numbers<[1], [0], [0], [1], [0, 0, 1, 1], [], []>, transpose_lhs_hint = false} : vector<2000x128xf32>, vector<128x1xf32>, vector<2000x1xf32> -> vector<2000x1xf32>
    %get3A_84 = arith.constant 0 : index
    %get3A_85 = arith.constant 0 : index
    %get3A_86 = vector.load %arg10[%get3A_84, %get3A_85] : memref<1x1xf32, #tpu.memory_space<vmem>>, vector<1x1xf32>
    %add3A_87 = vector.broadcast %get3A_86 : vector<1x1xf32> to vector<2000x1xf32>
    %add3A_88 = arith.addf %dot_general3A_83, %add3A_87 : vector<2000x1xf32>
    %swap3A = arith.constant 0 : index
    %swap3A_89 = arith.constant 0 : index
    %swap3A_90 = vector.load %arg11[%swap3A, %swap3A_89] : memref<2000x1xf32, #tpu.memory_space<vmem>>, vector<2000x1xf32>
    tpu.vector_store %arg11[%swap3A, %swap3A_89], %add3A_88 {strides = array<i32>} : memref<2000x1xf32, #tpu.memory_space<vmem>>, vector<2000x1xf32>,
    return
  }
  func.func @transform_0(%arg0: i32) -> (i32, i32, i32) {
    %c0_i32 = arith.constant 0 : i32
    %c0_i32_0 = arith.constant 0 : i32
    %c0_i32_1 = arith.constant 0 : i32
    return %c0_i32, %arg0, %c0_i32_0 : i32, i32, i32
  }
  func.func @transform_1(%arg0: i32) -> (i32, i32, i32) {
    %c0_i32 = arith.constant 0 : i32
    %c0_i32_0 = arith.constant 0 : i32
    %c0_i32_1 = arith.constant 0 : i32
    return %c0_i32, %arg0, %c0_i32_0 : i32, i32, i32
  }
  func.func @transform_2(%arg0: i32) -> (i32, i32) {
    %c0_i32 = arith.constant 0 : i32
    %c0_i32_0 = arith.constant 0 : i32
    return %arg0, %c0_i32 : i32, i32
  }
  func.func @transform_3(%arg0: i32) -> (i32, i32) {
    %c0_i32 = arith.constant 0 : i32
    %c0_i32_0 = arith.constant 0 : i32
    %c0_i32_1 = arith.constant 0 : i32
    return %c0_i32, %c0_i32_0 : i32, i32
  }
  func.func @transform_4(%arg0: i32) -> (i32, i32) {
    %c0_i32 = arith.constant 0 : i32
    %c0_i32_0 = arith.constant 0 : i32
    %c0_i32_1 = arith.constant 0 : i32
    return %c0_i32, %c0_i32_0 : i32, i32
  }
  func.func @transform_5(%arg0: i32) -> (i32, i32) {
    %c0_i32 = arith.constant 0 : i32
    %c0_i32_0 = arith.constant 0 : i32
    %c0_i32_1 = arith.constant 0 : i32
    return %c0_i32, %c0_i32_0 : i32, i32
  }
  func.func @transform_6(%arg0: i32) -> (i32, i32) {
    %c0_i32 = arith.constant 0 : i32
    %c0_i32_0 = arith.constant 0 : i32
    %c0_i32_1 = arith.constant 0 : i32
    return %c0_i32, %c0_i32_0 : i32, i32
  }
  func.func @transform_7(%arg0: i32) -> (i32, i32) {
    %c0_i32 = arith.constant 0 : i32
    %c0_i32_0 = arith.constant 0 : i32
    %c0_i32_1 = arith.constant 0 : i32
    return %c0_i32, %c0_i32_0 : i32, i32
  }
  func.func @transform_8(%arg0: i32) -> (i32, i32) {
    %c0_i32 = arith.constant 0 : i32
    %c0_i32_0 = arith.constant 0 : i32
    %c0_i32_1 = arith.constant 0 : i32
    return %c0_i32, %c0_i32_0 : i32, i32
  }
  func.func @transform_9(%arg0: i32) -> (i32, i32) {
    %c0_i32 = arith.constant 0 : i32
    %c0_i32_0 = arith.constant 0 : i32
    %c0_i32_1 = arith.constant 0 : i32
    return %c0_i32, %c0_i32_0 : i32, i32
  }
  func.func @transform_10(%arg0: i32) -> (i32, i32) {
    %c0_i32 = arith.constant 0 : i32
    %c0_i32_0 = arith.constant 0 : i32
    return %arg0, %c0_i32 : i32, i32
  }
}

</mosaic_0001>

<sc_bundles>
// kernel: kernel.10.cloned.1.call-start
scs
__scs_entry_jumppad:
0x0: {  	(pc) =	sbr.rel $0x88, $3  }
0x1: {  	(tag) =	ssettag $0x0;
	lr =	simm.s32 $0x1  }
0x2: {  	[smem:$0x3F96] =	sst lr;
	_ =	strace $0xD0000000  }
0x3: {  	_ = 	snop  }
0x4: {  	_ = 	snop  }
0x5: {  	_ = 	snop  }
0x6: {  	_ = 	snop  }
0x7: {  	_ = 	snop  }
__scs_overlays_trampoline_lowered:
0x8: {  	[smem:$0x3FA5] =	sst s0  }
0x9: {  	[smem:$0x3FA6] =	sst s1  }
0xa: {  	[smem:$0x3FA7] =	sst s2  }
0xb: {  	[smem:$0x3FA8] =	sst s3  }
0xc: {  	[smem:$0x3FA9] =	sst s4  }
0xd: {  	[smem:$0x3FAA] =	sst s5  }
0xe: {  	[smem:$0x3FAB] =	sst s6  }
0xf: {  	[smem:$0x3FAC] =	sst s7  }
0x10: {  	[smem:$0x3FAD] =	sst s8  }
0x11: {  	[smem:$0x3FAE] =	sst s9;
	s0 =	simm.s32 @!p0 $0x0  }
0x12: {  	s1 =	sld [smem:$0x3F94];
	s0 =	simm.s32 @p0 $0x1  }
0x13: {  	[smem:$0x3FAF] =	sst s0;
	s0 =	simm.s32 @!p1 $0x0  }
0x14: {  	s2 =	sld [smem:$0x3F93];
	s0 =	simm.s32 @p1 $0x1  }
0x15: {  	[smem:$0x3FB0] =	sst s0;
	s0 =	simm.s32 @!p2 $0x0  }
0x16: {  	s3 =	sld [smem:$0x3FDB];
	s0 =	simm.s32 @p2 $0x1  }
0x17: {  	s4 =	simm.s32 $0x1BF5;
	[smem:$0x3FB2] =	sst s0  }
0x18: {  	s0 =	sld [smem:$0x3F95];
	_ =	swait.ge [sflag:s4], $0x0  }
0x19: {  	s7 =	sld [smem:$0x3F96]  }
0x1a: {  	s8 =	sadd.s32 $0xFFFFE003, lr  }
0x1b: {  	s9 =	sadd.s32 $0xFFFFFEF7, lr;
	s5 =	simm.s32 $0xFFFFFFFF;
	p2 =	slt.u32 s8, $0xFFFFF086  }
0x1c: {  	p1 =	slt.u32 s9, $0xF7A;
	s5 =	simm.s32 @!p2 $0x0  }
0x1d: {  	s5 =	simm.s32 @p1 $0x1;
	p0 =	seq.s32 s7, s2  }
0x1e: {  	s7 =	smul.u32 @!p0 $0xF7A, s2;
	p2 =	seq.s32 @!p0 s5, $0x0  }
0x1f: {  	s9 =	smul.u32 $0xF7A, s1;
	s8 =	simm.s32 @!p0 $0x1BF5;
	p2 =	por !p2, p0  }
0x20: {  	[sflag:s8] =	ssyncset.s32 @!p0 $0xFFFFF086;
	s6 =	sadd.s32 @!p0 s3, s7;
	s7 =	simm.s32 @!p0 $0x108  }
0x21: {  	s3 =	sadd.s32 s3, s9;
	s6 =	sadd.s32 @!p0 $0x88, s6;
	s7 =	simm.s32 @p2 $0x1082  }
0x22: {  	[simem:s7], [sflag:s8] =	dma.local @!p0 [hbm:s6], $0xF7A  }
0x23: {  	s9 =	sor.u32 $0xD0000000, s2;
	s6 =	simm.s32 $0x108;
	_ =	swait.ge @!p0 [sflag:s8], $0x0  }
0x24: {  	s3 =	sadd.s32 $0x88, s3;
	s6 =	simm.s32 @!p1 $0x1082;
	[sflag:s4] =	ssyncset.s32 $0xFFFFF086  }
0x25: {  	[simem:s6], [sflag:s4] =	dma.local [hbm:s3], $0xF7A  }
0x26: {  	[smem:$0x3F96] =	sst s1;
	(tag) =	ssettag s2;
	_ =	strace s9  }
0x27: {  	s1 =	sld [smem:$0x3FA6]  }
0x28: {  	s2 =	sld [smem:$0x3FA7]  }
0x29: {  	s4 =	sld [smem:$0x3FA9]  }
0x2a: {  	p0 =	seq.s32 s5, $0x0;
	s5 =	sld [smem:$0x3FAA]  }
0x2b: {  	s6 =	sld [smem:$0x3FAB]  }
0x2c: {  	s7 =	sld [smem:$0x3FAC]  }
0x2d: {  	s3 =	simm.s32 $0x108;
	s8 =	sld [smem:$0x3FAD]  }
0x2e: {  	s3 =	simm.s32 @!p0 $0x1082;
	s9 =	sld [smem:$0x3FAE]  }
0x2f: {  	lr =	sadd.s32 s0, s3;
	s0 =	sld [smem:$0x3FA5]  }
0x30: {  	s3 =	sld [smem:$0x3FA8]  }
0x31: {  	[smem:$0x3FB1] =	sst s10  }
0x32: {  	s10 =	sld [smem:$0x3FAF];
	_ =	sdelay $0x3  }
0x33: {  	p0 =	seq.s32 s10, $0x1;
	s10 =	sld [smem:$0x3FB1];
	_ =	sdelay $0x3  }
0x34: {  	[smem:$0x3FB1] =	sst s10  }
0x35: {  	s10 =	sld [smem:$0x3FB0];
	_ =	sdelay $0x3  }
0x36: {  	p1 =	seq.s32 s10, $0x1;
	s10 =	sld [smem:$0x3FB1];
	_ =	sdelay $0x3  }
0x37: {  	[smem:$0x3FB1] =	sst s10  }
0x38: {  	s10 =	sld [smem:$0x3FB2]  }
0x39: {  	_ = 	snop;
	(pc) =	sbr.ind lr, $3  }
0x3a: {  	_ = 	snop  }
0x3b: {  	_ = 	snop  }
0x3c: {  	p2 =	seq.s32 s10, $0x1;
	s10 =	sld [smem:$0x3FB1]  }
0x3d: {  	_ =	shalt  }
0x3e: {  	_ =	shalt  }
0x3f: {  	_ =	shalt  }
0x40: {  	_ =	shalt  }
0x41: {  	_ =	shalt  }
0x42: {  	_ =	shalt  }
0x43: {  	_ =	shalt  }
0x44: {  	_ =	shalt  }
0x45: {  	_ =	shalt  }
0x46: {  	_ =	shalt  }
0x47: {  	_ =	shalt  }
0x48: {  	_ =	shalt  }
0x49: {  	_ =	shalt  }
0x4a: {  	_ =	shalt  }
0x4b: {  	_ =	shalt  }
0x4c: {  	_ =	shalt  }
0x4d: {  	_ =	shalt  }
0x4e: {  	_ =	shalt  }
0x4f: {  	_ =	shalt  }
0x50: {  	_ =	shalt  }
0x51: {  	_ =	shalt  }
0x52: {  	_ =	shalt  }
0x53: {  	_ =	shalt  }
0x54: {  	_ =	shalt  }
0x55: {  	_ =	shalt  }
0x56: {  	_ =	shalt  }
0x57: {  	_ =	shalt  }
0x58: {  	_ =	shalt  }
0x59: {  	_ =	shalt  }
0x5a: {  	_ =	shalt  }
0x5b: {  	_ =	shalt  }
0x5c: {  	_ =	shalt  }
0x5d: {  	_ =	shalt  }
0x5e: {  	_ =	shalt  }
0x5f: {  	_ =	shalt  }
0x60: {  	_ =	shalt  }
0x61: {  	_ =	shalt  }
0x62: {  	_ =	shalt  }
0x63: {  	_ =	shalt  }
0x64: {  	_ =	shalt  }
0x65: {  	_ =	shalt  }
0x66: {  	_ =	shalt  }
0x67: {  	_ =	shalt  }
0x68: {  	_ =	shalt  }
0x69: {  	_ =	shalt  }
0x6a: {  	_ =	shalt  }
0x6b: {  	_ =	shalt  }
0x6c: {  	_ =	shalt  }
0x6d: {  	_ =	shalt  }
0x6e: {  	_ =	shalt  }
0x6f: {  	_ =	shalt  }
0x70: {  	_ =	shalt  }
0x71: {  	_ =	shalt  }
0x72: {  	_ =	shalt  }
0x73: {  	_ =	shalt  }
0x74: {  	_ =	shalt  }
0x75: {  	_ =	shalt  }
0x76: {  	_ =	shalt  }
0x77: {  	_ =	shalt  }
0x78: {  	_ =	shalt  }
0x79: {  	_ =	shalt  }
0x7a: {  	_ =	shalt  }
0x7b: {  	_ =	shalt  }
0x7c: {  	_ =	shalt  }
0x7d: {  	_ =	shalt  }
0x7e: {  	_ =	shalt  }
0x7f: {  	_ =	shalt  }
0x80: {  	_ =	shalt  }
0x81: {  	_ =	shalt  }
0x82: {  	_ =	shalt  }
0x83: {  	_ =	shalt  }
0x84: {  	_ =	shalt  }
0x85: {  	_ =	shalt  }
0x86: {  	_ =	shalt  }
0x87: {  	_ =	shalt  }
.Lfunc_end0:
.L_simem_size_0:
called_computation.1_lowered:
.L_overlay_start_0:
0x88: {  	s2 =	sld [smem:$0x3FD9]  }
0x89: {  	s3 =	sld [smem:$0x3FFE];
	_ =	sdelay $0x1  }
0x8a: {  	s1 =	srdreg.scid  }
0x8b: {  	s0 =	sand.u32 $0x1, s1  }
0x8c: {  	s17 =	sshll.u32 s0, $0xA;
	s2 =	sadd.s32 s3, s2  }
0x8d: {  	s2 =	sadd.s32 s2, s17  }
0x8e: {  	[smem:$0x3FBD] =	sst s2  }
0x8f: {  	_ = 	snop  }
0x90: {  	(tm) =	ssettm $0x1  }
0x91: {  	s18 =	sld [smem:$0x3FFB];
	_ =	sdelay $0x3  }
0x92: {  	_ =	strace s18  }
0x93: {  	s2 =	sld [smem:$0x3FFC];
	_ =	sdelay $0x3  }
0x94: {  	_ =	strace s2  }
0x95: {  	s2 =	sld [smem:$0x3FFD];
	_ =	sdelay $0x3  }
0x96: {  	_ =	strace s2  }
0x97: {  	_ =	strace $0x8FFFFFFF  }
0x98: {  	s19 =	sld [smem:$0x3FDB];
	_ =	sdelay $0x1  }
0x99: {  	s20 =	simm.s32 $_scs_section_size  }
0x9a: {  	s4 =	simm.s32 $_size__tile_overlayer_lowered;
	s5 =	simm.s32 $_tile_overlayer_lowered  }
0x9b: {  	s6 =	simm.s32 $0x1BFF;
	s21 =	sshll.u32 s5, $0x1;
	s3 =	sadd.s32 s20, s19  }
0x9c: {  	s22 =	simm.s32 $0x0;
	s4 =	sshll.u32 s4, $0x1;
	s5 =	sadd.s32 s21, s3  }
0x9d: {  	[timem:s22], [sflag:s6] =	dma.local [hbm:s5], s4  }
0x9e: {  	_ =	swait.ge [sflag:s6], s4  }
0x9f: {  	s4 =	ssub.s32 $0x0, s4;
	[sflag:s6] =	ssyncset.done $0x0  }
0xa0: {  	[sflag:s6] =	ssyncadd.s32 s4;
	_ =	sdelay $0x1  }
0xa1: {  	s23 =	simm.s32 $0x1B8B  }
0xa2: {  	_ =	swait.ge [sflag:s23], $0x1  }
0xa3: {  	[sflag:s23] =	ssyncset.done $0x0  }
0xa4: {  	[sflag:s23] =	ssyncadd.s32 $0xFFFFFFFF  }
0xa5: {  	s4 =	sld [smem:$0x0]  }
0xa6: {  	s5 =	sand.u32 $0xFFFFFFFE, s1  }
0xa7: {  	p0 =	sne.s32 s1, s5  }
0xa8: {  	s5 =	sshll.u32 @p0 s5, $0xE  }
0xa9: {  	s5 =	sadd.s32 @p0 $0x11B8D, s5;
	s6 =	sshll.u32 @p0 s4, $0x11  }
0xaa: {  	s5 =	sor.u32 @p0 s6, s5  }
0xab: {  	[sflag:s5] =	ssyncadd.remote.s32 @p0 $0x1;
	_ =	sdelay $0x1  }
0xac: {  	s5 =	simm.s32 @p0 $0x1B8D  }
0xad: {  	_ =	swait.eq @p0 [sflag:s5], $0x1  }
0xae: {  	[sflag:s5] =	ssyncadd.s32 @p0 $0xFFFFFFFF  }
0xaf: {  	s6 =	sshll.u32 @!p0 s1, $0xE  }
0xb0: {  	s6 =	sor.u32 @!p0 $0x4000, s6;
	s5 =	simm.s32 @!p0 $0x1B8D  }
0xb1: {  	s4 =	sshll.u32 @!p0 s4, $0x11;
	s6 =	sadd.s32 @!p0 $0x11B8D, s6;
	_ =	swait.eq @!p0 [sflag:s5], $0x1  }
0xb2: {  	s4 =	sor.u32 @!p0 s4, s6;
	[sflag:s5] =	ssyncadd.s32 @!p0 $0xFFFFFFFF  }
0xb3: {  	s25 =	simm.s32 $0x1B8E;
	s24 =	sld [smem:$0x3FFE];
	[sflag:s4] =	ssyncadd.remote.s32 @!p0 $0x1  }
0xb4: {  	s26 =	simm.s32 $execute0_lowered;
	[smem:$0x3FD2] =	sst s25  }
0xb5: {  	s5 =	sshll.u32 s26, $0x1;
	_ =	strace $0x80000049;
	[dreg:$0x1] =	wrdreg $0xFFFFFFFF  }
0xb6: {  	s28 =	simm.s32 $_size_execute0_lowered;
	s3 =	sadd.s32 s3, s5;
	[dreg:$0x0] =	wrdreg $0x0  }
0xb7: {  	s5 =	sshll.u32 s28, $0x1;
	[dreg:$0x2] =	wrdreg s3  }
0xb8: {  	[dreg:$0x3] =	wrdreg s5  }
0xb9: {  	[dreg:$0x4] =	wrdreg $0xC0  }
0xba: {  	_ =	task [dreg:s22], $0x5FFFF  }
0xbb: {  	[dreg:$0x1] =	wrdreg $0xFFFFFFFF  }
0xbc: {  	[dreg:$0x0] =	wrdreg $0x60  }
0xbd: {  	[dreg:$0x2] =	wrdreg s24  }
0xbe: {  	[dreg:$0x3] =	wrdreg $0x40800  }
0xbf: {  	[dreg:$0x4] =	wrdreg $0xA  }
0xc0: {  	_ =	task.clear_ibuf [dreg:s22], $0x5FFFF;
	_ =	strace $0x90000049  }
0xc1: {  	s29 =	simm.s32 $0xA;
	_ =	strace $0x8000004B  }
0xc2: {  	_ =	swait.ge [sflag:s29], $0x1  }
0xc3: {  	[sflag:s29] =	ssyncadd.s32 $0xFFFFFFFF  }
0xc4: {  	_ =	strace $0x9000004B  }
0xc5: {  	_ =	sfence  }
0xc6: {  	s30 =	sld [smem:$0x0];
	_ =	sdelay $0x2  }
0xc7: {  	s31 =	sshll.u32 s1, $0xD;
	s1 =	sshrl.u32 s1, $0x2  }
0xc8: {  	s4 =	sand.u32 $0x4000, s31;
	s1 =	sadd.s32 s1, s30  }
0xc9: {  	s0 =	sor.u32 s4, s0;
	s1 =	sshll.u32 s1, $0x11  }
0xca: {  	s0 =	sor.u32 s1, s0  }
0xcb: {  	s0 =	sadd.s32 $0x8F2B, s0  }
0xcc: {  	[sflag:s0] =	ssyncadd.remote.s32 $0x1  }
0xcd: {  	_ =	sfence.sel $0xFFFF  }
0xce: {  	[dreg:$0x0] =	wrdreg $0xFFFFFFFF;
	(pc) =	sbr.abs _section_cstart, $3  }
0xcf: {  	[dreg:$0x1] =	wrdreg $0xFFFFFFFF  }
0xd0: {  	_ =	task.clear_ibuf [dreg:s22], $0x2FFFF;
	_ =	strace $0x9FFFFFFF  }
0xd1: {  	(tm) =	ssettm $0x7FFFFFFF  }
tec
execute0_lowered:
.L_overlay_start_1:
0x0: {  	(tag) =	ssettag $0x1  }
0x1: {  	s0 =	stileid.u32  }
0x2: {  	s1 =	srdreg.scid;
	s6 =	rddreg [dreg:$0x0]  }
0x3: {  	s2 =	rddreg [dreg:$0x1];
	s4 =	smul.u32 $0xA00, s0  }
0x4: {  	s3 =	simm.s32 $0x0;
	s13 =	simm.s32 $0x0;
	s8 =	smul.u32 $0x13C00, s0  }
0x5: {  	s7 =	sand.u32 $0x1, s1;
	s1 =	rddreg [dreg:$0x2];
	s10 =	smul.u32 $0x4F000, s0  }
0x6: {  	[smem:$0x7FF] =	sst s3;
	s31 =	sshll.u32 s0, $0x6;
	s5 =	smul.u32 $0x13C000, s7  }
0x7: {  	_ =	strace $0x8000004A;
	s30 =	ssub.s32 $0x2, s7;
	s12 =	smul.u32 $0x500, s7  }
0x8: {  	s9 =	sadd.s32 s4, s6;
	s4 =	sadd.s32 $0x20A00, s6;
	s11 =	sshrl.u32 s30, $0x1  }
0x9: {  	s10 =	sshrl.u32 s10, $0x2;
	s5 =	sadd.s32 s8, s5;
	s11 =	ssub.s32 s30, s11  }
0xa: {  	s10 =	sadd.s32 s10, s2;
	s9 =	sadd.s32 s12, s9;
	s12 =	simm.s32 $0x80  }
0xb: {  	s8 =	sshrl.u32 s5, $0x3;
	s5 =	sadd.s32 $0x72200, s6;
	s9 =	sadd.s32 $0xCA00, s9  }
0xc: {  	s10 =	sshrl.u32 s10, $0x3;
	s8 =	sadd.s32 s8, s6;
	s6 =	sor.u32 $0x1C01, s31  }
0xd: {  	s7 =	sadd.s32 $0x72A00, s8;
	s8 =	smax.u32 s11, $0x1;
	s11 =	simm.s32 $0x1  }
.LBB2_1:
0xe: {  	[spmem:s10], [sflag:s6] =	dma.local [hbm:s4], $0x2780  }
0xf: {  	_ =	swait.ge [sflag:s11], $0x2780  }
0x10: {  	[sflag:s11] =	ssyncset.done $0x0  }
0x11: {  	[sflag:s11] =	ssyncadd.s32 $0xFFFFD880  }
0x12: {  	[tilespmem:s12], [sflag:$0x1] =	stream.linear.gather [hbm4b:s5+s3], $0x4000, $0x38;
	[tilespmem:$0x17C80] =	vst v63  }
0x13: {  	_ =	swait.ge [sflag:s11], $0x4000  }
0x14: {  	[sflag:s11] =	ssyncset.done $0x0  }
0x15: {  	[sflag:s11] =	ssyncadd.s32 $0xFFFFC000  }
0x16: {  	s14 =	sadd.s32 $0x0, s9;
	[bflag:$0x0] =	sbarrier.arrive $0xFFFF  }
0x17: {  	[tilespmem:s3], [sflag:$0x1] =	stream.linear.gather [hbm4b:s14+s3], $0x80, $0x38;
	[tilespmem:$0x17C80] =	vst v63  }
0x18: {  	_ =	swait.ge [sflag:s11], $0x80  }
0x19: {  	[sflag:s11] =	ssyncset.done $0x0  }
0x1a: {  	[sflag:s11] =	ssyncadd.s32 $0xFFFFFF80  }
0x1b: {  	[spmem:s2] =	stream.indirect.scatter.add.f32 [tilespmem:s12], [sflag:$0x1], $0x80, s3, s12, $0xb8;
	[tilespmem:$0x17C80] =	vst v63  }
0x1c: {  	_ =	swait.ge [sflag:s11], $0x4000  }
0x1d: {  	s15 =	simm.s32 $0x20;
	s14 =	simm.s32 $0x10;
	[sflag:s11] =	ssyncset.done $0x0  }
.LBB2_2:
0x1e: {  	s16 =	sadd.s32 s14, s9  }
0x1f: {  	[sflag:s11] =	ssyncadd.s32 $0xFFFFC000;
	s14 =	smov.u32 s15;
	s17 =	sadd.s32 $0x10, s15  }
0x20: {  	[tilespmem:s3], [sflag:$0x1] =	stream.linear.gather [hbm4b:s16+s3], $0x80, $0x38;
	[tilespmem:$0x17C80] =	vst v63  }
0x21: {  	p0 =	sne.s32 s15, $0x4F0;
	_ =	swait.ge [sflag:s11], $0x80  }
.Ltmp0:
0x22: {  	[sflag:s11] =	ssyncset.done $0x0;
	(pc) =	sbr.rel @p0 .LBB2_2-.Ltmp0, $4  }
0x23: {  	[sflag:s11] =	ssyncadd.s32 $0xFFFFFF80  }
0x24: {  	[spmem:s2] =	stream.indirect.scatter.add.f32 [tilespmem:s12], [sflag:$0x1], $0x80, s3, s12, $0xb8;
	[tilespmem:$0x17C80] =	vst v63  }
0x25: {  	_ =	swait.ge [sflag:s11], $0x4000  }
0x26: {  	s15 =	smov.u32 s17;
	[sflag:s11] =	ssyncset.done $0x0  }
0x27: {  	s14 =	sadd.s32 s14, s9;
	[sflag:s11] =	ssyncadd.s32 $0xFFFFC000  }
0x28: {  	[tilespmem:s3], [sflag:$0x1] =	stream.linear.gather [hbm4b:s14+s3], $0x80, $0x38;
	[tilespmem:$0x17C80] =	vst v63  }
0x29: {  	_ =	swait.ge [sflag:s11], $0x80  }
0x2a: {  	[sflag:s11] =	ssyncset.done $0x0  }
0x2b: {  	[sflag:s11] =	ssyncadd.s32 $0xFFFFFF80  }
0x2c: {  	[spmem:s2] =	stream.indirect.scatter.add.f32 [tilespmem:s12], [sflag:$0x1], $0x80, s3, s12, $0xb8;
	[tilespmem:$0x17C80] =	vst v63  }
0x2d: {  	_ =	swait.ge [sflag:s11], $0x4000  }
0x2e: {  	s13 =	sadd.s32 $0x1, s13;
	[sflag:s11] =	ssyncset.done $0x0  }
0x2f: {  	p0 =	sne.s32 s13, s8;
	[sflag:s11] =	ssyncadd.s32 $0xFFFFC000  }
.Ltmp1:
0x30: {  	[bflag:$0x0] =	sbarrier.arrive $0xFFFF;
	(pc) =	sbr.rel @p0 .LBB2_1-.Ltmp1, $4  }
0x31: {  	[hbm:s7], [sflag:s6] =	dma.local [spmem:s10], $0x2780  }
0x32: {  	_ =	swait.ge [sflag:s11], $0x2780  }
0x33: {  	[sflag:s11] =	ssyncset.done $0x0  }
0x34: {  	[sflag:s11] =	ssyncadd.s32 $0xFFFFD880  }
0x35: {  	_ =	sfence.sel $0x180000  }
0x36: {  	[bflag:$0x0] =	sbarrier.arrive $0xFFFF  }
0x37: {  	p0 =	sne.s32 s0, $0x0;
	_ =	strace $0x9000004A  }
0x38: {  	s0 =	sadd.s32 @!p0 $0x100000, s1;
	[bflag:$0x2] =	sbarrier.arrive $0xFFFF  }
0x39: {  	[sflag:s0] =	ssyncadd.tile.s32 @!p0 $0x1;
	_ =	shalt  }
.Lfunc_end2:
_tile_overlayer_lowered:
.L_overlay_start_2:
0x3a: {  	(tag) =	ssettag $0x2  }
0x3b: {  	s0 =	rddreg [dreg:$0x0];
	s2 =	stileid.u32  }
0x3c: {  	s1 =	rddreg [dreg:$0x1];
	p0 =	sne.s32 s2, $0x0  }
0x3d: {  	s3 =	rddreg [dreg:$0x2];
	[bflag:$0x3] =	sbarrier.arrive $0xFFFF;
	s2 =	simm.s32 @!p0 $0x1C01  }
0x3e: {  	[timem:s3], [sflag:s2] =	dma.local @!p0 [hbm:s0], s1  }
0x3f: {  	s0 =	simm.s32 @!p0 $0x1  }
0x40: {  	_ =	swait.ge @!p0 [sflag:s0], s1  }
0x41: {  	s1 =	ssub.s32 @!p0 $0x0, s1;
	[sflag:s0] =	ssyncset.done @!p0 $0x0  }
0x42: {  	[sflag:s0] =	ssyncadd.s32 @!p0 s1  }
0x43: {  	[bflag:$0x3] =	sbarrier.arrive $0xFFFF  }
0x44: {  	_ =	shalt  }

// kernel: kernel.13.cloned.1.call-start
scs
__scs_entry_jumppad:
0x0: {  	(pc) =	sbr.rel $0x88, $3  }
0x1: {  	(tag) =	ssettag $0x0;
	lr =	simm.s32 $0x1  }
0x2: {  	[smem:$0x3F96] =	sst lr;
	_ =	strace $0xD0000000  }
0x3: {  	_ = 	snop  }
0x4: {  	_ = 	snop  }
0x5: {  	_ = 	snop  }
0x6: {  	_ = 	snop  }
0x7: {  	_ = 	snop  }
__scs_overlays_trampoline_lowered:
0x8: {  	[smem:$0x3FA5] =	sst s0  }
0x9: {  	[smem:$0x3FA6] =	sst s1  }
0xa: {  	[smem:$0x3FA7] =	sst s2  }
0xb: {  	[smem:$0x3FA8] =	sst s3  }
0xc: {  	[smem:$0x3FA9] =	sst s4  }
0xd: {  	[smem:$0x3FAA] =	sst s5  }
0xe: {  	[smem:$0x3FAB] =	sst s6  }
0xf: {  	[smem:$0x3FAC] =	sst s7  }
0x10: {  	[smem:$0x3FAD] =	sst s8  }
0x11: {  	[smem:$0x3FAE] =	sst s9;
	s0 =	simm.s32 @!p0 $0x0  }
0x12: {  	s1 =	sld [smem:$0x3F94];
	s0 =	simm.s32 @p0 $0x1  }
0x13: {  	[smem:$0x3FAF] =	sst s0;
	s0 =	simm.s32 @!p1 $0x0  }
0x14: {  	s2 =	sld [smem:$0x3F93];
	s0 =	simm.s32 @p1 $0x1  }
0x15: {  	[smem:$0x3FB0] =	sst s0;
	s0 =	simm.s32 @!p2 $0x0  }
0x16: {  	s3 =	sld [smem:$0x3FDB];
	s0 =	simm.s32 @p2 $0x1  }
0x17: {  	s4 =	simm.s32 $0x1BF5;
	[smem:$0x3FB2] =	sst s0  }
0x18: {  	s0 =	sld [smem:$0x3F95];
	_ =	swait.ge [sflag:s4], $0x0  }
0x19: {  	s7 =	sld [smem:$0x3F96]  }
0x1a: {  	s8 =	sadd.s32 $0xFFFFE003, lr  }
0x1b: {  	s9 =	sadd.s32 $0xFFFFFEF7, lr;
	s5 =	simm.s32 $0xFFFFFFFF;
	p2 =	slt.u32 s8, $0xFFFFF086  }
0x1c: {  	p1 =	slt.u32 s9, $0xF7A;
	s5 =	simm.s32 @!p2 $0x0  }
0x1d: {  	s5 =	simm.s32 @p1 $0x1;
	p0 =	seq.s32 s7, s2  }
0x1e: {  	s7 =	smul.u32 @!p0 $0xF7A, s2;
	p2 =	seq.s32 @!p0 s5, $0x0  }
0x1f: {  	s9 =	smul.u32 $0xF7A, s1;
	s8 =	simm.s32 @!p0 $0x1BF5;
	p2 =	por !p2, p0  }
0x20: {  	[sflag:s8] =	ssyncset.s32 @!p0 $0xFFFFF086;
	s6 =	sadd.s32 @!p0 s3, s7;
	s7 =	simm.s32 @!p0 $0x108  }
0x21: {  	s3 =	sadd.s32 s3, s9;
	s6 =	sadd.s32 @!p0 $0x88, s6;
	s7 =	simm.s32 @p2 $0x1082  }
0x22: {  	[simem:s7], [sflag:s8] =	dma.local @!p0 [hbm:s6], $0xF7A  }
0x23: {  	s9 =	sor.u32 $0xD0000000, s2;
	s6 =	simm.s32 $0x108;
	_ =	swait.ge @!p0 [sflag:s8], $0x0  }
0x24: {  	s3 =	sadd.s32 $0x88, s3;
	s6 =	simm.s32 @!p1 $0x1082;
	[sflag:s4] =	ssyncset.s32 $0xFFFFF086  }
0x25: {  	[simem:s6], [sflag:s4] =	dma.local [hbm:s3], $0xF7A  }
0x26: {  	[smem:$0x3F96] =	sst s1;
	(tag) =	ssettag s2;
	_ =	strace s9  }
0x27: {  	s1 =	sld [smem:$0x3FA6]  }
0x28: {  	s2 =	sld [smem:$0x3FA7]  }
0x29: {  	s4 =	sld [smem:$0x3FA9]  }
0x2a: {  	p0 =	seq.s32 s5, $0x0;
	s5 =	sld [smem:$0x3FAA]  }
0x2b: {  	s6 =	sld [smem:$0x3FAB]  }
0x2c: {  	s7 =	sld [smem:$0x3FAC]  }
0x2d: {  	s3 =	simm.s32 $0x108;
	s8 =	sld [smem:$0x3FAD]  }
0x2e: {  	s3 =	simm.s32 @!p0 $0x1082;
	s9 =	sld [smem:$0x3FAE]  }
0x2f: {  	lr =	sadd.s32 s0, s3;
	s0 =	sld [smem:$0x3FA5]  }
0x30: {  	s3 =	sld [smem:$0x3FA8]  }
0x31: {  	[smem:$0x3FB1] =	sst s10  }
0x32: {  	s10 =	sld [smem:$0x3FAF];
	_ =	sdelay $0x3  }
0x33: {  	p0 =	seq.s32 s10, $0x1;
	s10 =	sld [smem:$0x3FB1];
	_ =	sdelay $0x3  }
0x34: {  	[smem:$0x3FB1] =	sst s10  }
0x35: {  	s10 =	sld [smem:$0x3FB0];
	_ =	sdelay $0x3  }
0x36: {  	p1 =	seq.s32 s10, $0x1;
	s10 =	sld [smem:$0x3FB1];
	_ =	sdelay $0x3  }
0x37: {  	[smem:$0x3FB1] =	sst s10  }
0x38: {  	s10 =	sld [smem:$0x3FB2]  }
0x39: {  	_ = 	snop;
	(pc) =	sbr.ind lr, $3  }
0x3a: {  	_ = 	snop  }
0x3b: {  	_ = 	snop  }
0x3c: {  	p2 =	seq.s32 s10, $0x1;
	s10 =	sld [smem:$0x3FB1]  }
0x3d: {  	_ =	shalt  }
0x3e: {  	_ =	shalt  }
0x3f: {  	_ =	shalt  }
0x40: {  	_ =	shalt  }
0x41: {  	_ =	shalt  }
0x42: {  	_ =	shalt  }
0x43: {  	_ =	shalt  }
0x44: {  	_ =	shalt  }
0x45: {  	_ =	shalt  }
0x46: {  	_ =	shalt  }
0x47: {  	_ =	shalt  }
0x48: {  	_ =	shalt  }
0x49: {  	_ =	shalt  }
0x4a: {  	_ =	shalt  }
0x4b: {  	_ =	shalt  }
0x4c: {  	_ =	shalt  }
0x4d: {  	_ =	shalt  }
0x4e: {  	_ =	shalt  }
0x4f: {  	_ =	shalt  }
0x50: {  	_ =	shalt  }
0x51: {  	_ =	shalt  }
0x52: {  	_ =	shalt  }
0x53: {  	_ =	shalt  }
0x54: {  	_ =	shalt  }
0x55: {  	_ =	shalt  }
0x56: {  	_ =	shalt  }
0x57: {  	_ =	shalt  }
0x58: {  	_ =	shalt  }
0x59: {  	_ =	shalt  }
0x5a: {  	_ =	shalt  }
0x5b: {  	_ =	shalt  }
0x5c: {  	_ =	shalt  }
0x5d: {  	_ =	shalt  }
0x5e: {  	_ =	shalt  }
0x5f: {  	_ =	shalt  }
0x60: {  	_ =	shalt  }
0x61: {  	_ =	shalt  }
0x62: {  	_ =	shalt  }
0x63: {  	_ =	shalt  }
0x64: {  	_ =	shalt  }
0x65: {  	_ =	shalt  }
0x66: {  	_ =	shalt  }
0x67: {  	_ =	shalt  }
0x68: {  	_ =	shalt  }
0x69: {  	_ =	shalt  }
0x6a: {  	_ =	shalt  }
0x6b: {  	_ =	shalt  }
0x6c: {  	_ =	shalt  }
0x6d: {  	_ =	shalt  }
0x6e: {  	_ =	shalt  }
0x6f: {  	_ =	shalt  }
0x70: {  	_ =	shalt  }
0x71: {  	_ =	shalt  }
0x72: {  	_ =	shalt  }
0x73: {  	_ =	shalt  }
0x74: {  	_ =	shalt  }
0x75: {  	_ =	shalt  }
0x76: {  	_ =	shalt  }
0x77: {  	_ =	shalt  }
0x78: {  	_ =	shalt  }
0x79: {  	_ =	shalt  }
0x7a: {  	_ =	shalt  }
0x7b: {  	_ =	shalt  }
0x7c: {  	_ =	shalt  }
0x7d: {  	_ =	shalt  }
0x7e: {  	_ =	shalt  }
0x7f: {  	_ =	shalt  }
0x80: {  	_ =	shalt  }
0x81: {  	_ =	shalt  }
0x82: {  	_ =	shalt  }
0x83: {  	_ =	shalt  }
0x84: {  	_ =	shalt  }
0x85: {  	_ =	shalt  }
0x86: {  	_ =	shalt  }
0x87: {  	_ =	shalt  }
.Lfunc_end0:
.L_simem_size_0:
called_computation.2_lowered:
.L_overlay_start_0:
0x88: {  	s2 =	sld [smem:$0x3FD9]  }
0x89: {  	s3 =	sld [smem:$0x3FFE];
	_ =	sdelay $0x1  }
0x8a: {  	s1 =	srdreg.scid  }
0x8b: {  	s0 =	sand.u32 $0x1, s1  }
0x8c: {  	s16 =	sshll.u32 s0, $0xA;
	s2 =	sadd.s32 s3, s2  }
0x8d: {  	s2 =	sadd.s32 s2, s16  }
0x8e: {  	[smem:$0x3FBD] =	sst s2  }
0x8f: {  	_ = 	snop  }
0x90: {  	(tm) =	ssettm $0x1  }
0x91: {  	s17 =	sld [smem:$0x3FFB];
	_ =	sdelay $0x3  }
0x92: {  	_ =	strace s17  }
0x93: {  	s2 =	sld [smem:$0x3FFC];
	_ =	sdelay $0x3  }
0x94: {  	_ =	strace s2  }
0x95: {  	s2 =	sld [smem:$0x3FFD];
	_ =	sdelay $0x3  }
0x96: {  	_ =	strace s2  }
0x97: {  	_ =	strace $0x8FFFFFFF  }
0x98: {  	s18 =	sld [smem:$0x3FDB];
	_ =	sdelay $0x1  }
0x99: {  	s19 =	simm.s32 $_scs_section_size  }
0x9a: {  	s4 =	simm.s32 $_size__tile_overlayer_lowered;
	s5 =	simm.s32 $_tile_overlayer_lowered  }
0x9b: {  	s22 =	simm.s32 $0x1BFF;
	s21 =	sshll.u32 s5, $0x1;
	s2 =	sadd.s32 s19, s18  }
0x9c: {  	s6 =	simm.s32 $0x0;
	s20 =	sshll.u32 s4, $0x1;
	s4 =	sadd.s32 s21, s2  }
0x9d: {  	[timem:s6], [sflag:s22] =	dma.local [hbm:s4], s20  }
0x9e: {  	_ =	swait.ge [sflag:s22], s20  }
0x9f: {  	s3 =	ssub.s32 $0x0, s20;
	[sflag:s22] =	ssyncset.done $0x0  }
0xa0: {  	[sflag:s22] =	ssyncadd.s32 s3;
	_ =	sdelay $0x1  }
0xa1: {  	s23 =	simm.s32 $0x1B8B  }
0xa2: {  	_ =	swait.ge [sflag:s23], $0x1  }
0xa3: {  	[sflag:s23] =	ssyncset.done $0x0  }
0xa4: {  	s25 =	simm.s32 $0x1B8E;
	s24 =	sld [smem:$0x3FFE];
	[sflag:s23] =	ssyncadd.s32 $0xFFFFFFFF  }
0xa5: {  	s26 =	simm.s32 $execute0_lowered;
	[smem:$0x3FD2] =	sst s25  }
0xa6: {  	s4 =	sshll.u32 s26, $0x1;
	_ =	strace $0x8000004C;
	[dreg:$0x1] =	wrdreg $0xFFFFFFFF  }
0xa7: {  	s28 =	simm.s32 $_size_execute0_lowered;
	s2 =	sadd.s32 s2, s4;
	[dreg:$0x0] =	wrdreg $0x0  }
0xa8: {  	s4 =	sshll.u32 s28, $0x1;
	[dreg:$0x2] =	wrdreg s2  }
0xa9: {  	[dreg:$0x3] =	wrdreg s4  }
0xaa: {  	[dreg:$0x4] =	wrdreg $0xC0  }
0xab: {  	_ =	task [dreg:s6], $0x5FFFF  }
0xac: {  	[dreg:$0x1] =	wrdreg $0xFFFFFFFF  }
0xad: {  	[dreg:$0x0] =	wrdreg $0x60  }
0xae: {  	[dreg:$0x2] =	wrdreg s24  }
0xaf: {  	[dreg:$0x3] =	wrdreg $0x88000  }
0xb0: {  	[dreg:$0x4] =	wrdreg $0x9  }
0xb1: {  	_ =	task.clear_ibuf [dreg:s6], $0x5FFFF;
	_ =	strace $0x9000004C  }
0xb2: {  	s29 =	simm.s32 $0x9;
	_ =	strace $0x8000004E  }
0xb3: {  	_ =	swait.ge [sflag:s29], $0x1  }
0xb4: {  	[sflag:s29] =	ssyncadd.s32 $0xFFFFFFFF  }
0xb5: {  	_ =	strace $0x9000004E  }
0xb6: {  	_ =	sfence  }
0xb7: {  	s30 =	sld [smem:$0x0];
	_ =	sdelay $0x2  }
0xb8: {  	s31 =	sshll.u32 s1, $0xD;
	s1 =	sshrl.u32 s1, $0x2  }
0xb9: {  	s3 =	sand.u32 $0x4000, s31;
	s1 =	sadd.s32 s1, s30  }
0xba: {  	s0 =	sor.u32 s3, s0;
	s1 =	sshll.u32 s1, $0x11  }
0xbb: {  	s0 =	sor.u32 s1, s0  }
0xbc: {  	s0 =	sadd.s32 $0x8F2B, s0  }
0xbd: {  	[sflag:s0] =	ssyncadd.remote.s32 $0x1  }
0xbe: {  	_ =	sfence.sel $0xFFFF  }
0xbf: {  	[dreg:$0x0] =	wrdreg $0xFFFFFFFF;
	(pc) =	sbr.abs _section_cstart, $3  }
0xc0: {  	[dreg:$0x1] =	wrdreg $0xFFFFFFFF  }
0xc1: {  	_ =	task.clear_ibuf [dreg:s6], $0x2FFFF;
	_ =	strace $0x9FFFFFFF  }
0xc2: {  	(tm) =	ssettm $0x7FFFFFFF  }
0xc3: {  	_ =	shalt  }
tec
execute0_lowered:
.L_overlay_start_1:
0x0: {  	(tag) =	ssettag $0x1  }
0x1: {  	s0 =	srdreg.scid;
	s1 =	rddreg [dreg:$0x0]  }
0x2: {  	s9 =	stileid.u32;
	s2 =	rddreg [dreg:$0x1]  }
0x3: {  	s3 =	simm.s32 $0x0;
	s11 =	simm.s32 $0x5;
	s12 =	simm.s32 $0x400  }
0x4: {  	s13 =	simm.s32 $0x80;
	s14 =	simm.s32 $0x800;
	s15 =	simm.s32 $0x1  }
0x5: {  	s16 =	simm.s32 $0x4800;
	s17 =	simm.s32 $0x2;
	s18 =	simm.s32 $0x480  }
0x6: {  	s19 =	simm.s32 $0x3;
	s20 =	simm.s32 $0x100;
	s5 =	smul.u32 $0x5000, s9  }
0x7: {  	s28 =	simm.s32 $0x280;
	s29 =	simm.s32 $0x680;
	s6 =	smul.u32 $0xA00, s9  }
0x8: {  	s30 =	simm.s32 $0x300;
	s31 =	simm.s32 $0x700;
	s7 =	smul.u32 $0x13C00, s9  }
0x9: {  	s0 =	sand.u32 $0x1, s0;
	[smem:$0x7FF] =	sst s3;
	s22 =	smul.u32 $0x4F000, s9  }
0xa: {  	s10 =	sadd.s32 $0x20A00, s1;
	s25 =	sshll.u32 s9, $0x6;
	s4 =	smul.u32 $0x50000, s0  }
0xb: {  	s21 =	smul.u32 $0x13C000, s0;
	_ =	strace $0x8000004D;
	s0 =	ssub.s32 $0x2, s0  }
0xc: {  	[dreg:$0x4] =	wrdreg s10;
	s6 =	sadd.s32 s6, s1;
	s23 =	sshrl.u32 s0, $0x1  }
0xd: {  	s4 =	sadd.s32 s5, s4;
	s5 =	sadd.s32 s7, s21;
	s7 =	sshrl.u32 s22, $0x2  }
0xe: {  	s0 =	ssub.s32 s0, s23;
	s26 =	sadd.s32 $0x16A00, s6;
	s21 =	simm.s32 $0x500  }
0xf: {  	s22 =	simm.s32 $0x4;
	s23 =	simm.s32 $0x180;
	s4 =	sshrl.u32 s4, $0x3  }
0x10: {  	s5 =	sshrl.u32 s5, $0x3;
	s24 =	sadd.s32 s7, s2;
	s7 =	sor.u32 $0x1C05, s25  }
0x11: {  	s0 =	smax.u32 s0, $0x1;
	[dreg:$0x3] =	wrdreg s26;
	s25 =	simm.s32 $0x200  }
0x12: {  	s26 =	simm.s32 $0x600;
	s8 =	sadd.s32 s4, s1;
	s4 =	sadd.s32 $0x23200, s1  }
0x13: {  	s1 =	sadd.s32 s5, s1;
	[dreg:$0x7] =	wrdreg s0;
	s6 =	sshrl.u32 s24, $0x3  }
0x14: {  	s24 =	simm.s32 $0x580;
	s0 =	simm.s32 $0x780;
	[dreg:$0x5] =	wrdreg s7  }
0x15: {  	s1 =	sadd.s32 $0x71400, s1;
	s9 =	sadd.s32 $0xC1A00, s8;
	[dreg:$0x8] =	wrdreg s6  }
0x16: {  	s8 =	simm.s32 $0x0;
	[dreg:$0x6] =	wrdreg s1;
	s1 =	simm.s32 $0x380  }
.LBB2_1:
0x17: {  	[dreg:$0x9] =	wrdreg s8  }
0x18: {  	s5 =	rddreg [dreg:$0x4]  }
0x19: {  	[spmem:s6], [sflag:s7] =	dma.local [hbm:s5], $0x2780  }
0x1a: {  	_ =	swait.ge [sflag:s11], $0x2780  }
0x1b: {  	[sflag:s11] =	ssyncset.done $0x0  }
0x1c: {  	[sflag:s11] =	ssyncadd.s32 $0xFFFFD880  }
0x1d: {  	s8 =	sadd.s32 $0x0, s9;
	[bflag:$0x0] =	sbarrier.arrive $0xFFFF  }
0x1e: {  	[tilespmem:s3], [sflag:$0x5] =	stream.linear.gather [hbm4b:s8+s3], $0x400, $0x38;
	[tilespmem:$0x1C400] =	vst v63  }
0x1f: {  	_ =	swait.ge [sflag:s11], $0x400  }
0x20: {  	s10 =	rddreg [dreg:$0x3];
	[sflag:s11] =	ssyncset.done $0x0  }
0x21: {  	[sflag:s11] =	ssyncadd.s32 $0xFFFFFC00;
	s6 =	sadd.s32 $0x0, s10  }
0x22: {  	[tilespmem:s12], [sflag:$0x5] =	stream.linear.gather [hbm4b:s6+s3], $0x400, $0x38;
	[tilespmem:$0x1C400] =	vst v63  }
0x23: {  	_ =	swait.ge [sflag:s11], $0x400  }
0x24: {  	[sflag:s11] =	ssyncset.done $0x0  }
0x25: {  	[sflag:s11] =	ssyncadd.s32 $0xFFFFFC00  }
0x26: {  	[tilespmem:s14], [sflag:$0x1] =	stream.indirect.gather [hbm4b:s4+s13], $0x80, s3, s13, $0xb8;
	[tilespmem:$0x1C400] =	vst v63  }
0x27: {  	_ =	swait.ge [sflag:s15], $0x4000  }
0x28: {  	[sflag:s15] =	ssyncset.done $0x0  }
0x29: {  	[sflag:s15] =	ssyncadd.s32 $0xFFFFC000  }
0x2a: {  	[spmem:s2] =	stream.indirect.scatter.add.f32 [tilespmem:s14], [sflag:$0x3], $0x80, s12, s13, $0xb8;
	[tilespmem:$0x1C400] =	vst v63  }
0x2b: {  	_ = 	snop  }
0x2c: {  	[tilespmem:s16], [sflag:$0x2] =	stream.indirect.gather [hbm4b:s4+s13], $0x80, s13, s13, $0xb8;
	[tilespmem:$0x1C400] =	vst v63  }
0x2d: {  	_ =	swait.ge [sflag:s17], $0x4000  }
0x2e: {  	[sflag:s17] =	ssyncset.done $0x0  }
0x2f: {  	[sflag:s17] =	ssyncadd.s32 $0xFFFFC000  }
0x30: {  	[spmem:s2] =	stream.indirect.scatter.add.f32 [tilespmem:s16], [sflag:$0x4], $0x80, s18, s13, $0xb8;
	[tilespmem:$0x1C400] =	vst v63  }
0x31: {  	_ =	swait.ge [sflag:s19], $0x4000  }
0x32: {  	[sflag:s19] =	ssyncset.done $0x0  }
0x33: {  	[sflag:s19] =	ssyncadd.s32 $0xFFFFC000  }
0x34: {  	[tilespmem:s14], [sflag:$0x1] =	stream.indirect.gather [hbm4b:s4+s13], $0x80, s20, s13, $0xb8;
	[tilespmem:$0x1C400] =	vst v63  }
0x35: {  	_ =	swait.ge [sflag:s15], $0x4000  }
0x36: {  	[sflag:s15] =	ssyncset.done $0x0  }
0x37: {  	[sflag:s15] =	ssyncadd.s32 $0xFFFFC000  }
0x38: {  	[spmem:s2] =	stream.indirect.scatter.add.f32 [tilespmem:s14], [sflag:$0x3], $0x80, s21, s13, $0xb8;
	[tilespmem:$0x1C400] =	vst v63  }
0x39: {  	_ =	swait.ge [sflag:s22], $0x4000  }
0x3a: {  	[sflag:s22] =	ssyncset.done $0x0  }
0x3b: {  	[sflag:s22] =	ssyncadd.s32 $0xFFFFC000  }
0x3c: {  	[tilespmem:s16], [sflag:$0x2] =	stream.indirect.gather [hbm4b:s4+s13], $0x80, s23, s13, $0xb8;
	[tilespmem:$0x1C400] =	vst v63  }
0x3d: {  	_ =	swait.ge [sflag:s17], $0x4000  }
0x3e: {  	[sflag:s17] =	ssyncset.done $0x0  }
0x3f: {  	[sflag:s17] =	ssyncadd.s32 $0xFFFFC000  }
0x40: {  	[spmem:s2] =	stream.indirect.scatter.add.f32 [tilespmem:s16], [sflag:$0x4], $0x80, s24, s13, $0xb8;
	[tilespmem:$0x1C400] =	vst v63  }
0x41: {  	_ =	swait.ge [sflag:s19], $0x4000  }
0x42: {  	[sflag:s19] =	ssyncset.done $0x0  }
0x43: {  	[sflag:s19] =	ssyncadd.s32 $0xFFFFC000  }
0x44: {  	[tilespmem:s14], [sflag:$0x1] =	stream.indirect.gather [hbm4b:s4+s13], $0x80, s25, s13, $0xb8;
	[tilespmem:$0x1C400] =	vst v63  }
0x45: {  	_ =	swait.ge [sflag:s15], $0x4000  }
0x46: {  	[sflag:s15] =	ssyncset.done $0x0  }
0x47: {  	[sflag:s15] =	ssyncadd.s32 $0xFFFFC000  }
0x48: {  	[spmem:s2] =	stream.indirect.scatter.add.f32 [tilespmem:s14], [sflag:$0x3], $0x80, s26, s13, $0xb8;
	[tilespmem:$0x1C400] =	vst v63  }
0x49: {  	_ =	swait.ge [sflag:s22], $0x4000  }
0x4a: {  	[sflag:s22] =	ssyncset.done $0x0  }
0x4b: {  	[sflag:s22] =	ssyncadd.s32 $0xFFFFC000  }
0x4c: {  	[tilespmem:s16], [sflag:$0x2] =	stream.indirect.gather [hbm4b:s4+s13], $0x80, s28, s13, $0xb8;
	[tilespmem:$0x1C400] =	vst v63  }
0x4d: {  	_ =	swait.ge [sflag:s17], $0x4000  }
0x4e: {  	[sflag:s17] =	ssyncset.done $0x0  }
0x4f: {  	[sflag:s17] =	ssyncadd.s32 $0xFFFFC000  }
0x50: {  	[spmem:s2] =	stream.indirect.scatter.add.f32 [tilespmem:s16], [sflag:$0x4], $0x80, s29, s13, $0xb8;
	[tilespmem:$0x1C400] =	vst v63  }
0x51: {  	_ =	swait.ge [sflag:s19], $0x4000  }
0x52: {  	[sflag:s19] =	ssyncset.done $0x0  }
0x53: {  	[sflag:s19] =	ssyncadd.s32 $0xFFFFC000  }
0x54: {  	[tilespmem:s14], [sflag:$0x1] =	stream.indirect.gather [hbm4b:s4+s13], $0x80, s30, s13, $0xb8;
	[tilespmem:$0x1C400] =	vst v63  }
0x55: {  	_ =	swait.ge [sflag:s15], $0x4000  }
0x56: {  	[sflag:s15] =	ssyncset.done $0x0  }
0x57: {  	[sflag:s15] =	ssyncadd.s32 $0xFFFFC000  }
0x58: {  	[spmem:s2] =	stream.indirect.scatter.add.f32 [tilespmem:s14], [sflag:$0x3], $0x80, s31, s13, $0xb8;
	[tilespmem:$0x1C400] =	vst v63  }
0x59: {  	_ =	swait.ge [sflag:s22], $0x4000  }
0x5a: {  	[sflag:s22] =	ssyncset.done $0x0  }
0x5b: {  	[sflag:s22] =	ssyncadd.s32 $0xFFFFC000  }
0x5c: {  	[tilespmem:s16], [sflag:$0x2] =	stream.indirect.gather [hbm4b:s4+s13], $0x80, s1, s13, $0xb8;
	[tilespmem:$0x1C400] =	vst v63  }
0x5d: {  	_ =	swait.ge [sflag:s17], $0x4000  }
0x5e: {  	[sflag:s17] =	ssyncset.done $0x0  }
0x5f: {  	[sflag:s17] =	ssyncadd.s32 $0xFFFFC000  }
0x60: {  	[spmem:s2] =	stream.indirect.scatter.add.f32 [tilespmem:s16], [sflag:$0x4], $0x80, s0, s13, $0xb8;
	[tilespmem:$0x1C400] =	vst v63  }
0x61: {  	_ =	swait.ge [sflag:s19], $0x4000  }
0x62: {  	[sflag:s19] =	ssyncset.done $0x0  }
0x63: {  	[sflag:s19] =	ssyncadd.s32 $0xFFFFC000  }
0x64: {  	_ =	swait.ge [sflag:s22], $0x4000  }
0x65: {  	s7 =	simm.s32 $0x80;
	s8 =	simm.s32 $0x100;
	[sflag:s22] =	ssyncset.done $0x0  }
.LBB2_2:
0x66: {  	s10 =	sadd.s32 s7, s9;
	[sflag:s22] =	ssyncadd.s32 $0xFFFFC000  }
0x67: {  	[tilespmem:s3], [sflag:$0x5] =	stream.linear.gather [hbm4b:s10+s3], $0x400, $0x38;
	[tilespmem:$0x1C400] =	vst v63  }
0x68: {  	s5 =	smov.u32 s8;
	_ =	swait.ge [sflag:s11], $0x400  }
0x69: {  	s6 =	sadd.s32 $0x80, s8;
	s10 =	rddreg [dreg:$0x3];
	[sflag:s11] =	ssyncset.done $0x0  }
0x6a: {  	p0 =	sne.s32 s8, $0x980;
	[sflag:s11] =	ssyncadd.s32 $0xFFFFFC00;
	s8 =	sadd.s32 s7, s10  }
0x6b: {  	[tilespmem:s12], [sflag:$0x5] =	stream.linear.gather [hbm4b:s8+s3], $0x400, $0x38;
	[tilespmem:$0x1C400] =	vst v63  }
0x6c: {  	_ =	swait.ge [sflag:s11], $0x400  }
0x6d: {  	[sflag:s11] =	ssyncset.done $0x0  }
0x6e: {  	[sflag:s11] =	ssyncadd.s32 $0xFFFFFC00  }
0x6f: {  	[tilespmem:s14], [sflag:$0x1] =	stream.indirect.gather [hbm4b:s4+s13], $0x80, s3, s13, $0xb8;
	[tilespmem:$0x1C400] =	vst v63  }
0x70: {  	_ =	swait.ge [sflag:s15], $0x4000  }
0x71: {  	[sflag:s15] =	ssyncset.done $0x0  }
0x72: {  	[sflag:s15] =	ssyncadd.s32 $0xFFFFC000  }
0x73: {  	[spmem:s2] =	stream.indirect.scatter.add.f32 [tilespmem:s14], [sflag:$0x3], $0x80, s12, s13, $0xb8;
	[tilespmem:$0x1C400] =	vst v63  }
0x74: {  	_ = 	snop  }
0x75: {  	[tilespmem:s16], [sflag:$0x2] =	stream.indirect.gather [hbm4b:s4+s13], $0x80, s13, s13, $0xb8;
	[tilespmem:$0x1C400] =	vst v63  }
0x76: {  	_ =	swait.ge [sflag:s17], $0x4000  }
0x77: {  	[sflag:s17] =	ssyncset.done $0x0  }
0x78: {  	[sflag:s17] =	ssyncadd.s32 $0xFFFFC000  }
0x79: {  	[spmem:s2] =	stream.indirect.scatter.add.f32 [tilespmem:s16], [sflag:$0x4], $0x80, s18, s13, $0xb8;
	[tilespmem:$0x1C400] =	vst v63  }
0x7a: {  	_ =	swait.ge [sflag:s19], $0x4000  }
0x7b: {  	[sflag:s19] =	ssyncset.done $0x0  }
0x7c: {  	[sflag:s19] =	ssyncadd.s32 $0xFFFFC000  }
0x7d: {  	[tilespmem:s14], [sflag:$0x1] =	stream.indirect.gather [hbm4b:s4+s13], $0x80, s20, s13, $0xb8;
	[tilespmem:$0x1C400] =	vst v63  }
0x7e: {  	_ =	swait.ge [sflag:s15], $0x4000  }
0x7f: {  	[sflag:s15] =	ssyncset.done $0x0  }
0x80: {  	[sflag:s15] =	ssyncadd.s32 $0xFFFFC000  }
0x81: {  	[spmem:s2] =	stream.indirect.scatter.add.f32 [tilespmem:s14], [sflag:$0x3], $0x80, s21, s13, $0xb8;
	[tilespmem:$0x1C400] =	vst v63  }
0x82: {  	_ =	swait.ge [sflag:s22], $0x4000  }
0x83: {  	[sflag:s22] =	ssyncset.done $0x0  }
0x84: {  	[sflag:s22] =	ssyncadd.s32 $0xFFFFC000  }
0x85: {  	[tilespmem:s16], [sflag:$0x2] =	stream.indirect.gather [hbm4b:s4+s13], $0x80, s23, s13, $0xb8;
	[tilespmem:$0x1C400] =	vst v63  }
0x86: {  	_ =	swait.ge [sflag:s17], $0x4000  }
0x87: {  	[sflag:s17] =	ssyncset.done $0x0  }
0x88: {  	[sflag:s17] =	ssyncadd.s32 $0xFFFFC000  }
0x89: {  	[spmem:s2] =	stream.indirect.scatter.add.f32 [tilespmem:s16], [sflag:$0x4], $0x80, s24, s13, $0xb8;
	[tilespmem:$0x1C400] =	vst v63  }
0x8a: {  	_ =	swait.ge [sflag:s19], $0x4000  }
0x8b: {  	[sflag:s19] =	ssyncset.done $0x0  }
0x8c: {  	[sflag:s19] =	ssyncadd.s32 $0xFFFFC000  }
0x8d: {  	[tilespmem:s14], [sflag:$0x1] =	stream.indirect.gather [hbm4b:s4+s13], $0x80, s25, s13, $0xb8;
	[tilespmem:$0x1C400] =	vst v63  }
0x8e: {  	_ =	swait.ge [sflag:s15], $0x4000  }
0x8f: {  	[sflag:s15] =	ssyncset.done $0x0  }
0x90: {  	[sflag:s15] =	ssyncadd.s32 $0xFFFFC000  }
0x91: {  	[spmem:s2] =	stream.indirect.scatter.add.f32 [tilespmem:s14], [sflag:$0x3], $0x80, s26, s13, $0xb8;
	[tilespmem:$0x1C400] =	vst v63  }
0x92: {  	_ =	swait.ge [sflag:s22], $0x4000  }
0x93: {  	[sflag:s22] =	ssyncset.done $0x0  }
0x94: {  	[sflag:s22] =	ssyncadd.s32 $0xFFFFC000  }
0x95: {  	[tilespmem:s16], [sflag:$0x2] =	stream.indirect.gather [hbm4b:s4+s13], $0x80, s28, s13, $0xb8;
	[tilespmem:$0x1C400] =	vst v63  }
0x96: {  	_ =	swait.ge [sflag:s17], $0x4000  }
0x97: {  	[sflag:s17] =	ssyncset.done $0x0  }
0x98: {  	[sflag:s17] =	ssyncadd.s32 $0xFFFFC000  }
0x99: {  	[spmem:s2] =	stream.indirect.scatter.add.f32 [tilespmem:s16], [sflag:$0x4], $0x80, s29, s13, $0xb8;
	[tilespmem:$0x1C400] =	vst v63  }
0x9a: {  	_ =	swait.ge [sflag:s19], $0x4000  }
0x9b: {  	[sflag:s19] =	ssyncset.done $0x0  }
0x9c: {  	[sflag:s19] =	ssyncadd.s32 $0xFFFFC000  }
0x9d: {  	[tilespmem:s14], [sflag:$0x1] =	stream.indirect.gather [hbm4b:s4+s13], $0x80, s30, s13, $0xb8;
	[tilespmem:$0x1C400] =	vst v63  }
0x9e: {  	_ =	swait.ge [sflag:s15], $0x4000  }
0x9f: {  	[sflag:s15] =	ssyncset.done $0x0  }
0xa0: {  	[sflag:s15] =	ssyncadd.s32 $0xFFFFC000  }
0xa1: {  	[spmem:s2] =	stream.indirect.scatter.add.f32 [tilespmem:s14], [sflag:$0x3], $0x80, s31, s13, $0xb8;
	[tilespmem:$0x1C400] =	vst v63  }
0xa2: {  	_ =	swait.ge [sflag:s22], $0x4000  }
0xa3: {  	[sflag:s22] =	ssyncset.done $0x0  }
0xa4: {  	[sflag:s22] =	ssyncadd.s32 $0xFFFFC000  }
0xa5: {  	[tilespmem:s16], [sflag:$0x2] =	stream.indirect.gather [hbm4b:s4+s13], $0x80, s1, s13, $0xb8;
	[tilespmem:$0x1C400] =	vst v63  }
0xa6: {  	_ =	swait.ge [sflag:s17], $0x4000  }
0xa7: {  	[sflag:s17] =	ssyncset.done $0x0  }
0xa8: {  	[sflag:s17] =	ssyncadd.s32 $0xFFFFC000  }
0xa9: {  	[spmem:s2] =	stream.indirect.scatter.add.f32 [tilespmem:s16], [sflag:$0x4], $0x80, s0, s13, $0xb8;
	[tilespmem:$0x1C400] =	vst v63  }
.Ltmp0:
0xaa: {  	_ =	swait.ge [sflag:s19], $0x4000;
	(pc) =	sbr.rel @p0 .LBB2_2-.Ltmp0, $4  }
0xab: {  	[sflag:s19] =	ssyncset.done $0x0  }
0xac: {  	[sflag:s19] =	ssyncadd.s32 $0xFFFFC000  }
0xad: {  	_ =	swait.ge [sflag:s22], $0x4000  }
0xae: {  	s7 =	smov.u32 s5;
	s8 =	smov.u32 s6;
	[sflag:s22] =	ssyncset.done $0x0  }
0xaf: {  	s5 =	sadd.s32 s7, s9;
	[sflag:s22] =	ssyncadd.s32 $0xFFFFC000  }
0xb0: {  	[tilespmem:s3], [sflag:$0x5] =	stream.linear.gather [hbm4b:s5+s3], $0x400, $0x38;
	[tilespmem:$0x1C400] =	vst v63  }
0xb1: {  	_ =	swait.ge [sflag:s11], $0x400  }
0xb2: {  	s6 =	rddreg [dreg:$0x3];
	[sflag:s11] =	ssyncset.done $0x0  }
0xb3: {  	s5 =	sadd.s32 s7, s6;
	[sflag:s11] =	ssyncadd.s32 $0xFFFFFC00  }
0xb4: {  	[tilespmem:s12], [sflag:$0x5] =	stream.linear.gather [hbm4b:s5+s3], $0x400, $0x38;
	[tilespmem:$0x1C400] =	vst v63  }
0xb5: {  	_ =	swait.ge [sflag:s11], $0x400  }
0xb6: {  	[sflag:s11] =	ssyncset.done $0x0  }
0xb7: {  	[sflag:s11] =	ssyncadd.s32 $0xFFFFFC00  }
0xb8: {  	[tilespmem:s14], [sflag:$0x1] =	stream.indirect.gather [hbm4b:s4+s13], $0x80, s3, s13, $0xb8;
	[tilespmem:$0x1C400] =	vst v63  }
0xb9: {  	_ =	swait.ge [sflag:s15], $0x4000  }
0xba: {  	[sflag:s15] =	ssyncset.done $0x0  }
0xbb: {  	[sflag:s15] =	ssyncadd.s32 $0xFFFFC000  }
0xbc: {  	[spmem:s2] =	stream.indirect.scatter.add.f32 [tilespmem:s14], [sflag:$0x3], $0x80, s12, s13, $0xb8;
	[tilespmem:$0x1C400] =	vst v63  }
0xbd: {  	_ = 	snop  }
0xbe: {  	[tilespmem:s16], [sflag:$0x2] =	stream.indirect.gather [hbm4b:s4+s13], $0x80, s13, s13, $0xb8;
	[tilespmem:$0x1C400] =	vst v63  }
0xbf: {  	_ =	swait.ge [sflag:s17], $0x4000  }
0xc0: {  	[sflag:s17] =	ssyncset.done $0x0  }
0xc1: {  	[sflag:s17] =	ssyncadd.s32 $0xFFFFC000  }
0xc2: {  	[spmem:s2] =	stream.indirect.scatter.add.f32 [tilespmem:s16], [sflag:$0x4], $0x80, s18, s13, $0xb8;
	[tilespmem:$0x1C400] =	vst v63  }
0xc3: {  	_ =	swait.ge [sflag:s19], $0x4000  }
0xc4: {  	[sflag:s19] =	ssyncset.done $0x0  }
0xc5: {  	[sflag:s19] =	ssyncadd.s32 $0xFFFFC000  }
0xc6: {  	[tilespmem:s14], [sflag:$0x1] =	stream.indirect.gather [hbm4b:s4+s13], $0x80, s20, s13, $0xb8;
	[tilespmem:$0x1C400] =	vst v63  }
0xc7: {  	_ =	swait.ge [sflag:s15], $0x4000  }
0xc8: {  	[sflag:s15] =	ssyncset.done $0x0  }
0xc9: {  	[sflag:s15] =	ssyncadd.s32 $0xFFFFC000  }
0xca: {  	[spmem:s2] =	stream.indirect.scatter.add.f32 [tilespmem:s14], [sflag:$0x3], $0x80, s21, s13, $0xb8;
	[tilespmem:$0x1C400] =	vst v63  }
0xcb: {  	_ =	swait.ge [sflag:s22], $0x4000  }
0xcc: {  	[sflag:s22] =	ssyncset.done $0x0  }
0xcd: {  	[sflag:s22] =	ssyncadd.s32 $0xFFFFC000  }
0xce: {  	[tilespmem:s16], [sflag:$0x2] =	stream.indirect.gather [hbm4b:s4+s13], $0x80, s23, s13, $0xb8;
	[tilespmem:$0x1C400] =	vst v63  }
0xcf: {  	_ =	swait.ge [sflag:s17], $0x4000  }
0xd0: {  	[sflag:s17] =	ssyncset.done $0x0  }
0xd1: {  	[sflag:s17] =	ssyncadd.s32 $0xFFFFC000  }
0xd2: {  	[spmem:s2] =	stream.indirect.scatter.add.f32 [tilespmem:s16], [sflag:$0x4], $0x80, s24, s13, $0xb8;
	[tilespmem:$0x1C400] =	vst v63  }
0xd3: {  	_ =	swait.ge [sflag:s19], $0x4000  }
0xd4: {  	[sflag:s19] =	ssyncset.done $0x0  }
0xd5: {  	[sflag:s19] =	ssyncadd.s32 $0xFFFFC000  }
0xd6: {  	[tilespmem:s14], [sflag:$0x1] =	stream.indirect.gather [hbm4b:s4+s13], $0x80, s25, s13, $0xb8;
	[tilespmem:$0x1C400] =	vst v63  }
0xd7: {  	_ =	swait.ge [sflag:s15], $0x4000  }
0xd8: {  	[sflag:s15] =	ssyncset.done $0x0  }
0xd9: {  	[sflag:s15] =	ssyncadd.s32 $0xFFFFC000  }
0xda: {  	[spmem:s2] =	stream.indirect.scatter.add.f32 [tilespmem:s14], [sflag:$0x3], $0x80, s26, s13, $0xb8;
	[tilespmem:$0x1C400] =	vst v63  }
0xdb: {  	_ =	swait.ge [sflag:s22], $0x4000  }
0xdc: {  	[sflag:s22] =	ssyncset.done $0x0  }
0xdd: {  	[sflag:s22] =	ssyncadd.s32 $0xFFFFC000  }
0xde: {  	[tilespmem:s16], [sflag:$0x2] =	stream.indirect.gather [hbm4b:s4+s13], $0x80, s28, s13, $0xb8;
	[tilespmem:$0x1C400] =	vst v63  }
0xdf: {  	_ =	swait.ge [sflag:s17], $0x4000  }
0xe0: {  	[sflag:s17] =	ssyncset.done $0x0  }
0xe1: {  	[sflag:s17] =	ssyncadd.s32 $0xFFFFC000  }
0xe2: {  	[spmem:s2] =	stream.indirect.scatter.add.f32 [tilespmem:s16], [sflag:$0x4], $0x80, s29, s13, $0xb8;
	[tilespmem:$0x1C400] =	vst v63  }
0xe3: {  	_ =	swait.ge [sflag:s19], $0x4000  }
0xe4: {  	[sflag:s19] =	ssyncset.done $0x0  }
0xe5: {  	[sflag:s19] =	ssyncadd.s32 $0xFFFFC000  }
0xe6: {  	[tilespmem:s14], [sflag:$0x1] =	stream.indirect.gather [hbm4b:s4+s13], $0x80, s30, s13, $0xb8;
	[tilespmem:$0x1C400] =	vst v63  }
0xe7: {  	_ =	swait.ge [sflag:s15], $0x4000  }
0xe8: {  	[sflag:s15] =	ssyncset.done $0x0  }
0xe9: {  	[sflag:s15] =	ssyncadd.s32 $0xFFFFC000  }
0xea: {  	[spmem:s2] =	stream.indirect.scatter.add.f32 [tilespmem:s14], [sflag:$0x3], $0x80, s31, s13, $0xb8;
	[tilespmem:$0x1C400] =	vst v63  }
0xeb: {  	_ =	swait.ge [sflag:s22], $0x4000  }
0xec: {  	[sflag:s22] =	ssyncset.done $0x0  }
0xed: {  	[sflag:s22] =	ssyncadd.s32 $0xFFFFC000  }
0xee: {  	[tilespmem:s16], [sflag:$0x2] =	stream.indirect.gather [hbm4b:s4+s13], $0x80, s1, s13, $0xb8;
	[tilespmem:$0x1C400] =	vst v63  }
0xef: {  	_ =	swait.ge [sflag:s17], $0x4000  }
0xf0: {  	[sflag:s17] =	ssyncset.done $0x0  }
0xf1: {  	[sflag:s17] =	ssyncadd.s32 $0xFFFFC000  }
0xf2: {  	[spmem:s2] =	stream.indirect.scatter.add.f32 [tilespmem:s16], [sflag:$0x4], $0x80, s0, s13, $0xb8;
	[tilespmem:$0x1C400] =	vst v63  }
0xf3: {  	_ =	swait.ge [sflag:s19], $0x4000  }
0xf4: {  	[sflag:s19] =	ssyncset.done $0x0  }
0xf5: {  	[sflag:s19] =	ssyncadd.s32 $0xFFFFC000  }
0xf6: {  	_ =	swait.ge [sflag:s22], $0x4000  }
0xf7: {  	[sflag:s22] =	ssyncset.done $0x0  }
0xf8: {  	[sflag:s22] =	ssyncadd.s32 $0xFFFFC000  }
0xf9: {  	[bflag:$0x0] =	sbarrier.arrive $0xFFFF  }
0xfa: {  	s7 =	rddreg [dreg:$0x5]  }
0xfb: {  	s8 =	rddreg [dreg:$0x6]  }
0xfc: {  	s6 =	rddreg [dreg:$0x8]  }
0xfd: {  	[hbm:s8], [sflag:s7] =	dma.local [spmem:s6], $0x2780  }
0xfe: {  	_ =	swait.ge [sflag:s11], $0x2780  }
0xff: {  	s8 =	rddreg [dreg:$0x9]  }
0x100: {  	s10 =	rddreg [dreg:$0x7];
	s8 =	sadd.s32 $0x1, s8  }
0x101: {  	p0 =	sne.s32 s8, s10  }
.Ltmp1:
0x102: {  	_ = 	snop;
	(pc) =	sbr.rel @p0 .LBB2_1-.Ltmp1, $3  }
0x103: {  	_ =	sdelay $0x1  }
0x104: {  	[sflag:s11] =	ssyncset.done $0x0  }
0x105: {  	[sflag:s11] =	ssyncadd.s32 $0xFFFFD880  }
0x106: {  	_ =	sfence.sel $0x180000  }
0x107: {  	[bflag:$0x0] =	sbarrier.arrive $0xFFFF  }
0x108: {  	_ =	strace $0x9000004D  }
0x109: {  	s0 =	stileid.u32;
	[bflag:$0x2] =	sbarrier.arrive $0xFFFF  }
0x10a: {  	p0 =	sne.s32 s0, $0x0;
	s0 =	rddreg [dreg:$0x2]  }
0x10b: {  	s0 =	sadd.s32 @!p0 $0x100000, s0  }
0x10c: {  	[sflag:s0] =	ssyncadd.tile.s32 @!p0 $0x1;
	_ =	shalt  }
.Lfunc_end2:
_tile_overlayer_lowered:
.L_overlay_start_2:
0x10d: {  	(tag) =	ssettag $0x2  }
0x10e: {  	s0 =	rddreg [dreg:$0x0];
	s2 =	stileid.u32  }
0x10f: {  	s1 =	rddreg [dreg:$0x1];
	p0 =	sne.s32 s2, $0x0  }
0x110: {  	s3 =	rddreg [dreg:$0x2];
	[bflag:$0x3] =	sbarrier.arrive $0xFFFF;
	s2 =	simm.s32 @!p0 $0x1C05  }
0x111: {  	[timem:s3], [sflag:s2] =	dma.local @!p0 [hbm:s0], s1  }
0x112: {  	s0 =	simm.s32 @!p0 $0x5  }
0x113: {  	_ =	swait.ge @!p0 [sflag:s0], s1  }
0x114: {  	s1 =	ssub.s32 @!p0 $0x0, s1;
	[sflag:s0] =	ssyncset.done @!p0 $0x0  }
0x115: {  	[sflag:s0] =	ssyncadd.s32 @!p0 s1  }
0x116: {  	[bflag:$0x3] =	sbarrier.arrive $0xFFFF  }
0x117: {  	_ =	shalt  }

// kernel: kernel.7.cloned.1.call-start
scs
__scs_entry_jumppad:
0x0: {  	(pc) =	sbr.rel $0x88, $3  }
0x1: {  	(tag) =	ssettag $0x0;
	lr =	simm.s32 $0x1  }
0x2: {  	[smem:$0x3F96] =	sst lr;
	_ =	strace $0xD0000000  }
0x3: {  	_ = 	snop  }
0x4: {  	_ = 	snop  }
0x5: {  	_ = 	snop  }
0x6: {  	_ = 	snop  }
0x7: {  	_ = 	snop  }
__scs_overlays_trampoline_lowered:
0x8: {  	[smem:$0x3FA5] =	sst s0  }
0x9: {  	[smem:$0x3FA6] =	sst s1  }
0xa: {  	[smem:$0x3FA7] =	sst s2  }
0xb: {  	[smem:$0x3FA8] =	sst s3  }
0xc: {  	[smem:$0x3FA9] =	sst s4  }
0xd: {  	[smem:$0x3FAA] =	sst s5  }
0xe: {  	[smem:$0x3FAB] =	sst s6  }
0xf: {  	[smem:$0x3FAC] =	sst s7  }
0x10: {  	[smem:$0x3FAD] =	sst s8  }
0x11: {  	[smem:$0x3FAE] =	sst s9;
	s0 =	simm.s32 @!p0 $0x0  }
0x12: {  	s1 =	sld [smem:$0x3F94];
	s0 =	simm.s32 @p0 $0x1  }
0x13: {  	[smem:$0x3FAF] =	sst s0;
	s0 =	simm.s32 @!p1 $0x0  }
0x14: {  	s2 =	sld [smem:$0x3F93];
	s0 =	simm.s32 @p1 $0x1  }
0x15: {  	[smem:$0x3FB0] =	sst s0;
	s0 =	simm.s32 @!p2 $0x0  }
0x16: {  	s3 =	sld [smem:$0x3FDB];
	s0 =	simm.s32 @p2 $0x1  }
0x17: {  	s4 =	simm.s32 $0x1BF5;
	[smem:$0x3FB2] =	sst s0  }
0x18: {  	s0 =	sld [smem:$0x3F95];
	_ =	swait.ge [sflag:s4], $0x0  }
0x19: {  	s7 =	sld [smem:$0x3F96]  }
0x1a: {  	s8 =	sadd.s32 $0xFFFFE003, lr  }
0x1b: {  	s9 =	sadd.s32 $0xFFFFFEF7, lr;
	s5 =	simm.s32 $0xFFFFFFFF;
	p2 =	slt.u32 s8, $0xFFFFF086  }
0x1c: {  	p1 =	slt.u32 s9, $0xF7A;
	s5 =	simm.s32 @!p2 $0x0  }
0x1d: {  	s5 =	simm.s32 @p1 $0x1;
	p0 =	seq.s32 s7, s2  }
0x1e: {  	s7 =	smul.u32 @!p0 $0xF7A, s2;
	p2 =	seq.s32 @!p0 s5, $0x0  }
0x1f: {  	s9 =	smul.u32 $0xF7A, s1;
	s8 =	simm.s32 @!p0 $0x1BF5;
	p2 =	por !p2, p0  }
0x20: {  	[sflag:s8] =	ssyncset.s32 @!p0 $0xFFFFF086;
	s6 =	sadd.s32 @!p0 s3, s7;
	s7 =	simm.s32 @!p0 $0x108  }
0x21: {  	s3 =	sadd.s32 s3, s9;
	s6 =	sadd.s32 @!p0 $0x88, s6;
	s7 =	simm.s32 @p2 $0x1082  }
0x22: {  	[simem:s7], [sflag:s8] =	dma.local @!p0 [hbm:s6], $0xF7A  }
0x23: {  	s9 =	sor.u32 $0xD0000000, s2;
	s6 =	simm.s32 $0x108;
	_ =	swait.ge @!p0 [sflag:s8], $0x0  }
0x24: {  	s3 =	sadd.s32 $0x88, s3;
	s6 =	simm.s32 @!p1 $0x1082;
	[sflag:s4] =	ssyncset.s32 $0xFFFFF086  }
0x25: {  	[simem:s6], [sflag:s4] =	dma.local [hbm:s3], $0xF7A  }
0x26: {  	[smem:$0x3F96] =	sst s1;
	(tag) =	ssettag s2;
	_ =	strace s9  }
0x27: {  	s1 =	sld [smem:$0x3FA6]  }
0x28: {  	s2 =	sld [smem:$0x3FA7]  }
0x29: {  	s4 =	sld [smem:$0x3FA9]  }
0x2a: {  	p0 =	seq.s32 s5, $0x0;
	s5 =	sld [smem:$0x3FAA]  }
0x2b: {  	s6 =	sld [smem:$0x3FAB]  }
0x2c: {  	s7 =	sld [smem:$0x3FAC]  }
0x2d: {  	s3 =	simm.s32 $0x108;
	s8 =	sld [smem:$0x3FAD]  }
0x2e: {  	s3 =	simm.s32 @!p0 $0x1082;
	s9 =	sld [smem:$0x3FAE]  }
0x2f: {  	lr =	sadd.s32 s0, s3;
	s0 =	sld [smem:$0x3FA5]  }
0x30: {  	s3 =	sld [smem:$0x3FA8]  }
0x31: {  	[smem:$0x3FB1] =	sst s10  }
0x32: {  	s10 =	sld [smem:$0x3FAF];
	_ =	sdelay $0x3  }
0x33: {  	p0 =	seq.s32 s10, $0x1;
	s10 =	sld [smem:$0x3FB1];
	_ =	sdelay $0x3  }
0x34: {  	[smem:$0x3FB1] =	sst s10  }
0x35: {  	s10 =	sld [smem:$0x3FB0];
	_ =	sdelay $0x3  }
0x36: {  	p1 =	seq.s32 s10, $0x1;
	s10 =	sld [smem:$0x3FB1];
	_ =	sdelay $0x3  }
0x37: {  	[smem:$0x3FB1] =	sst s10  }
0x38: {  	s10 =	sld [smem:$0x3FB2]  }
0x39: {  	_ = 	snop;
	(pc) =	sbr.ind lr, $3  }
0x3a: {  	_ = 	snop  }
0x3b: {  	_ = 	snop  }
0x3c: {  	p2 =	seq.s32 s10, $0x1;
	s10 =	sld [smem:$0x3FB1]  }
0x3d: {  	_ =	shalt  }
0x3e: {  	_ =	shalt  }
0x3f: {  	_ =	shalt  }
0x40: {  	_ =	shalt  }
0x41: {  	_ =	shalt  }
0x42: {  	_ =	shalt  }
0x43: {  	_ =	shalt  }
0x44: {  	_ =	shalt  }
0x45: {  	_ =	shalt  }
0x46: {  	_ =	shalt  }
0x47: {  	_ =	shalt  }
0x48: {  	_ =	shalt  }
0x49: {  	_ =	shalt  }
0x4a: {  	_ =	shalt  }
0x4b: {  	_ =	shalt  }
0x4c: {  	_ =	shalt  }
0x4d: {  	_ =	shalt  }
0x4e: {  	_ =	shalt  }
0x4f: {  	_ =	shalt  }
0x50: {  	_ =	shalt  }
0x51: {  	_ =	shalt  }
0x52: {  	_ =	shalt  }
0x53: {  	_ =	shalt  }
0x54: {  	_ =	shalt  }
0x55: {  	_ =	shalt  }
0x56: {  	_ =	shalt  }
0x57: {  	_ =	shalt  }
0x58: {  	_ =	shalt  }
0x59: {  	_ =	shalt  }
0x5a: {  	_ =	shalt  }
0x5b: {  	_ =	shalt  }
0x5c: {  	_ =	shalt  }
0x5d: {  	_ =	shalt  }
0x5e: {  	_ =	shalt  }
0x5f: {  	_ =	shalt  }
0x60: {  	_ =	shalt  }
0x61: {  	_ =	shalt  }
0x62: {  	_ =	shalt  }
0x63: {  	_ =	shalt  }
0x64: {  	_ =	shalt  }
0x65: {  	_ =	shalt  }
0x66: {  	_ =	shalt  }
0x67: {  	_ =	shalt  }
0x68: {  	_ =	shalt  }
0x69: {  	_ =	shalt  }
0x6a: {  	_ =	shalt  }
0x6b: {  	_ =	shalt  }
0x6c: {  	_ =	shalt  }
0x6d: {  	_ =	shalt  }
0x6e: {  	_ =	shalt  }
0x6f: {  	_ =	shalt  }
0x70: {  	_ =	shalt  }
0x71: {  	_ =	shalt  }
0x72: {  	_ =	shalt  }
0x73: {  	_ =	shalt  }
0x74: {  	_ =	shalt  }
0x75: {  	_ =	shalt  }
0x76: {  	_ =	shalt  }
0x77: {  	_ =	shalt  }
0x78: {  	_ =	shalt  }
0x79: {  	_ =	shalt  }
0x7a: {  	_ =	shalt  }
0x7b: {  	_ =	shalt  }
0x7c: {  	_ =	shalt  }
0x7d: {  	_ =	shalt  }
0x7e: {  	_ =	shalt  }
0x7f: {  	_ =	shalt  }
0x80: {  	_ =	shalt  }
0x81: {  	_ =	shalt  }
0x82: {  	_ =	shalt  }
0x83: {  	_ =	shalt  }
0x84: {  	_ =	shalt  }
0x85: {  	_ =	shalt  }
0x86: {  	_ =	shalt  }
0x87: {  	_ =	shalt  }
.Lfunc_end0:
.L_simem_size_0:
called_computation_lowered:
.L_overlay_start_0:
0x88: {  	s2 =	sld [smem:$0x3FD9]  }
0x89: {  	s3 =	sld [smem:$0x3FFE];
	_ =	sdelay $0x1  }
0x8a: {  	s1 =	srdreg.scid  }
0x8b: {  	s0 =	sand.u32 $0x1, s1  }
0x8c: {  	s17 =	sshll.u32 s0, $0xA;
	s2 =	sadd.s32 s3, s2  }
0x8d: {  	s2 =	sadd.s32 s2, s17  }
0x8e: {  	[smem:$0x3FBD] =	sst s2  }
0x8f: {  	_ = 	snop  }
0x90: {  	s2 =	sld [smem:$0x3FC9];
	(tm) =	ssettm $0x1  }
0x91: {  	s18 =	sld [smem:$0x3FFB];
	_ =	sdelay $0x3  }
0x92: {  	_ =	strace s18  }
0x93: {  	s3 =	sld [smem:$0x3FFC];
	_ =	sdelay $0x3  }
0x94: {  	_ =	strace s3  }
0x95: {  	s3 =	sld [smem:$0x3FFD];
	_ =	sdelay $0x3  }
0x96: {  	_ =	strace s3  }
0x97: {  	_ =	strace $0x8FFFFFFF  }
0x98: {  	s19 =	sld [smem:$0x3FDB];
	_ =	sdelay $0x1  }
0x99: {  	s4 =	simm.s32 $_scs_section_size  }
0x9a: {  	s5 =	simm.s32 $_size__tile_overlayer_lowered;
	s6 =	simm.s32 $_tile_overlayer_lowered  }
0x9b: {  	s22 =	simm.s32 $0x1BFF;
	s21 =	sshll.u32 s6, $0x1;
	s3 =	sadd.s32 s4, s19  }
0x9c: {  	s7 =	simm.s32 $0x0;
	s20 =	sshll.u32 s5, $0x1;
	s5 =	sadd.s32 s21, s3  }
0x9d: {  	[timem:s7], [sflag:s22] =	dma.local [hbm:s5], s20  }
0x9e: {  	_ =	swait.ge [sflag:s22], s20  }
0x9f: {  	s4 =	ssub.s32 $0x0, s20;
	[sflag:s22] =	ssyncset.done $0x0  }
0xa0: {  	[sflag:s22] =	ssyncadd.s32 s4;
	_ =	sdelay $0x1  }
0xa1: {  	s23 =	simm.s32 $0x1B8B  }
0xa2: {  	_ =	swait.ge [sflag:s23], $0x1  }
0xa3: {  	[sflag:s23] =	ssyncset.done $0x0  }
0xa4: {  	s25 =	simm.s32 $0x1B8E;
	s24 =	sld [smem:$0x3FFE];
	[sflag:s23] =	ssyncadd.s32 $0xFFFFFFFF  }
0xa5: {  	s26 =	simm.s32 $execute0_lowered;
	[smem:$0x3FD2] =	sst s25  }
0xa6: {  	s5 =	sshll.u32 s26, $0x1;
	_ =	strace $0x80000046;
	[dreg:$0x1] =	wrdreg $0xFFFFFFFF  }
0xa7: {  	s28 =	simm.s32 $_size_execute0_lowered;
	s3 =	sadd.s32 s3, s5;
	[dreg:$0x0] =	wrdreg $0x0  }
0xa8: {  	s5 =	sshll.u32 s28, $0x1;
	[dreg:$0x2] =	wrdreg s3  }
0xa9: {  	[dreg:$0x3] =	wrdreg s5  }
0xaa: {  	[dreg:$0x4] =	wrdreg $0xC0  }
0xab: {  	_ =	task [dreg:s7], $0x5FFFF  }
0xac: {  	[dreg:$0x1] =	wrdreg $0xFFFFFFFF  }
0xad: {  	[dreg:$0x0] =	wrdreg $0x60  }
0xae: {  	[dreg:$0x2] =	wrdreg s24  }
0xaf: {  	[dreg:$0x3] =	wrdreg s2  }
0xb0: {  	[dreg:$0x4] =	wrdreg $0x88000  }
0xb1: {  	[dreg:$0x5] =	wrdreg $0x9  }
0xb2: {  	_ =	task.clear_ibuf [dreg:s7], $0x6FFFF;
	_ =	strace $0x90000046  }
0xb3: {  	s29 =	simm.s32 $0x9;
	_ =	strace $0x80000048  }
0xb4: {  	_ =	swait.ge [sflag:s29], $0x1  }
0xb5: {  	[sflag:s29] =	ssyncadd.s32 $0xFFFFFFFF  }
0xb6: {  	_ =	strace $0x90000048  }
0xb7: {  	_ =	sfence  }
0xb8: {  	s30 =	sld [smem:$0x0];
	_ =	sdelay $0x2  }
0xb9: {  	s31 =	sshll.u32 s1, $0xD;
	s1 =	sshrl.u32 s1, $0x2  }
0xba: {  	s3 =	sand.u32 $0x4000, s31;
	s1 =	sadd.s32 s1, s30  }
0xbb: {  	s0 =	sor.u32 s3, s0;
	s1 =	sshll.u32 s1, $0x11  }
0xbc: {  	s0 =	sor.u32 s1, s0  }
0xbd: {  	s0 =	sadd.s32 $0x8F2B, s0  }
0xbe: {  	[sflag:s0] =	ssyncadd.remote.s32 $0x1  }
0xbf: {  	_ =	sfence.sel $0xFFFF  }
0xc0: {  	[dreg:$0x0] =	wrdreg $0xFFFFFFFF;
	(pc) =	sbr.abs _section_cstart, $3  }
0xc1: {  	[dreg:$0x1] =	wrdreg $0xFFFFFFFF  }
0xc2: {  	_ =	task.clear_ibuf [dreg:s7], $0x2FFFF;
	_ =	strace $0x9FFFFFFF  }
0xc3: {  	(tm) =	ssettm $0x7FFFFFFF  }
tec
execute0_lowered:
.L_overlay_start_1:
0x0: {  	(tag) =	ssettag $0x1  }
0x1: {  	s0 =	rddreg [dreg:$0x0]  }
0x2: {  	s2 =	rddreg [dreg:$0x1];
	s11 =	stileid.u32  }
0x3: {  	s1 =	srdreg.scid;
	s3 =	rddreg [dreg:$0x2];
	s4 =	simm.s32 $0x0  }
0x4: {  	s12 =	simm.s32 $0x400;
	s13 =	simm.s32 $0x80;
	s14 =	simm.s32 $0x800  }
0x5: {  	s15 =	simm.s32 $0x1;
	s16 =	simm.s32 $0x4800;
	s17 =	simm.s32 $0x2  }
0x6: {  	s18 =	simm.s32 $0x480;
	s19 =	simm.s32 $0x3;
	s20 =	simm.s32 $0x100  }
0x7: {  	s28 =	simm.s32 $0x280;
	s29 =	simm.s32 $0x680;
	s30 =	simm.s32 $0x300  }
0x8: {  	s31 =	simm.s32 $0x700;
	s5 =	smul.u32 $0xA00, s11;
	s1 =	sand.u32 $0x1, s1  }
0x9: {  	[smem:$0x7FF] =	sst s4;
	s7 =	smul.u32 $0x13C00, s11;
	s8 =	sadd.s32 $0x20A00, s0  }
0xa: {  	s22 =	smul.u32 $0x4F000, s11;
	s24 =	sshll.u32 s11, $0x6;
	s11 =	simm.s32 $0x5  }
0xb: {  	s6 =	smul.u32 $0x13C000, s1;
	_ =	strace $0x80000047;
	[dreg:$0x5] =	wrdreg s8  }
0xc: {  	s21 =	ssub.s32 $0x2, s1;
	s1 =	smul.u32 $0x500, s1;
	s8 =	sor.u32 $0x1C05, s24  }
0xd: {  	s24 =	simm.s32 $0x580;
	s5 =	sadd.s32 s5, s0;
	s9 =	sshrl.u32 s21, $0x1  }
0xe: {  	s23 =	sshrl.u32 s22, $0x2;
	s22 =	simm.s32 $0x4;
	s6 =	sadd.s32 s7, s6  }
0xf: {  	s7 =	ssub.s32 s21, s9;
	s10 =	sadd.s32 s23, s3;
	s1 =	sadd.s32 s1, s5  }
0x10: {  	s21 =	simm.s32 $0x500;
	s23 =	simm.s32 $0x180;
	s5 =	simm.s32 $0x0  }
0x11: {  	s6 =	sshrl.u32 s6, $0x3;
	s25 =	sadd.s32 $0x2A00, s1;
	s26 =	smax.u32 s7, $0x1  }
0x12: {  	s9 =	sadd.s32 $0x16A00, s1;
	s7 =	sshrl.u32 s10, $0x3;
	[dreg:$0x7] =	wrdreg s26  }
0x13: {  	s1 =	simm.s32 $0x380;
	s0 =	sadd.s32 s6, s0;
	[dreg:$0x4] =	wrdreg s25  }
0x14: {  	s25 =	simm.s32 $0x200;
	[dreg:$0x8] =	wrdreg s7;
	s0 =	sadd.s32 $0x23200, s0  }
0x15: {  	s26 =	simm.s32 $0x600;
	[dreg:$0x6] =	wrdreg s0;
	s0 =	simm.s32 $0x780  }
.LBB2_1:
0x16: {  	s6 =	rddreg [dreg:$0x5]  }
0x17: {  	[spmem:s7], [sflag:s8] =	dma.local [hbm:s6], $0x2780  }
0x18: {  	_ =	swait.ge [sflag:s11], $0x2780  }
0x19: {  	[sflag:s11] =	ssyncset.done $0x0  }
0x1a: {  	[sflag:s11] =	ssyncadd.s32 $0xFFFFD880  }
0x1b: {  	[bflag:$0x0] =	sbarrier.arrive $0xFFFF  }
0x1c: {  	s6 =	rddreg [dreg:$0x4]  }
0x1d: {  	s7 =	sadd.s32 $0x0, s6  }
0x1e: {  	[tilespmem:s4], [sflag:$0x5] =	stream.linear.gather [hbm4b:s7+s4], $0x400, $0x38;
	[tilespmem:$0x1C400] =	vst v63  }
0x1f: {  	_ =	swait.ge [sflag:s11], $0x400  }
0x20: {  	[sflag:s11] =	ssyncset.done $0x0  }
0x21: {  	s10 =	smov.u32 s8;
	s8 =	sadd.s32 $0x0, s9;
	[sflag:s11] =	ssyncadd.s32 $0xFFFFFC00  }
0x22: {  	[tilespmem:s12], [sflag:$0x5] =	stream.linear.gather [hbm4b:s8+s4], $0x400, $0x38;
	[tilespmem:$0x1C400] =	vst v63  }
0x23: {  	_ =	swait.ge [sflag:s11], $0x400  }
0x24: {  	[sflag:s11] =	ssyncset.done $0x0  }
0x25: {  	[sflag:s11] =	ssyncadd.s32 $0xFFFFFC00  }
0x26: {  	[tilespmem:s14], [sflag:$0x1] =	stream.indirect.gather [hbm4b:s2+s13], $0x80, s4, s13, $0xb8;
	[tilespmem:$0x1C400] =	vst v63  }
0x27: {  	_ =	swait.ge [sflag:s15], $0x4000  }
0x28: {  	[sflag:s15] =	ssyncset.done $0x0  }
0x29: {  	[sflag:s15] =	ssyncadd.s32 $0xFFFFC000  }
0x2a: {  	[spmem:s3] =	stream.indirect.scatter.add.f32 [tilespmem:s14], [sflag:$0x3], $0x80, s12, s13, $0xb8;
	[tilespmem:$0x1C400] =	vst v63  }
0x2b: {  	_ = 	snop  }
0x2c: {  	[tilespmem:s16], [sflag:$0x2] =	stream.indirect.gather [hbm4b:s2+s13], $0x80, s13, s13, $0xb8;
	[tilespmem:$0x1C400] =	vst v63  }
0x2d: {  	_ =	swait.ge [sflag:s17], $0x4000  }
0x2e: {  	[sflag:s17] =	ssyncset.done $0x0  }
0x2f: {  	[sflag:s17] =	ssyncadd.s32 $0xFFFFC000  }
0x30: {  	[spmem:s3] =	stream.indirect.scatter.add.f32 [tilespmem:s16], [sflag:$0x4], $0x80, s18, s13, $0xb8;
	[tilespmem:$0x1C400] =	vst v63  }
0x31: {  	_ =	swait.ge [sflag:s19], $0x4000  }
0x32: {  	[sflag:s19] =	ssyncset.done $0x0  }
0x33: {  	[sflag:s19] =	ssyncadd.s32 $0xFFFFC000  }
0x34: {  	[tilespmem:s14], [sflag:$0x1] =	stream.indirect.gather [hbm4b:s2+s13], $0x80, s20, s13, $0xb8;
	[tilespmem:$0x1C400] =	vst v63  }
0x35: {  	_ =	swait.ge [sflag:s15], $0x4000  }
0x36: {  	[sflag:s15] =	ssyncset.done $0x0  }
0x37: {  	[sflag:s15] =	ssyncadd.s32 $0xFFFFC000  }
0x38: {  	[spmem:s3] =	stream.indirect.scatter.add.f32 [tilespmem:s14], [sflag:$0x3], $0x80, s21, s13, $0xb8;
	[tilespmem:$0x1C400] =	vst v63  }
0x39: {  	_ =	swait.ge [sflag:s22], $0x4000  }
0x3a: {  	[sflag:s22] =	ssyncset.done $0x0  }
0x3b: {  	[sflag:s22] =	ssyncadd.s32 $0xFFFFC000  }
0x3c: {  	[tilespmem:s16], [sflag:$0x2] =	stream.indirect.gather [hbm4b:s2+s13], $0x80, s23, s13, $0xb8;
	[tilespmem:$0x1C400] =	vst v63  }
0x3d: {  	_ =	swait.ge [sflag:s17], $0x4000  }
0x3e: {  	[sflag:s17] =	ssyncset.done $0x0  }
0x3f: {  	[sflag:s17] =	ssyncadd.s32 $0xFFFFC000  }
0x40: {  	[spmem:s3] =	stream.indirect.scatter.add.f32 [tilespmem:s16], [sflag:$0x4], $0x80, s24, s13, $0xb8;
	[tilespmem:$0x1C400] =	vst v63  }
0x41: {  	_ =	swait.ge [sflag:s19], $0x4000  }
0x42: {  	[sflag:s19] =	ssyncset.done $0x0  }
0x43: {  	[sflag:s19] =	ssyncadd.s32 $0xFFFFC000  }
0x44: {  	[tilespmem:s14], [sflag:$0x1] =	stream.indirect.gather [hbm4b:s2+s13], $0x80, s25, s13, $0xb8;
	[tilespmem:$0x1C400] =	vst v63  }
0x45: {  	_ =	swait.ge [sflag:s15], $0x4000  }
0x46: {  	[sflag:s15] =	ssyncset.done $0x0  }
0x47: {  	[sflag:s15] =	ssyncadd.s32 $0xFFFFC000  }
0x48: {  	[spmem:s3] =	stream.indirect.scatter.add.f32 [tilespmem:s14], [sflag:$0x3], $0x80, s26, s13, $0xb8;
	[tilespmem:$0x1C400] =	vst v63  }
0x49: {  	_ =	swait.ge [sflag:s22], $0x4000  }
0x4a: {  	[sflag:s22] =	ssyncset.done $0x0  }
0x4b: {  	[sflag:s22] =	ssyncadd.s32 $0xFFFFC000  }
0x4c: {  	[tilespmem:s16], [sflag:$0x2] =	stream.indirect.gather [hbm4b:s2+s13], $0x80, s28, s13, $0xb8;
	[tilespmem:$0x1C400] =	vst v63  }
0x4d: {  	_ =	swait.ge [sflag:s17], $0x4000  }
0x4e: {  	[sflag:s17] =	ssyncset.done $0x0  }
0x4f: {  	[sflag:s17] =	ssyncadd.s32 $0xFFFFC000  }
0x50: {  	[spmem:s3] =	stream.indirect.scatter.add.f32 [tilespmem:s16], [sflag:$0x4], $0x80, s29, s13, $0xb8;
	[tilespmem:$0x1C400] =	vst v63  }
0x51: {  	_ =	swait.ge [sflag:s19], $0x4000  }
0x52: {  	[sflag:s19] =	ssyncset.done $0x0  }
0x53: {  	[sflag:s19] =	ssyncadd.s32 $0xFFFFC000  }
0x54: {  	[tilespmem:s14], [sflag:$0x1] =	stream.indirect.gather [hbm4b:s2+s13], $0x80, s30, s13, $0xb8;
	[tilespmem:$0x1C400] =	vst v63  }
0x55: {  	_ =	swait.ge [sflag:s15], $0x4000  }
0x56: {  	[sflag:s15] =	ssyncset.done $0x0  }
0x57: {  	[sflag:s15] =	ssyncadd.s32 $0xFFFFC000  }
0x58: {  	[spmem:s3] =	stream.indirect.scatter.add.f32 [tilespmem:s14], [sflag:$0x3], $0x80, s31, s13, $0xb8;
	[tilespmem:$0x1C400] =	vst v63  }
0x59: {  	_ =	swait.ge [sflag:s22], $0x4000  }
0x5a: {  	[sflag:s22] =	ssyncset.done $0x0  }
0x5b: {  	[sflag:s22] =	ssyncadd.s32 $0xFFFFC000  }
0x5c: {  	[tilespmem:s16], [sflag:$0x2] =	stream.indirect.gather [hbm4b:s2+s13], $0x80, s1, s13, $0xb8;
	[tilespmem:$0x1C400] =	vst v63  }
0x5d: {  	_ =	swait.ge [sflag:s17], $0x4000  }
0x5e: {  	[sflag:s17] =	ssyncset.done $0x0  }
0x5f: {  	[sflag:s17] =	ssyncadd.s32 $0xFFFFC000  }
0x60: {  	[spmem:s3] =	stream.indirect.scatter.add.f32 [tilespmem:s16], [sflag:$0x4], $0x80, s0, s13, $0xb8;
	[tilespmem:$0x1C400] =	vst v63  }
0x61: {  	_ =	swait.ge [sflag:s19], $0x4000  }
0x62: {  	[sflag:s19] =	ssyncset.done $0x0  }
0x63: {  	[sflag:s19] =	ssyncadd.s32 $0xFFFFC000  }
0x64: {  	_ =	swait.ge [sflag:s22], $0x4000  }
0x65: {  	s7 =	simm.s32 $0x80;
	[sflag:s22] =	ssyncset.done $0x0  }
.LBB2_2:
0x66: {  	s8 =	rddreg [dreg:$0x4];
	s6 =	smov.u32 s7  }
0x67: {  	[sflag:s22] =	ssyncadd.s32 $0xFFFFC000;
	s8 =	sadd.s32 s6, s8  }
0x68: {  	[tilespmem:s4], [sflag:$0x5] =	stream.linear.gather [hbm4b:s8+s4], $0x400, $0x38;
	[tilespmem:$0x1C400] =	vst v63  }
0x69: {  	_ =	swait.ge [sflag:s11], $0x400  }
0x6a: {  	[sflag:s11] =	ssyncset.done $0x0  }
0x6b: {  	s6 =	sadd.s32 s6, s9;
	[sflag:s11] =	ssyncadd.s32 $0xFFFFFC00  }
0x6c: {  	[tilespmem:s12], [sflag:$0x5] =	stream.linear.gather [hbm4b:s6+s4], $0x400, $0x38;
	[tilespmem:$0x1C400] =	vst v63  }
0x6d: {  	_ =	swait.ge [sflag:s11], $0x400  }
0x6e: {  	[sflag:s11] =	ssyncset.done $0x0  }
0x6f: {  	[sflag:s11] =	ssyncadd.s32 $0xFFFFFC00  }
0x70: {  	[tilespmem:s14], [sflag:$0x1] =	stream.indirect.gather [hbm4b:s2+s13], $0x80, s4, s13, $0xb8;
	[tilespmem:$0x1C400] =	vst v63  }
0x71: {  	_ =	swait.ge [sflag:s15], $0x4000  }
0x72: {  	[sflag:s15] =	ssyncset.done $0x0  }
0x73: {  	[sflag:s15] =	ssyncadd.s32 $0xFFFFC000  }
0x74: {  	[spmem:s3] =	stream.indirect.scatter.add.f32 [tilespmem:s14], [sflag:$0x3], $0x80, s12, s13, $0xb8;
	[tilespmem:$0x1C400] =	vst v63  }
0x75: {  	_ = 	snop  }
0x76: {  	[tilespmem:s16], [sflag:$0x2] =	stream.indirect.gather [hbm4b:s2+s13], $0x80, s13, s13, $0xb8;
	[tilespmem:$0x1C400] =	vst v63  }
0x77: {  	_ =	swait.ge [sflag:s17], $0x4000  }
0x78: {  	[sflag:s17] =	ssyncset.done $0x0  }
0x79: {  	[sflag:s17] =	ssyncadd.s32 $0xFFFFC000  }
0x7a: {  	[spmem:s3] =	stream.indirect.scatter.add.f32 [tilespmem:s16], [sflag:$0x4], $0x80, s18, s13, $0xb8;
	[tilespmem:$0x1C400] =	vst v63  }
0x7b: {  	_ =	swait.ge [sflag:s19], $0x4000  }
0x7c: {  	[sflag:s19] =	ssyncset.done $0x0  }
0x7d: {  	[sflag:s19] =	ssyncadd.s32 $0xFFFFC000  }
0x7e: {  	[tilespmem:s14], [sflag:$0x1] =	stream.indirect.gather [hbm4b:s2+s13], $0x80, s20, s13, $0xb8;
	[tilespmem:$0x1C400] =	vst v63  }
0x7f: {  	_ =	swait.ge [sflag:s15], $0x4000  }
0x80: {  	[sflag:s15] =	ssyncset.done $0x0  }
0x81: {  	[sflag:s15] =	ssyncadd.s32 $0xFFFFC000  }
0x82: {  	[spmem:s3] =	stream.indirect.scatter.add.f32 [tilespmem:s14], [sflag:$0x3], $0x80, s21, s13, $0xb8;
	[tilespmem:$0x1C400] =	vst v63  }
0x83: {  	_ =	swait.ge [sflag:s22], $0x4000  }
0x84: {  	[sflag:s22] =	ssyncset.done $0x0  }
0x85: {  	[sflag:s22] =	ssyncadd.s32 $0xFFFFC000  }
0x86: {  	[tilespmem:s16], [sflag:$0x2] =	stream.indirect.gather [hbm4b:s2+s13], $0x80, s23, s13, $0xb8;
	[tilespmem:$0x1C400] =	vst v63  }
0x87: {  	_ =	swait.ge [sflag:s17], $0x4000  }
0x88: {  	[sflag:s17] =	ssyncset.done $0x0  }
0x89: {  	[sflag:s17] =	ssyncadd.s32 $0xFFFFC000  }
0x8a: {  	[spmem:s3] =	stream.indirect.scatter.add.f32 [tilespmem:s16], [sflag:$0x4], $0x80, s24, s13, $0xb8;
	[tilespmem:$0x1C400] =	vst v63  }
0x8b: {  	_ =	swait.ge [sflag:s19], $0x4000  }
0x8c: {  	[sflag:s19] =	ssyncset.done $0x0  }
0x8d: {  	[sflag:s19] =	ssyncadd.s32 $0xFFFFC000  }
0x8e: {  	[tilespmem:s14], [sflag:$0x1] =	stream.indirect.gather [hbm4b:s2+s13], $0x80, s25, s13, $0xb8;
	[tilespmem:$0x1C400] =	vst v63  }
0x8f: {  	_ =	swait.ge [sflag:s15], $0x4000  }
0x90: {  	[sflag:s15] =	ssyncset.done $0x0  }
0x91: {  	[sflag:s15] =	ssyncadd.s32 $0xFFFFC000  }
0x92: {  	[spmem:s3] =	stream.indirect.scatter.add.f32 [tilespmem:s14], [sflag:$0x3], $0x80, s26, s13, $0xb8;
	[tilespmem:$0x1C400] =	vst v63  }
0x93: {  	_ =	swait.ge [sflag:s22], $0x4000  }
0x94: {  	[sflag:s22] =	ssyncset.done $0x0  }
0x95: {  	[sflag:s22] =	ssyncadd.s32 $0xFFFFC000  }
0x96: {  	[tilespmem:s16], [sflag:$0x2] =	stream.indirect.gather [hbm4b:s2+s13], $0x80, s28, s13, $0xb8;
	[tilespmem:$0x1C400] =	vst v63  }
0x97: {  	_ =	swait.ge [sflag:s17], $0x4000  }
0x98: {  	[sflag:s17] =	ssyncset.done $0x0  }
0x99: {  	[sflag:s17] =	ssyncadd.s32 $0xFFFFC000  }
0x9a: {  	[spmem:s3] =	stream.indirect.scatter.add.f32 [tilespmem:s16], [sflag:$0x4], $0x80, s29, s13, $0xb8;
	[tilespmem:$0x1C400] =	vst v63  }
0x9b: {  	_ =	swait.ge [sflag:s19], $0x4000  }
0x9c: {  	[sflag:s19] =	ssyncset.done $0x0  }
0x9d: {  	[sflag:s19] =	ssyncadd.s32 $0xFFFFC000  }
0x9e: {  	[tilespmem:s14], [sflag:$0x1] =	stream.indirect.gather [hbm4b:s2+s13], $0x80, s30, s13, $0xb8;
	[tilespmem:$0x1C400] =	vst v63  }
0x9f: {  	_ =	swait.ge [sflag:s15], $0x4000  }
0xa0: {  	[sflag:s15] =	ssyncset.done $0x0  }
0xa1: {  	[sflag:s15] =	ssyncadd.s32 $0xFFFFC000  }
0xa2: {  	[spmem:s3] =	stream.indirect.scatter.add.f32 [tilespmem:s14], [sflag:$0x3], $0x80, s31, s13, $0xb8;
	[tilespmem:$0x1C400] =	vst v63  }
0xa3: {  	_ =	swait.ge [sflag:s22], $0x4000  }
0xa4: {  	[sflag:s22] =	ssyncset.done $0x0  }
0xa5: {  	[sflag:s22] =	ssyncadd.s32 $0xFFFFC000  }
0xa6: {  	[tilespmem:s16], [sflag:$0x2] =	stream.indirect.gather [hbm4b:s2+s13], $0x80, s1, s13, $0xb8;
	[tilespmem:$0x1C400] =	vst v63  }
0xa7: {  	_ =	swait.ge [sflag:s17], $0x4000  }
0xa8: {  	[sflag:s17] =	ssyncset.done $0x0  }
0xa9: {  	p0 =	sne.s32 s7, $0x480;
	[sflag:s17] =	ssyncadd.s32 $0xFFFFC000  }
0xaa: {  	[spmem:s3] =	stream.indirect.scatter.add.f32 [tilespmem:s16], [sflag:$0x4], $0x80, s0, s13, $0xb8;
	[tilespmem:$0x1C400] =	vst v63  }
.Ltmp0:
0xab: {  	_ =	swait.ge [sflag:s19], $0x4000;
	(pc) =	sbr.rel @p0 .LBB2_2-.Ltmp0, $4  }
0xac: {  	[sflag:s19] =	ssyncset.done $0x0  }
0xad: {  	[sflag:s19] =	ssyncadd.s32 $0xFFFFC000  }
0xae: {  	_ =	swait.ge [sflag:s22], $0x4000  }
0xaf: {  	s7 =	sadd.s32 $0x80, s7;
	[sflag:s22] =	ssyncset.done $0x0  }
0xb0: {  	[sflag:s22] =	ssyncadd.s32 $0xFFFFC000  }
0xb1: {  	[bflag:$0x0] =	sbarrier.arrive $0xFFFF  }
0xb2: {  	s6 =	rddreg [dreg:$0x6]  }
0xb3: {  	s7 =	rddreg [dreg:$0x8]  }
0xb4: {  	[hbm:s6], [sflag:s10] =	dma.local [spmem:s7], $0x2780  }
0xb5: {  	_ =	swait.ge [sflag:s11], $0x2780  }
0xb6: {  	s8 =	smov.u32 s10;
	s5 =	sadd.s32 $0x1, s5;
	s10 =	rddreg [dreg:$0x7]  }
0xb7: {  	p0 =	sne.s32 s5, s10  }
.Ltmp1:
0xb8: {  	_ = 	snop;
	(pc) =	sbr.rel @p0 .LBB2_1-.Ltmp1, $3  }
0xb9: {  	_ =	sdelay $0x1  }
0xba: {  	[sflag:s11] =	ssyncset.done $0x0  }
0xbb: {  	[sflag:s11] =	ssyncadd.s32 $0xFFFFD880  }
0xbc: {  	_ =	sfence.sel $0x180000  }
0xbd: {  	[bflag:$0x0] =	sbarrier.arrive $0xFFFF  }
0xbe: {  	_ =	strace $0x90000047  }
0xbf: {  	s0 =	stileid.u32;
	[bflag:$0x2] =	sbarrier.arrive $0xFFFF  }
0xc0: {  	p0 =	sne.s32 s0, $0x0;
	s0 =	rddreg [dreg:$0x3]  }
0xc1: {  	s0 =	sadd.s32 @!p0 $0x100000, s0  }
0xc2: {  	[sflag:s0] =	ssyncadd.tile.s32 @!p0 $0x1;
	_ =	shalt  }
.Lfunc_end2:
_tile_overlayer_lowered:
.L_overlay_start_2:
0xc3: {  	(tag) =	ssettag $0x2  }
0xc4: {  	s0 =	rddreg [dreg:$0x0];
	s2 =	stileid.u32  }
0xc5: {  	s1 =	rddreg [dreg:$0x1];
	p0 =	sne.s32 s2, $0x0  }
0xc6: {  	s3 =	rddreg [dreg:$0x2];
	[bflag:$0x3] =	sbarrier.arrive $0xFFFF;
	s2 =	simm.s32 @!p0 $0x1C05  }
0xc7: {  	[timem:s3], [sflag:s2] =	dma.local @!p0 [hbm:s0], s1  }
0xc8: {  	s0 =	simm.s32 @!p0 $0x5  }
0xc9: {  	_ =	swait.ge @!p0 [sflag:s0], s1  }
0xca: {  	s1 =	ssub.s32 @!p0 $0x0, s1;
	[sflag:s0] =	ssyncset.done @!p0 $0x0  }
0xcb: {  	[sflag:s0] =	ssyncadd.s32 @!p0 s1  }
0xcc: {  	[bflag:$0x3] =	sbarrier.arrive $0xFFFF  }
0xcd: {  	_ =	shalt  }

</sc_bundles>
